<compile_context>
chip_gen: v7x
topology: tpu7x:2x2x1
jax: 0.10.2.dev20260603
libtpu: 0.0.44.dev20260713+nightly
codegen_flags: <defaults>
</compile_context>

<pallas_src>
import functools

import jax
import jax.numpy as jnp
from jax import lax
from jax.experimental import pallas as pl
from jax.experimental.pallas import tpu as pltpu
from jax.experimental.pallas import tpu_sc as plsc

_NUM_CLASS = 19
_MARGIN = 0.5
_FACTOR = 1.0

_NC = 2
_NS = 16
_NW = _NC * _NS
_L = 16

_C = 96
_H = 512
_W = 512
_RPW = _H // _NS
_PPW = _RPW * _W
_KPAD = 512
_ACCP = _C * _KPAD
_CNTP = 1024
_JV = _W // _L


_CG = 4
_NG = _C // _CG
_RH = _RPW // 2
_RQ = _RPW // 4


def _sc_body(feat_hbm, lab_hbm, psum_hbm, pcnt_hbm,
             lbuf, fb0, fb1, fb2, fb3, fb4, fb5, fb6, fb7, acc, cnt,
             sm0, sm1, sm2, sm3, sm4, sm5, sm6, sm7):
    wid = lax.axis_index("c") * _NS + lax.axis_index("s")
    b = wid // _NS
    h0 = (wid % _NS) * _RPW

    iota = lax.iota(jnp.int32, _L)
    ones = jnp.ones((_L,), jnp.float32)
    zeros = jnp.zeros((_L,), jnp.float32)

    pltpu.sync_copy(lab_hbm.at[pl.ds(b * _H + h0, _RPW), :], lbuf)

    def _feat_src(c, q):
        row = (b * _C + c) * _H + h0 + q * _RQ
        return feat_hbm.at[pl.ds(row, _RQ), :]

    quadA = ((fb0, sm0), (fb1, sm1), (fb2, sm2), (fb3, sm3))
    quadB = ((fb4, sm4), (fb5, sm5), (fb6, sm6), (fb7, sm7))

    for k, (fb, sm) in enumerate(quadA):
        pltpu.make_async_copy(_feat_src(k, 0), fb, sm).start()
    for k, (fb, sm) in enumerate(quadB):
        pltpu.make_async_copy(_feat_src(k, 1), fb, sm).start()

    @plsc.parallel_loop(0, _ACCP // _L, unroll=8)
    def _zacc(i):
        acc[pl.ds(i * _L, _L)] = zeros

    @plsc.parallel_loop(0, _CNTP // _L, unroll=4)
    def _zcnt(i):
        cnt[pl.ds(i * _L, _L)] = zeros

    @plsc.parallel_loop(0, _RPW, unroll=2)
    def _cbody(i):
        for j in range(_JV):
            lv = lbuf[i, pl.ds(j * _L, _L)]
            plsc.addupdate_scatter(cnt, [lv * _L + iota], ones)

    def _chan(a, carry):
        c0 = a * 4
        bases = [iota + (c0 + k) * _KPAD for k in range(4)]
        for q in range(4):
            quad = quadA if q % 2 == 0 else quadB
            for fb, sm in quad:
                pltpu.make_async_copy(_feat_src(0, 0), fb, sm).wait()
            hbase = q * _RQ

            @plsc.parallel_loop(0, _RQ * _JV, unroll=8)
            def _inner(t):
                i = t // _JV
                j = t % _JV
                lv = lbuf[hbase + i, pl.ds(j * _L, _L)] * _L
                for k, (fb, sm) in enumerate(quad):
                    v = fb[i, pl.ds(j * _L, _L)]
                    plsc.addupdate_scatter(acc, [lv + bases[k]], v)

            if q < 2:
                for k, (fb, sm) in enumerate(quad):
                    pltpu.make_async_copy(_feat_src(c0 + k, q + 2), fb, sm).start()
            else:
                @pl.when(a < _C // 4 - 1)
                def _prefetch():
                    for k, (fb, sm) in enumerate(quad):
                        pltpu.make_async_copy(
                            _feat_src(c0 + 4 + k, q - 2), fb, sm).start()
        return carry

    lax.fori_loop(0, _C // 4, _chan, 0)

    pltpu.sync_copy(acc, psum_hbm.at[pl.ds(wid * _ACCP, _ACCP)])
    pltpu.sync_copy(cnt, pcnt_hbm.at[pl.ds(wid * _CNTP, _CNTP)])


_sc_segsum = functools.partial(
    pl.kernel,
    out_type=(
        jax.ShapeDtypeStruct((_NW * _ACCP,), jnp.float32),
        jax.ShapeDtypeStruct((_NW * _CNTP,), jnp.float32),
    ),
    mesh=plsc.VectorSubcoreMesh(
        core_axis_name="c", subcore_axis_name="s",
        num_cores=_NC, num_subcores=_NS),
    compiler_params=pltpu.CompilerParams(
        needs_layout_passes=False, use_tc_tiling_on_sc=True),
    scratch_types=[
        pltpu.VMEM((_RPW, _W), jnp.int32),
        pltpu.VMEM((_RQ, _W), jnp.float32),
        pltpu.VMEM((_RQ, _W), jnp.float32),
        pltpu.VMEM((_RQ, _W), jnp.float32),
        pltpu.VMEM((_RQ, _W), jnp.float32),
        pltpu.VMEM((_RQ, _W), jnp.float32),
        pltpu.VMEM((_RQ, _W), jnp.float32),
        pltpu.VMEM((_RQ, _W), jnp.float32),
        pltpu.VMEM((_RQ, _W), jnp.float32),
        pltpu.VMEM((_ACCP,), jnp.float32),
        pltpu.VMEM((_CNTP,), jnp.float32),
        pltpu.SemaphoreType.DMA,
        pltpu.SemaphoreType.DMA,
        pltpu.SemaphoreType.DMA,
        pltpu.SemaphoreType.DMA,
        pltpu.SemaphoreType.DMA,
        pltpu.SemaphoreType.DMA,
        pltpu.SemaphoreType.DMA,
        pltpu.SemaphoreType.DMA,
    ],
)(_sc_body)


def _loss_body(psum_ref, pcnt_ref, out_ref):
    x = psum_ref[...].reshape(_NW, _ACCP // 128, 128)
    z = jnp.sum(x, axis=0)
    ii = lax.broadcasted_iota(jnp.int32, (128, 8), 0)
    jj = lax.broadcasted_iota(jnp.int32, (128, 8), 1)
    sel = jnp.where(ii // _L == jj, 1.0, 0.0)
    y = lax.dot_general(z, sel, (((1,), (0,)), ((), ())),
                        preferred_element_type=jnp.float32)
    ri = lax.broadcasted_iota(jnp.int32, (_C, 4 * _C), 0)
    rj = lax.broadcasted_iota(jnp.int32, (_C, 4 * _C), 1)
    parts = []
    for a in range(3):
        ga = jnp.where(rj == 4 * ri + a, 1.0, 0.0)
        parts.append(lax.dot_general(ga, y, (((1,), (0,)), ((), ())),
                                     preferred_element_type=jnp.float32))
    s = jnp.concatenate(parts, axis=1)[:, : _NUM_CLASS]
    c = jnp.sum(pcnt_ref[...].reshape(_NW, _CNTP // 128, 128), axis=0)
    w = lax.dot_general(c, sel, (((1,), (0,)), ((), ())),
                        preferred_element_type=jnp.float32)
    cnt = jnp.concatenate([w[0:1, :], w[1:2, :], w[2:3, :]],
                          axis=1)[:, : _NUM_CLASS]
    m = jnp.where(cnt > 0.0, s / jnp.maximum(cnt, 1.0), 0.0)
    n2 = jnp.sum(m * m, axis=0, keepdims=True)
    fn = m / jnp.maximum(jnp.sqrt(n2), 1e-12)
    g = lax.dot_general(fn, fn, (((0,), (0,)), ((), ())),
                        preferred_element_type=jnp.float32)
    d = 1.0 - g
    ii = lax.broadcasted_iota(jnp.int32, (_NUM_CLASS, _NUM_CLASS), 0)
    jj = lax.broadcasted_iota(jnp.int32, (_NUM_CLASS, _NUM_CLASS), 1)
    d = jnp.where(ii == jj, 2.0, d)
    presentf = jnp.where(cnt > 0.0, 1.0, 0.0)
    pair = lax.dot_general(presentf, presentf, (((0,), (0,)), ((), ())),
                           preferred_element_type=jnp.float32)
    vals = pair * jnp.maximum(_MARGIN - d, 0.0)
    n = jnp.sum(presentf)
    out_ref[...] = jnp.reshape(_FACTOR * jnp.sum(vals) / (n * n), (1, 1))


_loss_tc = pl.pallas_call(
    _loss_body,
    out_shape=jax.ShapeDtypeStruct((1, 1), jnp.float32),
)


def kernel(features, labels, prototypes):
    del prototypes
    feat2 = features.reshape(2 * _C * _H, _W)
    lab2 = labels.reshape(2 * _H, _W)
    psum, pcnt = _sc_segsum(feat2, lab2)
    loss = _loss_tc(psum.reshape(_NW * _ACCP // 128, 128),
                    pcnt.reshape(_NW * _CNTP // 128, 128))
    return loss[0, 0]

# --- scband reference (transcript-rebuilt; emitter-appended) ---
"""Pipeline reference for scband-feature-seperation-loss-53137335386661 (READ-ONLY COPY).

The authoritative reference and input builder live on the scoring server;
editing this copy changes nothing except your own understanding.
"""

import jax, jax.numpy as jnp
import numpy as np

NUM_CLASS = 19
FACTOR = 1.0
MARGIN = 0.5


def setup_inputs(seed: int = 0) -> dict:
    key = jax.random.key(seed)
    k1, k2, k3 = jax.random.split(key, 3)
    features = jax.random.normal(k1, (2, 96, 512, 512), dtype=jnp.float32)
    labels = jax.random.randint(k2, (2, 512, 512), 0, NUM_CLASS, dtype=jnp.int32)
    prototypes = jax.random.normal(k3, (NUM_CLASS, 96), dtype=jnp.float32)
    return {"features": features, "labels": labels, "prototypes": prototypes}


def _l2_normalize(x, eps=1e-12):
    norm = jnp.sqrt(jnp.sum(x * x, axis=1, keepdims=True))
    return x / jnp.maximum(norm, eps)


def reference(features, labels, prototypes):
    # prototypes is accepted (deep-copied in the torch code) but unused in the loss math
    b, c, h, w = features.shape
    # labels are already at (h, w); nearest-neighbor resize to (h, w) is the identity
    lab = labels.reshape(-1)
    feats = jnp.transpose(features, (0, 2, 3, 1)).reshape(-1, c)
    # per-class mean via segment reduction (equivalent to the per-class masked mean loop)
    sums = jax.ops.segment_sum(feats, lab, num_segments=NUM_CLASS)
    counts = jax.ops.segment_sum(jnp.ones((feats.shape[0],), dtype=feats.dtype), lab, num_segments=NUM_CLASS)
    features_local_mean = jnp.where(counts[:, None] > 0, sums / jnp.maximum(counts[:, None], 1.0), 0.0)
    present = counts > 0
    REF = _l2_normalize(features_local_mean)
    fn = _l2_normalize(features_local_mean)
    D = 1.0 - fn @ REF.T
    idx = jnp.arange(NUM_CLASS)
    D = D.at[idx, idx].set(2.0)
    pair_mask = present[:, None] & present[None, :]
    vals = jnp.where(pair_mask, jnp.maximum(MARGIN - D, 0.0), 0.0)
    n = jnp.sum(present.astype(feats.dtype))
    loss = jnp.sum(vals) / (n * n)
    return FACTOR * loss

if __name__ == "__main__":
    import jax
    _d = setup_inputs()
    print(jax.jit(kernel)(*tuple(_d.values())))

</pallas_src>

<mosaic_0001>
#map = affine_map<(d0, d1) -> (0, 0)>
#map1 = affine_map<(d0, d1) -> (0)>
module attributes {stable_mosaic.version = 14 : i64} {
  func.func @_sc_body(%arg0: i32, %arg1: i32, %arg2: memref<98304x512xf32, #tpu.memory_space<hbm>>, %arg3: memref<1024x512xi32, #tpu.memory_space<hbm>>, %arg4: memref<1572864xf32, #tpu.memory_space<hbm>>, %arg5: memref<32768xf32, #tpu.memory_space<hbm>>, %arg6: memref<32x512xi32, #tpu.memory_space<vmem>>, %arg7: memref<8x512xf32, #tpu.memory_space<vmem>>, %arg8: memref<8x512xf32, #tpu.memory_space<vmem>>, %arg9: memref<8x512xf32, #tpu.memory_space<vmem>>, %arg10: memref<8x512xf32, #tpu.memory_space<vmem>>, %arg11: memref<8x512xf32, #tpu.memory_space<vmem>>, %arg12: memref<8x512xf32, #tpu.memory_space<vmem>>, %arg13: memref<8x512xf32, #tpu.memory_space<vmem>>, %arg14: memref<8x512xf32, #tpu.memory_space<vmem>>, %arg15: memref<49152xf32, #tpu.memory_space<vmem>>, %arg16: memref<1024xf32, #tpu.memory_space<vmem>>, %arg17: memref<!tpu.dma_semaphore, #tpu.memory_space<semaphore_mem>>, %arg18: memref<!tpu.dma_semaphore, #tpu.memory_space<semaphore_mem>>, %arg19: memref<!tpu.dma_semaphore, #tpu.memory_space<semaphore_mem>>, %arg20: memref<!tpu.dma_semaphore, #tpu.memory_space<semaphore_mem>>, %arg21: memref<!tpu.dma_semaphore, #tpu.memory_space<semaphore_mem>>, %arg22: memref<!tpu.dma_semaphore, #tpu.memory_space<semaphore_mem>>, %arg23: memref<!tpu.dma_semaphore, #tpu.memory_space<semaphore_mem>>, %arg24: memref<!tpu.dma_semaphore, #tpu.memory_space<semaphore_mem>>) attributes {dimension_semantics = [#tpu.dimension_semantics<core_parallel>, #tpu.dimension_semantics<subcore_parallel>], iteration_bounds = array<i64: 2, 16>, scalar_prefetch = 0 : i64, scratch_operands = 19 : i64, tpu.core_type = #tpu.core_type<sc_vector_subcore>, window_params = [{transform_indices = #map}, {transform_indices = #map}, {transform_indices = #map1}, {transform_indices = #map1}]} {
    %mul3A = arith.constant 16 : i32
    %mul3A_0 = arith.muli %arg0, %mul3A : i32
    %add3A = arith.addi %mul3A_0, %arg1 : i32
    %jit3A = arith.constant 16 : i32
    %div3A = arith.divsi %add3A, %jit3A : i32
    %sign3A = arith.constant 0 : i32
    %sign3A_1 = arith.cmpi sgt, %add3A, %sign3A : i32
    %sign3A_2 = arith.extui %sign3A_1 : i1 to i32
    %sign3A_3 = arith.constant 0 : i32
    %sign3A_4 = arith.cmpi slt, %add3A, %sign3A_3 : i32
    %sign3A_5 = arith.extui %sign3A_4 : i1 to i32
    %sign3A_6 = arith.subi %sign3A_2, %sign3A_5 : i32
    %sign3A_7 = arith.constant 0 : i32
    %sign3A_8 = arith.cmpi sgt, %jit3A, %sign3A_7 : i32
    %sign3A_9 = arith.extui %sign3A_8 : i1 to i32
    %sign3A_10 = arith.constant 0 : i32
    %sign3A_11 = arith.cmpi slt, %jit3A, %sign3A_10 : i32
    %sign3A_12 = arith.extui %sign3A_11 : i1 to i32
    %sign3A_13 = arith.subi %sign3A_9, %sign3A_12 : i32
    %ne3A = arith.cmpi ne, %sign3A_6, %sign3A_13 : i32
    %rem3A = arith.remsi %add3A, %jit3A : i32
    %ne3A_14 = arith.constant 0 : i32
    %ne3A_15 = arith.cmpi ne, %rem3A, %ne3A_14 : i32
    %and3A = arith.andi %ne3A, %ne3A_15 : i1
    %sub3A = arith.constant 1 : i32
    %sub3A_16 = arith.subi %div3A, %sub3A : i32
    %select_n3A = arith.select %and3A, %sub3A_16, %div3A : i32
    %jit3A_17 = arith.constant 16 : i32
    %eq3A = arith.constant 0 : i32
    %eq3A_18 = arith.cmpi eq, %jit3A_17, %eq3A : i32
    %jit3A_19 = arith.constant 1 : i32
    %select_n3A_20 = arith.select %eq3A_18, %jit3A_19, %jit3A_17 : i32
    %rem3A_21 = arith.remsi %add3A, %select_n3A_20 : i32
    %ne3A_22 = arith.constant 0 : i32
    %ne3A_23 = arith.cmpi ne, %rem3A_21, %ne3A_22 : i32
    %lt3A = arith.constant 0 : i32
    %lt3A_24 = arith.cmpi slt, %rem3A_21, %lt3A : i32
    %lt3A_25 = arith.constant 0 : i32
    %lt3A_26 = arith.cmpi slt, %select_n3A_20, %lt3A_25 : i32
    %ne3A_27 = arith.xori %lt3A_24, %lt3A_26 : i1
    %and3A_28 = arith.andi %ne3A_27, %ne3A_23 : i1
    %add3A_29 = arith.addi %rem3A_21, %select_n3A_20 : i32
    %select_n3A_30 = arith.select %and3A_28, %add3A_29, %rem3A_21 : i32
    %mul3A_31 = arith.constant 32 : i32
    %mul3A_32 = arith.muli %select_n3A_30, %mul3A_31 : i32
    %iota3A = tpu.iota {dimensions = array<i32: 0>} : vector<16xi32>
    %broadcast_in_dim3A = arith.constant 1.000000e+00 : f32
    %broadcast_in_dim3A_33 = vector.broadcast %broadcast_in_dim3A : f32 to vector<16xf32>
    %broadcast_in_dim3A_34 = arith.constant 0.000000e+00 : f32
    %broadcast_in_dim3A_35 = vector.broadcast %broadcast_in_dim3A_34 : f32 to vector<16xf32>
    %mul3A_36 = arith.constant 512 : i32
    %mul3A_37 = arith.muli %select_n3A, %mul3A_36 : i32
    %add3A_38 = arith.addi %mul3A_37, %mul3A_32 : i32
    "tpu.region"() ({
      %run_scoped3A = tpu.sem_alloc : memref<!tpu.dma_semaphore, #tpu.memory_space<semaphore_mem>>
      %dma_start3A_159 = arith.constant 0 : i32
      %dma_start3A_160 = tpu.memref_slice %arg3[%add3A_38, %dma_start3A_159] : memref<1024x512xi32, #tpu.memory_space<hbm>> -> memref<32x512xi32, #tpu.memory_space<hbm>>
      %dma_start3A_161 = arith.constant 0 : i32
      %dma_start3A_162 = tpu.memref_slice %arg3[%add3A_38, %dma_start3A_161] : memref<1024x512xi32, #tpu.memory_space<hbm>> -> memref<32x512xi32, #tpu.memory_space<hbm>>
      tpu.enqueue_dma source(%dma_start3A_162 : memref<32x512xi32, #tpu.memory_space<hbm>>) target(%arg6 : memref<32x512xi32, #tpu.memory_space<vmem>>) target_semaphore(%run_scoped3A : memref<!tpu.dma_semaphore, #tpu.memory_space<semaphore_mem>>)
      %dma_wait3A = arith.constant 0 : i32
      %dma_wait3A_163 = tpu.memref_slice %arg3[%add3A_38, %dma_wait3A] : memref<1024x512xi32, #tpu.memory_space<hbm>> -> memref<32x512xi32, #tpu.memory_space<hbm>>
      %dma_wait3A_164 = arith.constant 0 : i32
      %dma_wait3A_165 = tpu.memref_slice %arg3[%add3A_38, %dma_wait3A_164] : memref<1024x512xi32, #tpu.memory_space<hbm>> -> memref<32x512xi32, #tpu.memory_space<hbm>>
      tpu.wait_dma2 semaphore(%run_scoped3A : memref<!tpu.dma_semaphore, #tpu.memory_space<semaphore_mem>>) src(%dma_wait3A_165 : memref<32x512xi32, #tpu.memory_space<hbm>>) dst(%arg6 : memref<32x512xi32, #tpu.memory_space<vmem>>)
      tpu.yield
    }) : () -> ()
    %mul3A_39 = arith.constant 96 : i32
    %mul3A_40 = arith.muli %select_n3A, %mul3A_39 : i32
    %add3A_41 = arith.constant 0 : i32
    %add3A_42 = arith.addi %mul3A_40, %add3A_41 : i32
    %mul3A_43 = arith.constant 512 : i32
    %mul3A_44 = arith.muli %add3A_42, %mul3A_43 : i32
    %add3A_45 = arith.addi %mul3A_44, %mul3A_32 : i32
    %add3A_46 = arith.constant 0 : i32
    %add3A_47 = arith.addi %add3A_45, %add3A_46 : i32
    %dma_start3A = arith.constant 0 : i32
    %dma_start3A_48 = tpu.memref_slice %arg2[%add3A_47, %dma_start3A] : memref<98304x512xf32, #tpu.memory_space<hbm>> -> memref<8x512xf32, #tpu.memory_space<hbm>>
    %dma_start3A_49 = arith.constant 0 : i32
    %dma_start3A_50 = tpu.memref_slice %arg2[%add3A_47, %dma_start3A_49] : memref<98304x512xf32, #tpu.memory_space<hbm>> -> memref<8x512xf32, #tpu.memory_space<hbm>>
    tpu.enqueue_dma source(%dma_start3A_50 : memref<8x512xf32, #tpu.memory_space<hbm>>) target(%arg7 : memref<8x512xf32, #tpu.memory_space<vmem>>) target_semaphore(%arg17 : memref<!tpu.dma_semaphore, #tpu.memory_space<semaphore_mem>>)
    %mul3A_51 = arith.constant 96 : i32
    %mul3A_52 = arith.muli %select_n3A, %mul3A_51 : i32
    %add3A_53 = arith.constant 1 : i32
    %add3A_54 = arith.addi %mul3A_52, %add3A_53 : i32
    %mul3A_55 = arith.constant 512 : i32
    %mul3A_56 = arith.muli %add3A_54, %mul3A_55 : i32
    %add3A_57 = arith.addi %mul3A_56, %mul3A_32 : i32
    %add3A_58 = arith.constant 0 : i32
    %add3A_59 = arith.addi %add3A_57, %add3A_58 : i32
    %dma_start3A_60 = arith.constant 0 : i32
    %dma_start3A_61 = tpu.memref_slice %arg2[%add3A_59, %dma_start3A_60] : memref<98304x512xf32, #tpu.memory_space<hbm>> -> memref<8x512xf32, #tpu.memory_space<hbm>>
    %dma_start3A_62 = arith.constant 0 : i32
    %dma_start3A_63 = tpu.memref_slice %arg2[%add3A_59, %dma_start3A_62] : memref<98304x512xf32, #tpu.memory_space<hbm>> -> memref<8x512xf32, #tpu.memory_space<hbm>>
    tpu.enqueue_dma source(%dma_start3A_63 : memref<8x512xf32, #tpu.memory_space<hbm>>) target(%arg8 : memref<8x512xf32, #tpu.memory_space<vmem>>) target_semaphore(%arg18 : memref<!tpu.dma_semaphore, #tpu.memory_space<semaphore_mem>>)
    %mul3A_64 = arith.constant 96 : i32
    %mul3A_65 = arith.muli %select_n3A, %mul3A_64 : i32
    %add3A_66 = arith.constant 2 : i32
    %add3A_67 = arith.addi %mul3A_65, %add3A_66 : i32
    %mul3A_68 = arith.constant 512 : i32
    %mul3A_69 = arith.muli %add3A_67, %mul3A_68 : i32
    %add3A_70 = arith.addi %mul3A_69, %mul3A_32 : i32
    %add3A_71 = arith.constant 0 : i32
    %add3A_72 = arith.addi %add3A_70, %add3A_71 : i32
    %dma_start3A_73 = arith.constant 0 : i32
    %dma_start3A_74 = tpu.memref_slice %arg2[%add3A_72, %dma_start3A_73] : memref<98304x512xf32, #tpu.memory_space<hbm>> -> memref<8x512xf32, #tpu.memory_space<hbm>>
    %dma_start3A_75 = arith.constant 0 : i32
    %dma_start3A_76 = tpu.memref_slice %arg2[%add3A_72, %dma_start3A_75] : memref<98304x512xf32, #tpu.memory_space<hbm>> -> memref<8x512xf32, #tpu.memory_space<hbm>>
    tpu.enqueue_dma source(%dma_start3A_76 : memref<8x512xf32, #tpu.memory_space<hbm>>) target(%arg9 : memref<8x512xf32, #tpu.memory_space<vmem>>) target_semaphore(%arg19 : memref<!tpu.dma_semaphore, #tpu.memory_space<semaphore_mem>>)
    %mul3A_77 = arith.constant 96 : i32
    %mul3A_78 = arith.muli %select_n3A, %mul3A_77 : i32
    %add3A_79 = arith.constant 3 : i32
    %add3A_80 = arith.addi %mul3A_78, %add3A_79 : i32
    %mul3A_81 = arith.constant 512 : i32
    %mul3A_82 = arith.muli %add3A_80, %mul3A_81 : i32
    %add3A_83 = arith.addi %mul3A_82, %mul3A_32 : i32
    %add3A_84 = arith.constant 0 : i32
    %add3A_85 = arith.addi %add3A_83, %add3A_84 : i32
    %dma_start3A_86 = arith.constant 0 : i32
    %dma_start3A_87 = tpu.memref_slice %arg2[%add3A_85, %dma_start3A_86] : memref<98304x512xf32, #tpu.memory_space<hbm>> -> memref<8x512xf32, #tpu.memory_space<hbm>>
    %dma_start3A_88 = arith.constant 0 : i32
    %dma_start3A_89 = tpu.memref_slice %arg2[%add3A_85, %dma_start3A_88] : memref<98304x512xf32, #tpu.memory_space<hbm>> -> memref<8x512xf32, #tpu.memory_space<hbm>>
    tpu.enqueue_dma source(%dma_start3A_89 : memref<8x512xf32, #tpu.memory_space<hbm>>) target(%arg10 : memref<8x512xf32, #tpu.memory_space<vmem>>) target_semaphore(%arg20 : memref<!tpu.dma_semaphore, #tpu.memory_space<semaphore_mem>>)
    %mul3A_90 = arith.constant 96 : i32
    %mul3A_91 = arith.muli %select_n3A, %mul3A_90 : i32
    %add3A_92 = arith.constant 0 : i32
    %add3A_93 = arith.addi %mul3A_91, %add3A_92 : i32
    %mul3A_94 = arith.constant 512 : i32
    %mul3A_95 = arith.muli %add3A_93, %mul3A_94 : i32
    %add3A_96 = arith.addi %mul3A_95, %mul3A_32 : i32
    %add3A_97 = arith.constant 8 : i32
    %add3A_98 = arith.addi %add3A_96, %add3A_97 : i32
    %dma_start3A_99 = arith.constant 0 : i32
    %dma_start3A_100 = tpu.memref_slice %arg2[%add3A_98, %dma_start3A_99] : memref<98304x512xf32, #tpu.memory_space<hbm>> -> memref<8x512xf32, #tpu.memory_space<hbm>>
    %dma_start3A_101 = arith.constant 0 : i32
    %dma_start3A_102 = tpu.memref_slice %arg2[%add3A_98, %dma_start3A_101] : memref<98304x512xf32, #tpu.memory_space<hbm>> -> memref<8x512xf32, #tpu.memory_space<hbm>>
    tpu.enqueue_dma source(%dma_start3A_102 : memref<8x512xf32, #tpu.memory_space<hbm>>) target(%arg11 : memref<8x512xf32, #tpu.memory_space<vmem>>) target_semaphore(%arg21 : memref<!tpu.dma_semaphore, #tpu.memory_space<semaphore_mem>>)
    %mul3A_103 = arith.constant 96 : i32
    %mul3A_104 = arith.muli %select_n3A, %mul3A_103 : i32
    %add3A_105 = arith.constant 1 : i32
    %add3A_106 = arith.addi %mul3A_104, %add3A_105 : i32
    %mul3A_107 = arith.constant 512 : i32
    %mul3A_108 = arith.muli %add3A_106, %mul3A_107 : i32
    %add3A_109 = arith.addi %mul3A_108, %mul3A_32 : i32
    %add3A_110 = arith.constant 8 : i32
    %add3A_111 = arith.addi %add3A_109, %add3A_110 : i32
    %dma_start3A_112 = arith.constant 0 : i32
    %dma_start3A_113 = tpu.memref_slice %arg2[%add3A_111, %dma_start3A_112] : memref<98304x512xf32, #tpu.memory_space<hbm>> -> memref<8x512xf32, #tpu.memory_space<hbm>>
    %dma_start3A_114 = arith.constant 0 : i32
    %dma_start3A_115 = tpu.memref_slice %arg2[%add3A_111, %dma_start3A_114] : memref<98304x512xf32, #tpu.memory_space<hbm>> -> memref<8x512xf32, #tpu.memory_space<hbm>>
    tpu.enqueue_dma source(%dma_start3A_115 : memref<8x512xf32, #tpu.memory_space<hbm>>) target(%arg12 : memref<8x512xf32, #tpu.memory_space<vmem>>) target_semaphore(%arg22 : memref<!tpu.dma_semaphore, #tpu.memory_space<semaphore_mem>>)
    %mul3A_116 = arith.constant 96 : i32
    %mul3A_117 = arith.muli %select_n3A, %mul3A_116 : i32
    %add3A_118 = arith.constant 2 : i32
    %add3A_119 = arith.addi %mul3A_117, %add3A_118 : i32
    %mul3A_120 = arith.constant 512 : i32
    %mul3A_121 = arith.muli %add3A_119, %mul3A_120 : i32
    %add3A_122 = arith.addi %mul3A_121, %mul3A_32 : i32
    %add3A_123 = arith.constant 8 : i32
    %add3A_124 = arith.addi %add3A_122, %add3A_123 : i32
    %dma_start3A_125 = arith.constant 0 : i32
    %dma_start3A_126 = tpu.memref_slice %arg2[%add3A_124, %dma_start3A_125] : memref<98304x512xf32, #tpu.memory_space<hbm>> -> memref<8x512xf32, #tpu.memory_space<hbm>>
    %dma_start3A_127 = arith.constant 0 : i32
    %dma_start3A_128 = tpu.memref_slice %arg2[%add3A_124, %dma_start3A_127] : memref<98304x512xf32, #tpu.memory_space<hbm>> -> memref<8x512xf32, #tpu.memory_space<hbm>>
    tpu.enqueue_dma source(%dma_start3A_128 : memref<8x512xf32, #tpu.memory_space<hbm>>) target(%arg13 : memref<8x512xf32, #tpu.memory_space<vmem>>) target_semaphore(%arg23 : memref<!tpu.dma_semaphore, #tpu.memory_space<semaphore_mem>>)
    %mul3A_129 = arith.constant 96 : i32
    %mul3A_130 = arith.muli %select_n3A, %mul3A_129 : i32
    %add3A_131 = arith.constant 3 : i32
    %add3A_132 = arith.addi %mul3A_130, %add3A_131 : i32
    %mul3A_133 = arith.constant 512 : i32
    %mul3A_134 = arith.muli %add3A_132, %mul3A_133 : i32
    %add3A_135 = arith.addi %mul3A_134, %mul3A_32 : i32
    %add3A_136 = arith.constant 8 : i32
    %add3A_137 = arith.addi %add3A_135, %add3A_136 : i32
    %dma_start3A_138 = arith.constant 0 : i32
    %dma_start3A_139 = tpu.memref_slice %arg2[%add3A_137, %dma_start3A_138] : memref<98304x512xf32, #tpu.memory_space<hbm>> -> memref<8x512xf32, #tpu.memory_space<hbm>>
    %dma_start3A_140 = arith.constant 0 : i32
    %dma_start3A_141 = tpu.memref_slice %arg2[%add3A_137, %dma_start3A_140] : memref<98304x512xf32, #tpu.memory_space<hbm>> -> memref<8x512xf32, #tpu.memory_space<hbm>>
    tpu.enqueue_dma source(%dma_start3A_141 : memref<8x512xf32, #tpu.memory_space<hbm>>) target(%arg14 : memref<8x512xf32, #tpu.memory_space<vmem>>) target_semaphore(%arg24 : memref<!tpu.dma_semaphore, #tpu.memory_space<semaphore_mem>>)
    %parallel_loop3A = arith.constant 0 : i32
    %parallel_loop3A_142 = arith.constant 3072 : i32
    %parallel_loop3A_143 = arith.constant 1 : i32
    scf.for %parallel_loop3A_159 = %parallel_loop3A to %parallel_loop3A_142 step %parallel_loop3A_143  : i32 {
      %parallel_loop3A_160 = arith.constant 16 : i32
      %parallel_loop3A_161 = arith.muli %parallel_loop3A_159, %parallel_loop3A_160 : i32
      %parallel_loop3A_162 = arith.index_cast %parallel_loop3A_161 : i32 to index
      %parallel_loop3A_163 = tpu.vector_load %arg15[%parallel_loop3A_162] {strides = array<i32>} : memref<49152xf32, #tpu.memory_space<vmem>>, vector<16xf32>,
      tpu.vector_store %arg15[%parallel_loop3A_162], %broadcast_in_dim3A_35 {strides = array<i32>} : memref<49152xf32, #tpu.memory_space<vmem>>, vector<16xf32>,
    } {sc.loop_unroll_factor = 8 : i64, sc.parallel_access}
    %parallel_loop3A_144 = arith.constant 0 : i32
    %parallel_loop3A_145 = arith.constant 64 : i32
    %parallel_loop3A_146 = arith.constant 1 : i32
    scf.for %parallel_loop3A_159 = %parallel_loop3A_144 to %parallel_loop3A_145 step %parallel_loop3A_146  : i32 {
      %parallel_loop3A_160 = arith.constant 16 : i32
      %parallel_loop3A_161 = arith.muli %parallel_loop3A_159, %parallel_loop3A_160 : i32
      %parallel_loop3A_162 = arith.index_cast %parallel_loop3A_161 : i32 to index
      %parallel_loop3A_163 = tpu.vector_load %arg16[%parallel_loop3A_162] {strides = array<i32>} : memref<1024xf32, #tpu.memory_space<vmem>>, vector<16xf32>,
      tpu.vector_store %arg16[%parallel_loop3A_162], %broadcast_in_dim3A_35 {strides = array<i32>} : memref<1024xf32, #tpu.memory_space<vmem>>, vector<16xf32>,
    } {sc.loop_unroll_factor = 4 : i64, sc.parallel_access}
    %parallel_loop3A_147 = arith.constant 0 : i32
    %parallel_loop3A_148 = arith.constant 32 : i32
    %parallel_loop3A_149 = arith.constant 1 : i32
    scf.for %parallel_loop3A_159 = %parallel_loop3A_147 to %parallel_loop3A_148 step %parallel_loop3A_149  : i32 {
      %parallel_loop3A_160 = arith.index_cast %parallel_loop3A_159 : i32 to index
      %parallel_loop3A_161 = arith.constant 0 : index
      %parallel_loop3A_162 = tpu.vector_load %arg6[%parallel_loop3A_160, %parallel_loop3A_161] {strides = array<i32>} : memref<32x512xi32, #tpu.memory_space<vmem>>, vector<16xi32>,
      %parallel_loop3A_163 = arith.constant 16 : i32
      %parallel_loop3A_164 = vector.broadcast %parallel_loop3A_163 : i32 to vector<16xi32>
      %parallel_loop3A_165 = arith.muli %parallel_loop3A_162, %parallel_loop3A_164 : vector<16xi32>
      %parallel_loop3A_166 = arith.addi %parallel_loop3A_165, %iota3A : vector<16xi32>
      tpu.vector_store_idx %arg16[%parallel_loop3A_166], %broadcast_in_dim3A_33 {add = true} : memref<1024xf32, #tpu.memory_space<vmem>>[vector<16xi32>], vector<16xf32>,
      %parallel_loop3A_167 = arith.index_cast %parallel_loop3A_159 : i32 to index
      %parallel_loop3A_168 = arith.constant 16 : index
      %parallel_loop3A_169 = tpu.vector_load %arg6[%parallel_loop3A_167, %parallel_loop3A_168] {strides = array<i32>} : memref<32x512xi32, #tpu.memory_space<vmem>>, vector<16xi32>,
      %parallel_loop3A_170 = arith.constant 16 : i32
      %parallel_loop3A_171 = vector.broadcast %parallel_loop3A_170 : i32 to vector<16xi32>
      %parallel_loop3A_172 = arith.muli %parallel_loop3A_169, %parallel_loop3A_171 : vector<16xi32>
      %parallel_loop3A_173 = arith.addi %parallel_loop3A_172, %iota3A : vector<16xi32>
      tpu.vector_store_idx %arg16[%parallel_loop3A_173], %broadcast_in_dim3A_33 {add = true} : memref<1024xf32, #tpu.memory_space<vmem>>[vector<16xi32>], vector<16xf32>,
      %parallel_loop3A_174 = arith.index_cast %parallel_loop3A_159 : i32 to index
      %parallel_loop3A_175 = arith.constant 32 : index
      %parallel_loop3A_176 = tpu.vector_load %arg6[%parallel_loop3A_174, %parallel_loop3A_175] {strides = array<i32>} : memref<32x512xi32, #tpu.memory_space<vmem>>, vector<16xi32>,
      %parallel_loop3A_177 = arith.constant 16 : i32
      %parallel_loop3A_178 = vector.broadcast %parallel_loop3A_177 : i32 to vector<16xi32>
      %parallel_loop3A_179 = arith.muli %parallel_loop3A_176, %parallel_loop3A_178 : vector<16xi32>
      %parallel_loop3A_180 = arith.addi %parallel_loop3A_179, %iota3A : vector<16xi32>
      tpu.vector_store_idx %arg16[%parallel_loop3A_180], %broadcast_in_dim3A_33 {add = true} : memref<1024xf32, #tpu.memory_space<vmem>>[vector<16xi32>], vector<16xf32>,
      %parallel_loop3A_181 = arith.index_cast %parallel_loop3A_159 : i32 to index
      %parallel_loop3A_182 = arith.constant 48 : index
      %parallel_loop3A_183 = tpu.vector_load %arg6[%parallel_loop3A_181, %parallel_loop3A_182] {strides = array<i32>} : memref<32x512xi32, #tpu.memory_space<vmem>>, vector<16xi32>,
      %parallel_loop3A_184 = arith.constant 16 : i32
      %parallel_loop3A_185 = vector.broadcast %parallel_loop3A_184 : i32 to vector<16xi32>
      %parallel_loop3A_186 = arith.muli %parallel_loop3A_183, %parallel_loop3A_185 : vector<16xi32>
      %parallel_loop3A_187 = arith.addi %parallel_loop3A_186, %iota3A : vector<16xi32>
      tpu.vector_store_idx %arg16[%parallel_loop3A_187], %broadcast_in_dim3A_33 {add = true} : memref<1024xf32, #tpu.memory_space<vmem>>[vector<16xi32>], vector<16xf32>,
      %parallel_loop3A_188 = arith.index_cast %parallel_loop3A_159 : i32 to index
      %parallel_loop3A_189 = arith.constant 64 : index
      %parallel_loop3A_190 = tpu.vector_load %arg6[%parallel_loop3A_188, %parallel_loop3A_189] {strides = array<i32>} : memref<32x512xi32, #tpu.memory_space<vmem>>, vector<16xi32>,
      %parallel_loop3A_191 = arith.constant 16 : i32
      %parallel_loop3A_192 = vector.broadcast %parallel_loop3A_191 : i32 to vector<16xi32>
      %parallel_loop3A_193 = arith.muli %parallel_loop3A_190, %parallel_loop3A_192 : vector<16xi32>
      %parallel_loop3A_194 = arith.addi %parallel_loop3A_193, %iota3A : vector<16xi32>
      tpu.vector_store_idx %arg16[%parallel_loop3A_194], %broadcast_in_dim3A_33 {add = true} : memref<1024xf32, #tpu.memory_space<vmem>>[vector<16xi32>], vector<16xf32>,
      %parallel_loop3A_195 = arith.index_cast %parallel_loop3A_159 : i32 to index
      %parallel_loop3A_196 = arith.constant 80 : index
      %parallel_loop3A_197 = tpu.vector_load %arg6[%parallel_loop3A_195, %parallel_loop3A_196] {strides = array<i32>} : memref<32x512xi32, #tpu.memory_space<vmem>>, vector<16xi32>,
      %parallel_loop3A_198 = arith.constant 16 : i32
      %parallel_loop3A_199 = vector.broadcast %parallel_loop3A_198 : i32 to vector<16xi32>
      %parallel_loop3A_200 = arith.muli %parallel_loop3A_197, %parallel_loop3A_199 : vector<16xi32>
      %parallel_loop3A_201 = arith.addi %parallel_loop3A_200, %iota3A : vector<16xi32>
      tpu.vector_store_idx %arg16[%parallel_loop3A_201], %broadcast_in_dim3A_33 {add = true} : memref<1024xf32, #tpu.memory_space<vmem>>[vector<16xi32>], vector<16xf32>,
      %parallel_loop3A_202 = arith.index_cast %parallel_loop3A_159 : i32 to index
      %parallel_loop3A_203 = arith.constant 96 : index
      %parallel_loop3A_204 = tpu.vector_load %arg6[%parallel_loop3A_202, %parallel_loop3A_203] {strides = array<i32>} : memref<32x512xi32, #tpu.memory_space<vmem>>, vector<16xi32>,
      %parallel_loop3A_205 = arith.constant 16 : i32
      %parallel_loop3A_206 = vector.broadcast %parallel_loop3A_205 : i32 to vector<16xi32>
      %parallel_loop3A_207 = arith.muli %parallel_loop3A_204, %parallel_loop3A_206 : vector<16xi32>
      %parallel_loop3A_208 = arith.addi %parallel_loop3A_207, %iota3A : vector<16xi32>
      tpu.vector_store_idx %arg16[%parallel_loop3A_208], %broadcast_in_dim3A_33 {add = true} : memref<1024xf32, #tpu.memory_space<vmem>>[vector<16xi32>], vector<16xf32>,
      %parallel_loop3A_209 = arith.index_cast %parallel_loop3A_159 : i32 to index
      %parallel_loop3A_210 = arith.constant 112 : index
      %parallel_loop3A_211 = tpu.vector_load %arg6[%parallel_loop3A_209, %parallel_loop3A_210] {strides = array<i32>} : memref<32x512xi32, #tpu.memory_space<vmem>>, vector<16xi32>,
      %parallel_loop3A_212 = arith.constant 16 : i32
      %parallel_loop3A_213 = vector.broadcast %parallel_loop3A_212 : i32 to vector<16xi32>
      %parallel_loop3A_214 = arith.muli %parallel_loop3A_211, %parallel_loop3A_213 : vector<16xi32>
      %parallel_loop3A_215 = arith.addi %parallel_loop3A_214, %iota3A : vector<16xi32>
      tpu.vector_store_idx %arg16[%parallel_loop3A_215], %broadcast_in_dim3A_33 {add = true} : memref<1024xf32, #tpu.memory_space<vmem>>[vector<16xi32>], vector<16xf32>,
      %parallel_loop3A_216 = arith.index_cast %parallel_loop3A_159 : i32 to index
      %parallel_loop3A_217 = arith.constant 128 : index
      %parallel_loop3A_218 = tpu.vector_load %arg6[%parallel_loop3A_216, %parallel_loop3A_217] {strides = array<i32>} : memref<32x512xi32, #tpu.memory_space<vmem>>, vector<16xi32>,
      %parallel_loop3A_219 = arith.constant 16 : i32
      %parallel_loop3A_220 = vector.broadcast %parallel_loop3A_219 : i32 to vector<16xi32>
      %parallel_loop3A_221 = arith.muli %parallel_loop3A_218, %parallel_loop3A_220 : vector<16xi32>
      %parallel_loop3A_222 = arith.addi %parallel_loop3A_221, %iota3A : vector<16xi32>
      tpu.vector_store_idx %arg16[%parallel_loop3A_222], %broadcast_in_dim3A_33 {add = true} : memref<1024xf32, #tpu.memory_space<vmem>>[vector<16xi32>], vector<16xf32>,
      %parallel_loop3A_223 = arith.index_cast %parallel_loop3A_159 : i32 to index
      %parallel_loop3A_224 = arith.constant 144 : index
      %parallel_loop3A_225 = tpu.vector_load %arg6[%parallel_loop3A_223, %parallel_loop3A_224] {strides = array<i32>} : memref<32x512xi32, #tpu.memory_space<vmem>>, vector<16xi32>,
      %parallel_loop3A_226 = arith.constant 16 : i32
      %parallel_loop3A_227 = vector.broadcast %parallel_loop3A_226 : i32 to vector<16xi32>
      %parallel_loop3A_228 = arith.muli %parallel_loop3A_225, %parallel_loop3A_227 : vector<16xi32>
      %parallel_loop3A_229 = arith.addi %parallel_loop3A_228, %iota3A : vector<16xi32>
      tpu.vector_store_idx %arg16[%parallel_loop3A_229], %broadcast_in_dim3A_33 {add = true} : memref<1024xf32, #tpu.memory_space<vmem>>[vector<16xi32>], vector<16xf32>,
      %parallel_loop3A_230 = arith.index_cast %parallel_loop3A_159 : i32 to index
      %parallel_loop3A_231 = arith.constant 160 : index
      %parallel_loop3A_232 = tpu.vector_load %arg6[%parallel_loop3A_230, %parallel_loop3A_231] {strides = array<i32>} : memref<32x512xi32, #tpu.memory_space<vmem>>, vector<16xi32>,
      %parallel_loop3A_233 = arith.constant 16 : i32
      %parallel_loop3A_234 = vector.broadcast %parallel_loop3A_233 : i32 to vector<16xi32>
      %parallel_loop3A_235 = arith.muli %parallel_loop3A_232, %parallel_loop3A_234 : vector<16xi32>
      %parallel_loop3A_236 = arith.addi %parallel_loop3A_235, %iota3A : vector<16xi32>
      tpu.vector_store_idx %arg16[%parallel_loop3A_236], %broadcast_in_dim3A_33 {add = true} : memref<1024xf32, #tpu.memory_space<vmem>>[vector<16xi32>], vector<16xf32>,
      %parallel_loop3A_237 = arith.index_cast %parallel_loop3A_159 : i32 to index
      %parallel_loop3A_238 = arith.constant 176 : index
      %parallel_loop3A_239 = tpu.vector_load %arg6[%parallel_loop3A_237, %parallel_loop3A_238] {strides = array<i32>} : memref<32x512xi32, #tpu.memory_space<vmem>>, vector<16xi32>,
      %parallel_loop3A_240 = arith.constant 16 : i32
      %parallel_loop3A_241 = vector.broadcast %parallel_loop3A_240 : i32 to vector<16xi32>
      %parallel_loop3A_242 = arith.muli %parallel_loop3A_239, %parallel_loop3A_241 : vector<16xi32>
      %parallel_loop3A_243 = arith.addi %parallel_loop3A_242, %iota3A : vector<16xi32>
      tpu.vector_store_idx %arg16[%parallel_loop3A_243], %broadcast_in_dim3A_33 {add = true} : memref<1024xf32, #tpu.memory_space<vmem>>[vector<16xi32>], vector<16xf32>,
      %parallel_loop3A_244 = arith.index_cast %parallel_loop3A_159 : i32 to index
      %parallel_loop3A_245 = arith.constant 192 : index
      %parallel_loop3A_246 = tpu.vector_load %arg6[%parallel_loop3A_244, %parallel_loop3A_245] {strides = array<i32>} : memref<32x512xi32, #tpu.memory_space<vmem>>, vector<16xi32>,
      %parallel_loop3A_247 = arith.constant 16 : i32
      %parallel_loop3A_248 = vector.broadcast %parallel_loop3A_247 : i32 to vector<16xi32>
      %parallel_loop3A_249 = arith.muli %parallel_loop3A_246, %parallel_loop3A_248 : vector<16xi32>
      %parallel_loop3A_250 = arith.addi %parallel_loop3A_249, %iota3A : vector<16xi32>
      tpu.vector_store_idx %arg16[%parallel_loop3A_250], %broadcast_in_dim3A_33 {add = true} : memref<1024xf32, #tpu.memory_space<vmem>>[vector<16xi32>], vector<16xf32>,
      %parallel_loop3A_251 = arith.index_cast %parallel_loop3A_159 : i32 to index
      %parallel_loop3A_252 = arith.constant 208 : index
      %parallel_loop3A_253 = tpu.vector_load %arg6[%parallel_loop3A_251, %parallel_loop3A_252] {strides = array<i32>} : memref<32x512xi32, #tpu.memory_space<vmem>>, vector<16xi32>,
      %parallel_loop3A_254 = arith.constant 16 : i32
      %parallel_loop3A_255 = vector.broadcast %parallel_loop3A_254 : i32 to vector<16xi32>
      %parallel_loop3A_256 = arith.muli %parallel_loop3A_253, %parallel_loop3A_255 : vector<16xi32>
      %parallel_loop3A_257 = arith.addi %parallel_loop3A_256, %iota3A : vector<16xi32>
      tpu.vector_store_idx %arg16[%parallel_loop3A_257], %broadcast_in_dim3A_33 {add = true} : memref<1024xf32, #tpu.memory_space<vmem>>[vector<16xi32>], vector<16xf32>,
      %parallel_loop3A_258 = arith.index_cast %parallel_loop3A_159 : i32 to index
      %parallel_loop3A_259 = arith.constant 224 : index
      %parallel_loop3A_260 = tpu.vector_load %arg6[%parallel_loop3A_258, %parallel_loop3A_259] {strides = array<i32>} : memref<32x512xi32, #tpu.memory_space<vmem>>, vector<16xi32>,
      %parallel_loop3A_261 = arith.constant 16 : i32
      %parallel_loop3A_262 = vector.broadcast %parallel_loop3A_261 : i32 to vector<16xi32>
      %parallel_loop3A_263 = arith.muli %parallel_loop3A_260, %parallel_loop3A_262 : vector<16xi32>
      %parallel_loop3A_264 = arith.addi %parallel_loop3A_263, %iota3A : vector<16xi32>
      tpu.vector_store_idx %arg16[%parallel_loop3A_264], %broadcast_in_dim3A_33 {add = true} : memref<1024xf32, #tpu.memory_space<vmem>>[vector<16xi32>], vector<16xf32>,
      %parallel_loop3A_265 = arith.index_cast %parallel_loop3A_159 : i32 to index
      %parallel_loop3A_266 = arith.constant 240 : index
      %parallel_loop3A_267 = tpu.vector_load %arg6[%parallel_loop3A_265, %parallel_loop3A_266] {strides = array<i32>} : memref<32x512xi32, #tpu.memory_space<vmem>>, vector<16xi32>,
      %parallel_loop3A_268 = arith.constant 16 : i32
      %parallel_loop3A_269 = vector.broadcast %parallel_loop3A_268 : i32 to vector<16xi32>
      %parallel_loop3A_270 = arith.muli %parallel_loop3A_267, %parallel_loop3A_269 : vector<16xi32>
      %parallel_loop3A_271 = arith.addi %parallel_loop3A_270, %iota3A : vector<16xi32>
      tpu.vector_store_idx %arg16[%parallel_loop3A_271], %broadcast_in_dim3A_33 {add = true} : memref<1024xf32, #tpu.memory_space<vmem>>[vector<16xi32>], vector<16xf32>,
      %parallel_loop3A_272 = arith.index_cast %parallel_loop3A_159 : i32 to index
      %parallel_loop3A_273 = arith.constant 256 : index
      %parallel_loop3A_274 = tpu.vector_load %arg6[%parallel_loop3A_272, %parallel_loop3A_273] {strides = array<i32>} : memref<32x512xi32, #tpu.memory_space<vmem>>, vector<16xi32>,
      %parallel_loop3A_275 = arith.constant 16 : i32
      %parallel_loop3A_276 = vector.broadcast %parallel_loop3A_275 : i32 to vector<16xi32>
      %parallel_loop3A_277 = arith.muli %parallel_loop3A_274, %parallel_loop3A_276 : vector<16xi32>
      %parallel_loop3A_278 = arith.addi %parallel_loop3A_277, %iota3A : vector<16xi32>
      tpu.vector_store_idx %arg16[%parallel_loop3A_278], %broadcast_in_dim3A_33 {add = true} : memref<1024xf32, #tpu.memory_space<vmem>>[vector<16xi32>], vector<16xf32>,
      %parallel_loop3A_279 = arith.index_cast %parallel_loop3A_159 : i32 to index
      %parallel_loop3A_280 = arith.constant 272 : index
      %parallel_loop3A_281 = tpu.vector_load %arg6[%parallel_loop3A_279, %parallel_loop3A_280] {strides = array<i32>} : memref<32x512xi32, #tpu.memory_space<vmem>>, vector<16xi32>,
      %parallel_loop3A_282 = arith.constant 16 : i32
      %parallel_loop3A_283 = vector.broadcast %parallel_loop3A_282 : i32 to vector<16xi32>
      %parallel_loop3A_284 = arith.muli %parallel_loop3A_281, %parallel_loop3A_283 : vector<16xi32>
      %parallel_loop3A_285 = arith.addi %parallel_loop3A_284, %iota3A : vector<16xi32>
      tpu.vector_store_idx %arg16[%parallel_loop3A_285], %broadcast_in_dim3A_33 {add = true} : memref<1024xf32, #tpu.memory_space<vmem>>[vector<16xi32>], vector<16xf32>,
      %parallel_loop3A_286 = arith.index_cast %parallel_loop3A_159 : i32 to index
      %parallel_loop3A_287 = arith.constant 288 : index
      %parallel_loop3A_288 = tpu.vector_load %arg6[%parallel_loop3A_286, %parallel_loop3A_287] {strides = array<i32>} : memref<32x512xi32, #tpu.memory_space<vmem>>, vector<16xi32>,
      %parallel_loop3A_289 = arith.constant 16 : i32
      %parallel_loop3A_290 = vector.broadcast %parallel_loop3A_289 : i32 to vector<16xi32>
      %parallel_loop3A_291 = arith.muli %parallel_loop3A_288, %parallel_loop3A_290 : vector<16xi32>
      %parallel_loop3A_292 = arith.addi %parallel_loop3A_291, %iota3A : vector<16xi32>
      tpu.vector_store_idx %arg16[%parallel_loop3A_292], %broadcast_in_dim3A_33 {add = true} : memref<1024xf32, #tpu.memory_space<vmem>>[vector<16xi32>], vector<16xf32>,
      %parallel_loop3A_293 = arith.index_cast %parallel_loop3A_159 : i32 to index
      %parallel_loop3A_294 = arith.constant 304 : index
      %parallel_loop3A_295 = tpu.vector_load %arg6[%parallel_loop3A_293, %parallel_loop3A_294] {strides = array<i32>} : memref<32x512xi32, #tpu.memory_space<vmem>>, vector<16xi32>,
      %parallel_loop3A_296 = arith.constant 16 : i32
      %parallel_loop3A_297 = vector.broadcast %parallel_loop3A_296 : i32 to vector<16xi32>
      %parallel_loop3A_298 = arith.muli %parallel_loop3A_295, %parallel_loop3A_297 : vector<16xi32>
      %parallel_loop3A_299 = arith.addi %parallel_loop3A_298, %iota3A : vector<16xi32>
      tpu.vector_store_idx %arg16[%parallel_loop3A_299], %broadcast_in_dim3A_33 {add = true} : memref<1024xf32, #tpu.memory_space<vmem>>[vector<16xi32>], vector<16xf32>,
      %parallel_loop3A_300 = arith.index_cast %parallel_loop3A_159 : i32 to index
      %parallel_loop3A_301 = arith.constant 320 : index
      %parallel_loop3A_302 = tpu.vector_load %arg6[%parallel_loop3A_300, %parallel_loop3A_301] {strides = array<i32>} : memref<32x512xi32, #tpu.memory_space<vmem>>, vector<16xi32>,
      %parallel_loop3A_303 = arith.constant 16 : i32
      %parallel_loop3A_304 = vector.broadcast %parallel_loop3A_303 : i32 to vector<16xi32>
      %parallel_loop3A_305 = arith.muli %parallel_loop3A_302, %parallel_loop3A_304 : vector<16xi32>
      %parallel_loop3A_306 = arith.addi %parallel_loop3A_305, %iota3A : vector<16xi32>
      tpu.vector_store_idx %arg16[%parallel_loop3A_306], %broadcast_in_dim3A_33 {add = true} : memref<1024xf32, #tpu.memory_space<vmem>>[vector<16xi32>], vector<16xf32>,
      %parallel_loop3A_307 = arith.index_cast %parallel_loop3A_159 : i32 to index
      %parallel_loop3A_308 = arith.constant 336 : index
      %parallel_loop3A_309 = tpu.vector_load %arg6[%parallel_loop3A_307, %parallel_loop3A_308] {strides = array<i32>} : memref<32x512xi32, #tpu.memory_space<vmem>>, vector<16xi32>,
      %parallel_loop3A_310 = arith.constant 16 : i32
      %parallel_loop3A_311 = vector.broadcast %parallel_loop3A_310 : i32 to vector<16xi32>
      %parallel_loop3A_312 = arith.muli %parallel_loop3A_309, %parallel_loop3A_311 : vector<16xi32>
      %parallel_loop3A_313 = arith.addi %parallel_loop3A_312, %iota3A : vector<16xi32>
      tpu.vector_store_idx %arg16[%parallel_loop3A_313], %broadcast_in_dim3A_33 {add = true} : memref<1024xf32, #tpu.memory_space<vmem>>[vector<16xi32>], vector<16xf32>,
      %parallel_loop3A_314 = arith.index_cast %parallel_loop3A_159 : i32 to index
      %parallel_loop3A_315 = arith.constant 352 : index
      %parallel_loop3A_316 = tpu.vector_load %arg6[%parallel_loop3A_314, %parallel_loop3A_315] {strides = array<i32>} : memref<32x512xi32, #tpu.memory_space<vmem>>, vector<16xi32>,
      %parallel_loop3A_317 = arith.constant 16 : i32
      %parallel_loop3A_318 = vector.broadcast %parallel_loop3A_317 : i32 to vector<16xi32>
      %parallel_loop3A_319 = arith.muli %parallel_loop3A_316, %parallel_loop3A_318 : vector<16xi32>
      %parallel_loop3A_320 = arith.addi %parallel_loop3A_319, %iota3A : vector<16xi32>
      tpu.vector_store_idx %arg16[%parallel_loop3A_320], %broadcast_in_dim3A_33 {add = true} : memref<1024xf32, #tpu.memory_space<vmem>>[vector<16xi32>], vector<16xf32>,
      %parallel_loop3A_321 = arith.index_cast %parallel_loop3A_159 : i32 to index
      %parallel_loop3A_322 = arith.constant 368 : index
      %parallel_loop3A_323 = tpu.vector_load %arg6[%parallel_loop3A_321, %parallel_loop3A_322] {strides = array<i32>} : memref<32x512xi32, #tpu.memory_space<vmem>>, vector<16xi32>,
      %parallel_loop3A_324 = arith.constant 16 : i32
      %parallel_loop3A_325 = vector.broadcast %parallel_loop3A_324 : i32 to vector<16xi32>
      %parallel_loop3A_326 = arith.muli %parallel_loop3A_323, %parallel_loop3A_325 : vector<16xi32>
      %parallel_loop3A_327 = arith.addi %parallel_loop3A_326, %iota3A : vector<16xi32>
      tpu.vector_store_idx %arg16[%parallel_loop3A_327], %broadcast_in_dim3A_33 {add = true} : memref<1024xf32, #tpu.memory_space<vmem>>[vector<16xi32>], vector<16xf32>,
      %parallel_loop3A_328 = arith.index_cast %parallel_loop3A_159 : i32 to index
      %parallel_loop3A_329 = arith.constant 384 : index
      %parallel_loop3A_330 = tpu.vector_load %arg6[%parallel_loop3A_328, %parallel_loop3A_329] {strides = array<i32>} : memref<32x512xi32, #tpu.memory_space<vmem>>, vector<16xi32>,
      %parallel_loop3A_331 = arith.constant 16 : i32
      %parallel_loop3A_332 = vector.broadcast %parallel_loop3A_331 : i32 to vector<16xi32>
      %parallel_loop3A_333 = arith.muli %parallel_loop3A_330, %parallel_loop3A_332 : vector<16xi32>
      %parallel_loop3A_334 = arith.addi %parallel_loop3A_333, %iota3A : vector<16xi32>
      tpu.vector_store_idx %arg16[%parallel_loop3A_334], %broadcast_in_dim3A_33 {add = true} : memref<1024xf32, #tpu.memory_space<vmem>>[vector<16xi32>], vector<16xf32>,
      %parallel_loop3A_335 = arith.index_cast %parallel_loop3A_159 : i32 to index
      %parallel_loop3A_336 = arith.constant 400 : index
      %parallel_loop3A_337 = tpu.vector_load %arg6[%parallel_loop3A_335, %parallel_loop3A_336] {strides = array<i32>} : memref<32x512xi32, #tpu.memory_space<vmem>>, vector<16xi32>,
      %parallel_loop3A_338 = arith.constant 16 : i32
      %parallel_loop3A_339 = vector.broadcast %parallel_loop3A_338 : i32 to vector<16xi32>
      %parallel_loop3A_340 = arith.muli %parallel_loop3A_337, %parallel_loop3A_339 : vector<16xi32>
      %parallel_loop3A_341 = arith.addi %parallel_loop3A_340, %iota3A : vector<16xi32>
      tpu.vector_store_idx %arg16[%parallel_loop3A_341], %broadcast_in_dim3A_33 {add = true} : memref<1024xf32, #tpu.memory_space<vmem>>[vector<16xi32>], vector<16xf32>,
      %parallel_loop3A_342 = arith.index_cast %parallel_loop3A_159 : i32 to index
      %parallel_loop3A_343 = arith.constant 416 : index
      %parallel_loop3A_344 = tpu.vector_load %arg6[%parallel_loop3A_342, %parallel_loop3A_343] {strides = array<i32>} : memref<32x512xi32, #tpu.memory_space<vmem>>, vector<16xi32>,
      %parallel_loop3A_345 = arith.constant 16 : i32
      %parallel_loop3A_346 = vector.broadcast %parallel_loop3A_345 : i32 to vector<16xi32>
      %parallel_loop3A_347 = arith.muli %parallel_loop3A_344, %parallel_loop3A_346 : vector<16xi32>
      %parallel_loop3A_348 = arith.addi %parallel_loop3A_347, %iota3A : vector<16xi32>
      tpu.vector_store_idx %arg16[%parallel_loop3A_348], %broadcast_in_dim3A_33 {add = true} : memref<1024xf32, #tpu.memory_space<vmem>>[vector<16xi32>], vector<16xf32>,
      %parallel_loop3A_349 = arith.index_cast %parallel_loop3A_159 : i32 to index
      %parallel_loop3A_350 = arith.constant 432 : index
      %parallel_loop3A_351 = tpu.vector_load %arg6[%parallel_loop3A_349, %parallel_loop3A_350] {strides = array<i32>} : memref<32x512xi32, #tpu.memory_space<vmem>>, vector<16xi32>,
      %parallel_loop3A_352 = arith.constant 16 : i32
      %parallel_loop3A_353 = vector.broadcast %parallel_loop3A_352 : i32 to vector<16xi32>
      %parallel_loop3A_354 = arith.muli %parallel_loop3A_351, %parallel_loop3A_353 : vector<16xi32>
      %parallel_loop3A_355 = arith.addi %parallel_loop3A_354, %iota3A : vector<16xi32>
      tpu.vector_store_idx %arg16[%parallel_loop3A_355], %broadcast_in_dim3A_33 {add = true} : memref<1024xf32, #tpu.memory_space<vmem>>[vector<16xi32>], vector<16xf32>,
      %parallel_loop3A_356 = arith.index_cast %parallel_loop3A_159 : i32 to index
      %parallel_loop3A_357 = arith.constant 448 : index
      %parallel_loop3A_358 = tpu.vector_load %arg6[%parallel_loop3A_356, %parallel_loop3A_357] {strides = array<i32>} : memref<32x512xi32, #tpu.memory_space<vmem>>, vector<16xi32>,
      %parallel_loop3A_359 = arith.constant 16 : i32
      %parallel_loop3A_360 = vector.broadcast %parallel_loop3A_359 : i32 to vector<16xi32>
      %parallel_loop3A_361 = arith.muli %parallel_loop3A_358, %parallel_loop3A_360 : vector<16xi32>
      %parallel_loop3A_362 = arith.addi %parallel_loop3A_361, %iota3A : vector<16xi32>
      tpu.vector_store_idx %arg16[%parallel_loop3A_362], %broadcast_in_dim3A_33 {add = true} : memref<1024xf32, #tpu.memory_space<vmem>>[vector<16xi32>], vector<16xf32>,
      %parallel_loop3A_363 = arith.index_cast %parallel_loop3A_159 : i32 to index
      %parallel_loop3A_364 = arith.constant 464 : index
      %parallel_loop3A_365 = tpu.vector_load %arg6[%parallel_loop3A_363, %parallel_loop3A_364] {strides = array<i32>} : memref<32x512xi32, #tpu.memory_space<vmem>>, vector<16xi32>,
      %parallel_loop3A_366 = arith.constant 16 : i32
      %parallel_loop3A_367 = vector.broadcast %parallel_loop3A_366 : i32 to vector<16xi32>
      %parallel_loop3A_368 = arith.muli %parallel_loop3A_365, %parallel_loop3A_367 : vector<16xi32>
      %parallel_loop3A_369 = arith.addi %parallel_loop3A_368, %iota3A : vector<16xi32>
      tpu.vector_store_idx %arg16[%parallel_loop3A_369], %broadcast_in_dim3A_33 {add = true} : memref<1024xf32, #tpu.memory_space<vmem>>[vector<16xi32>], vector<16xf32>,
      %parallel_loop3A_370 = arith.index_cast %parallel_loop3A_159 : i32 to index
      %parallel_loop3A_371 = arith.constant 480 : index
      %parallel_loop3A_372 = tpu.vector_load %arg6[%parallel_loop3A_370, %parallel_loop3A_371] {strides = array<i32>} : memref<32x512xi32, #tpu.memory_space<vmem>>, vector<16xi32>,
      %parallel_loop3A_373 = arith.constant 16 : i32
      %parallel_loop3A_374 = vector.broadcast %parallel_loop3A_373 : i32 to vector<16xi32>
      %parallel_loop3A_375 = arith.muli %parallel_loop3A_372, %parallel_loop3A_374 : vector<16xi32>
      %parallel_loop3A_376 = arith.addi %parallel_loop3A_375, %iota3A : vector<16xi32>
      tpu.vector_store_idx %arg16[%parallel_loop3A_376], %broadcast_in_dim3A_33 {add = true} : memref<1024xf32, #tpu.memory_space<vmem>>[vector<16xi32>], vector<16xf32>,
      %parallel_loop3A_377 = arith.index_cast %parallel_loop3A_159 : i32 to index
      %parallel_loop3A_378 = arith.constant 496 : index
      %parallel_loop3A_379 = tpu.vector_load %arg6[%parallel_loop3A_377, %parallel_loop3A_378] {strides = array<i32>} : memref<32x512xi32, #tpu.memory_space<vmem>>, vector<16xi32>,
      %parallel_loop3A_380 = arith.constant 16 : i32
      %parallel_loop3A_381 = vector.broadcast %parallel_loop3A_380 : i32 to vector<16xi32>
      %parallel_loop3A_382 = arith.muli %parallel_loop3A_379, %parallel_loop3A_381 : vector<16xi32>
      %parallel_loop3A_383 = arith.addi %parallel_loop3A_382, %iota3A : vector<16xi32>
      tpu.vector_store_idx %arg16[%parallel_loop3A_383], %broadcast_in_dim3A_33 {add = true} : memref<1024xf32, #tpu.memory_space<vmem>>[vector<16xi32>], vector<16xf32>,
    } {sc.loop_unroll_factor = 2 : i64, sc.parallel_access}
    %scan3A = arith.constant 0 : i32
    %scan3A_150 = arith.constant 0 : i32
    %scan3A_151 = arith.constant 24 : i32
    %scan3A_152 = arith.addi %scan3A_150, %scan3A_151 : i32
    %scan3A_153 = arith.constant 1 : i32
    scf.for %scan3A_159 = %scan3A_150 to %scan3A_152 step %scan3A_153  : i32 {
      %mul3A_160 = arith.constant 4 : i32
      %mul3A_161 = arith.muli %scan3A_159, %mul3A_160 : i32
      %add3A_162 = arith.constant 0 : i32
      %add3A_163 = arith.addi %mul3A_161, %add3A_162 : i32
      %mul3A_164 = arith.constant 512 : i32
      %mul3A_165 = arith.muli %add3A_163, %mul3A_164 : i32
      %add3A_166 = vector.broadcast %mul3A_165 : i32 to vector<16xi32>
      %add3A_167 = arith.addi %iota3A, %add3A_166 : vector<16xi32>
      %add3A_168 = arith.constant 1 : i32
      %add3A_169 = arith.addi %mul3A_161, %add3A_168 : i32
      %mul3A_170 = arith.constant 512 : i32
      %mul3A_171 = arith.muli %add3A_169, %mul3A_170 : i32
      %add3A_172 = vector.broadcast %mul3A_171 : i32 to vector<16xi32>
      %add3A_173 = arith.addi %iota3A, %add3A_172 : vector<16xi32>
      %add3A_174 = arith.constant 2 : i32
      %add3A_175 = arith.addi %mul3A_161, %add3A_174 : i32
      %mul3A_176 = arith.constant 512 : i32
      %mul3A_177 = arith.muli %add3A_175, %mul3A_176 : i32
      %add3A_178 = vector.broadcast %mul3A_177 : i32 to vector<16xi32>
      %add3A_179 = arith.addi %iota3A, %add3A_178 : vector<16xi32>
      %add3A_180 = arith.constant 3 : i32
      %add3A_181 = arith.addi %mul3A_161, %add3A_180 : i32
      %mul3A_182 = arith.constant 512 : i32
      %mul3A_183 = arith.muli %add3A_181, %mul3A_182 : i32
      %add3A_184 = vector.broadcast %mul3A_183 : i32 to vector<16xi32>
      %add3A_185 = arith.addi %iota3A, %add3A_184 : vector<16xi32>
      %mul3A_186 = arith.constant 96 : i32
      %mul3A_187 = arith.muli %select_n3A, %mul3A_186 : i32
      %add3A_188 = arith.constant 0 : i32
      %add3A_189 = arith.addi %mul3A_187, %add3A_188 : i32
      %mul3A_190 = arith.constant 512 : i32
      %mul3A_191 = arith.muli %add3A_189, %mul3A_190 : i32
      %add3A_192 = arith.addi %mul3A_191, %mul3A_32 : i32
      %add3A_193 = arith.constant 0 : i32
      %add3A_194 = arith.addi %add3A_192, %add3A_193 : i32
      %dma_wait3A = arith.constant 0 : i32
      %dma_wait3A_195 = tpu.memref_slice %arg2[%add3A_194, %dma_wait3A] : memref<98304x512xf32, #tpu.memory_space<hbm>> -> memref<8x512xf32, #tpu.memory_space<hbm>>
      %dma_wait3A_196 = arith.constant 0 : i32
      %dma_wait3A_197 = tpu.memref_slice %arg2[%add3A_194, %dma_wait3A_196] : memref<98304x512xf32, #tpu.memory_space<hbm>> -> memref<8x512xf32, #tpu.memory_space<hbm>>
      tpu.wait_dma2 semaphore(%arg17 : memref<!tpu.dma_semaphore, #tpu.memory_space<semaphore_mem>>) src(%dma_wait3A_197 : memref<8x512xf32, #tpu.memory_space<hbm>>) dst(%arg7 : memref<8x512xf32, #tpu.memory_space<vmem>>)
      %mul3A_198 = arith.constant 96 : i32
      %mul3A_199 = arith.muli %select_n3A, %mul3A_198 : i32
      %add3A_200 = arith.constant 0 : i32
      %add3A_201 = arith.addi %mul3A_199, %add3A_200 : i32
      %mul3A_202 = arith.constant 512 : i32
      %mul3A_203 = arith.muli %add3A_201, %mul3A_202 : i32
      %add3A_204 = arith.addi %mul3A_203, %mul3A_32 : i32
      %add3A_205 = arith.constant 0 : i32
      %add3A_206 = arith.addi %add3A_204, %add3A_205 : i32
      %dma_wait3A_207 = arith.constant 0 : i32
      %dma_wait3A_208 = tpu.memref_slice %arg2[%add3A_206, %dma_wait3A_207] : memref<98304x512xf32, #tpu.memory_space<hbm>> -> memref<8x512xf32, #tpu.memory_space<hbm>>
      %dma_wait3A_209 = arith.constant 0 : i32
      %dma_wait3A_210 = tpu.memref_slice %arg2[%add3A_206, %dma_wait3A_209] : memref<98304x512xf32, #tpu.memory_space<hbm>> -> memref<8x512xf32, #tpu.memory_space<hbm>>
      tpu.wait_dma2 semaphore(%arg18 : memref<!tpu.dma_semaphore, #tpu.memory_space<semaphore_mem>>) src(%dma_wait3A_210 : memref<8x512xf32, #tpu.memory_space<hbm>>) dst(%arg8 : memref<8x512xf32, #tpu.memory_space<vmem>>)
      %mul3A_211 = arith.constant 96 : i32
      %mul3A_212 = arith.muli %select_n3A, %mul3A_211 : i32
      %add3A_213 = arith.constant 0 : i32
      %add3A_214 = arith.addi %mul3A_212, %add3A_213 : i32
      %mul3A_215 = arith.constant 512 : i32
      %mul3A_216 = arith.muli %add3A_214, %mul3A_215 : i32
      %add3A_217 = arith.addi %mul3A_216, %mul3A_32 : i32
      %add3A_218 = arith.constant 0 : i32
      %add3A_219 = arith.addi %add3A_217, %add3A_218 : i32
      %dma_wait3A_220 = arith.constant 0 : i32
      %dma_wait3A_221 = tpu.memref_slice %arg2[%add3A_219, %dma_wait3A_220] : memref<98304x512xf32, #tpu.memory_space<hbm>> -> memref<8x512xf32, #tpu.memory_space<hbm>>
      %dma_wait3A_222 = arith.constant 0 : i32
      %dma_wait3A_223 = tpu.memref_slice %arg2[%add3A_219, %dma_wait3A_222] : memref<98304x512xf32, #tpu.memory_space<hbm>> -> memref<8x512xf32, #tpu.memory_space<hbm>>
      tpu.wait_dma2 semaphore(%arg19 : memref<!tpu.dma_semaphore, #tpu.memory_space<semaphore_mem>>) src(%dma_wait3A_223 : memref<8x512xf32, #tpu.memory_space<hbm>>) dst(%arg9 : memref<8x512xf32, #tpu.memory_space<vmem>>)
      %mul3A_224 = arith.constant 96 : i32
      %mul3A_225 = arith.muli %select_n3A, %mul3A_224 : i32
      %add3A_226 = arith.constant 0 : i32
      %add3A_227 = arith.addi %mul3A_225, %add3A_226 : i32
      %mul3A_228 = arith.constant 512 : i32
      %mul3A_229 = arith.muli %add3A_227, %mul3A_228 : i32
      %add3A_230 = arith.addi %mul3A_229, %mul3A_32 : i32
      %add3A_231 = arith.constant 0 : i32
      %add3A_232 = arith.addi %add3A_230, %add3A_231 : i32
      %dma_wait3A_233 = arith.constant 0 : i32
      %dma_wait3A_234 = tpu.memref_slice %arg2[%add3A_232, %dma_wait3A_233] : memref<98304x512xf32, #tpu.memory_space<hbm>> -> memref<8x512xf32, #tpu.memory_space<hbm>>
      %dma_wait3A_235 = arith.constant 0 : i32
      %dma_wait3A_236 = tpu.memref_slice %arg2[%add3A_232, %dma_wait3A_235] : memref<98304x512xf32, #tpu.memory_space<hbm>> -> memref<8x512xf32, #tpu.memory_space<hbm>>
      tpu.wait_dma2 semaphore(%arg20 : memref<!tpu.dma_semaphore, #tpu.memory_space<semaphore_mem>>) src(%dma_wait3A_236 : memref<8x512xf32, #tpu.memory_space<hbm>>) dst(%arg10 : memref<8x512xf32, #tpu.memory_space<vmem>>)
      %parallel_loop3A_237 = arith.constant 0 : i32
      %parallel_loop3A_238 = arith.constant 256 : i32
      %parallel_loop3A_239 = arith.constant 1 : i32
      scf.for %parallel_loop3A_525 = %parallel_loop3A_237 to %parallel_loop3A_238 step %parallel_loop3A_239  : i32 {
        %parallel_loop3A_526 = arith.constant 32 : i32
        %parallel_loop3A_527 = arith.divsi %parallel_loop3A_525, %parallel_loop3A_526 : i32
        %parallel_loop3A_528 = arith.constant 0 : i32
        %parallel_loop3A_529 = arith.cmpi sgt, %parallel_loop3A_525, %parallel_loop3A_528 : i32
        %parallel_loop3A_530 = arith.extui %parallel_loop3A_529 : i1 to i32
        %parallel_loop3A_531 = arith.constant 0 : i32
        %parallel_loop3A_532 = arith.cmpi slt, %parallel_loop3A_525, %parallel_loop3A_531 : i32
        %parallel_loop3A_533 = arith.extui %parallel_loop3A_532 : i1 to i32
        %parallel_loop3A_534 = arith.subi %parallel_loop3A_530, %parallel_loop3A_533 : i32
        %parallel_loop3A_535 = arith.constant 0 : i32
        %parallel_loop3A_536 = arith.cmpi sgt, %parallel_loop3A_526, %parallel_loop3A_535 : i32
        %parallel_loop3A_537 = arith.extui %parallel_loop3A_536 : i1 to i32
        %parallel_loop3A_538 = arith.constant 0 : i32
        %parallel_loop3A_539 = arith.cmpi slt, %parallel_loop3A_526, %parallel_loop3A_538 : i32
        %parallel_loop3A_540 = arith.extui %parallel_loop3A_539 : i1 to i32
        %parallel_loop3A_541 = arith.subi %parallel_loop3A_537, %parallel_loop3A_540 : i32
        %parallel_loop3A_542 = arith.cmpi ne, %parallel_loop3A_534, %parallel_loop3A_541 : i32
        %parallel_loop3A_543 = arith.remsi %parallel_loop3A_525, %parallel_loop3A_526 : i32
        %parallel_loop3A_544 = arith.constant 0 : i32
        %parallel_loop3A_545 = arith.cmpi ne, %parallel_loop3A_543, %parallel_loop3A_544 : i32
        %parallel_loop3A_546 = arith.andi %parallel_loop3A_542, %parallel_loop3A_545 : i1
        %parallel_loop3A_547 = arith.constant 1 : i32
        %parallel_loop3A_548 = arith.subi %parallel_loop3A_527, %parallel_loop3A_547 : i32
        %parallel_loop3A_549 = arith.select %parallel_loop3A_546, %parallel_loop3A_548, %parallel_loop3A_527 : i32
        %parallel_loop3A_550 = arith.constant 32 : i32
        %parallel_loop3A_551 = arith.constant 0 : i32
        %parallel_loop3A_552 = arith.cmpi eq, %parallel_loop3A_550, %parallel_loop3A_551 : i32
        %parallel_loop3A_553 = arith.constant 1 : i32
        %parallel_loop3A_554 = arith.select %parallel_loop3A_552, %parallel_loop3A_553, %parallel_loop3A_550 : i32
        %parallel_loop3A_555 = arith.remsi %parallel_loop3A_525, %parallel_loop3A_554 : i32
        %parallel_loop3A_556 = arith.constant 0 : i32
        %parallel_loop3A_557 = arith.cmpi ne, %parallel_loop3A_555, %parallel_loop3A_556 : i32
        %parallel_loop3A_558 = arith.constant 0 : i32
        %parallel_loop3A_559 = arith.cmpi slt, %parallel_loop3A_555, %parallel_loop3A_558 : i32
        %parallel_loop3A_560 = arith.constant 0 : i32
        %parallel_loop3A_561 = arith.cmpi slt, %parallel_loop3A_554, %parallel_loop3A_560 : i32
        %parallel_loop3A_562 = arith.xori %parallel_loop3A_559, %parallel_loop3A_561 : i1
        %parallel_loop3A_563 = arith.andi %parallel_loop3A_562, %parallel_loop3A_557 : i1
        %parallel_loop3A_564 = arith.addi %parallel_loop3A_555, %parallel_loop3A_554 : i32
        %parallel_loop3A_565 = arith.select %parallel_loop3A_563, %parallel_loop3A_564, %parallel_loop3A_555 : i32
        %parallel_loop3A_566 = arith.constant 0 : i32
        %parallel_loop3A_567 = arith.addi %parallel_loop3A_566, %parallel_loop3A_549 : i32
        %parallel_loop3A_568 = arith.constant 16 : i32
        %parallel_loop3A_569 = arith.muli %parallel_loop3A_565, %parallel_loop3A_568 : i32
        %parallel_loop3A_570 = arith.index_cast %parallel_loop3A_567 : i32 to index
        %parallel_loop3A_571 = arith.index_cast %parallel_loop3A_569 : i32 to index
        %parallel_loop3A_572 = tpu.vector_load %arg6[%parallel_loop3A_570, %parallel_loop3A_571] {strides = array<i32>} : memref<32x512xi32, #tpu.memory_space<vmem>>, vector<16xi32>,
        %parallel_loop3A_573 = arith.constant 16 : i32
        %parallel_loop3A_574 = vector.broadcast %parallel_loop3A_573 : i32 to vector<16xi32>
        %parallel_loop3A_575 = arith.muli %parallel_loop3A_572, %parallel_loop3A_574 : vector<16xi32>
        %parallel_loop3A_576 = arith.constant 16 : i32
        %parallel_loop3A_577 = arith.muli %parallel_loop3A_565, %parallel_loop3A_576 : i32
        %parallel_loop3A_578 = arith.index_cast %parallel_loop3A_549 : i32 to index
        %parallel_loop3A_579 = arith.index_cast %parallel_loop3A_577 : i32 to index
        %parallel_loop3A_580 = tpu.vector_load %arg7[%parallel_loop3A_578, %parallel_loop3A_579] {strides = array<i32>} : memref<8x512xf32, #tpu.memory_space<vmem>>, vector<16xf32>,
        %parallel_loop3A_581 = arith.addi %parallel_loop3A_575, %add3A_167 : vector<16xi32>
        tpu.vector_store_idx %arg15[%parallel_loop3A_581], %parallel_loop3A_580 {add = true} : memref<49152xf32, #tpu.memory_space<vmem>>[vector<16xi32>], vector<16xf32>,
        %parallel_loop3A_582 = arith.constant 16 : i32
        %parallel_loop3A_583 = arith.muli %parallel_loop3A_565, %parallel_loop3A_582 : i32
        %parallel_loop3A_584 = arith.index_cast %parallel_loop3A_549 : i32 to index
        %parallel_loop3A_585 = arith.index_cast %parallel_loop3A_583 : i32 to index
        %parallel_loop3A_586 = tpu.vector_load %arg8[%parallel_loop3A_584, %parallel_loop3A_585] {strides = array<i32>} : memref<8x512xf32, #tpu.memory_space<vmem>>, vector<16xf32>,
        %parallel_loop3A_587 = arith.addi %parallel_loop3A_575, %add3A_173 : vector<16xi32>
        tpu.vector_store_idx %arg15[%parallel_loop3A_587], %parallel_loop3A_586 {add = true} : memref<49152xf32, #tpu.memory_space<vmem>>[vector<16xi32>], vector<16xf32>,
        %parallel_loop3A_588 = arith.constant 16 : i32
        %parallel_loop3A_589 = arith.muli %parallel_loop3A_565, %parallel_loop3A_588 : i32
        %parallel_loop3A_590 = arith.index_cast %parallel_loop3A_549 : i32 to index
        %parallel_loop3A_591 = arith.index_cast %parallel_loop3A_589 : i32 to index
        %parallel_loop3A_592 = tpu.vector_load %arg9[%parallel_loop3A_590, %parallel_loop3A_591] {strides = array<i32>} : memref<8x512xf32, #tpu.memory_space<vmem>>, vector<16xf32>,
        %parallel_loop3A_593 = arith.addi %parallel_loop3A_575, %add3A_179 : vector<16xi32>
        tpu.vector_store_idx %arg15[%parallel_loop3A_593], %parallel_loop3A_592 {add = true} : memref<49152xf32, #tpu.memory_space<vmem>>[vector<16xi32>], vector<16xf32>,
        %parallel_loop3A_594 = arith.constant 16 : i32
        %parallel_loop3A_595 = arith.muli %parallel_loop3A_565, %parallel_loop3A_594 : i32
        %parallel_loop3A_596 = arith.index_cast %parallel_loop3A_549 : i32 to index
        %parallel_loop3A_597 = arith.index_cast %parallel_loop3A_595 : i32 to index
        %parallel_loop3A_598 = tpu.vector_load %arg10[%parallel_loop3A_596, %parallel_loop3A_597] {strides = array<i32>} : memref<8x512xf32, #tpu.memory_space<vmem>>, vector<16xf32>,
        %parallel_loop3A_599 = arith.addi %parallel_loop3A_575, %add3A_185 : vector<16xi32>
        tpu.vector_store_idx %arg15[%parallel_loop3A_599], %parallel_loop3A_598 {add = true} : memref<49152xf32, #tpu.memory_space<vmem>>[vector<16xi32>], vector<16xf32>,
      } {sc.loop_unroll_factor = 8 : i64, sc.parallel_access}
      %add3A_240 = arith.constant 0 : i32
      %add3A_241 = arith.addi %mul3A_161, %add3A_240 : i32
      %mul3A_242 = arith.constant 96 : i32
      %mul3A_243 = arith.muli %select_n3A, %mul3A_242 : i32
      %add3A_244 = arith.addi %mul3A_243, %add3A_241 : i32
      %mul3A_245 = arith.constant 512 : i32
      %mul3A_246 = arith.muli %add3A_244, %mul3A_245 : i32
      %add3A_247 = arith.addi %mul3A_246, %mul3A_32 : i32
      %add3A_248 = arith.constant 16 : i32
      %add3A_249 = arith.addi %add3A_247, %add3A_248 : i32
      %dma_start3A_250 = arith.constant 0 : i32
      %dma_start3A_251 = tpu.memref_slice %arg2[%add3A_249, %dma_start3A_250] : memref<98304x512xf32, #tpu.memory_space<hbm>> -> memref<8x512xf32, #tpu.memory_space<hbm>>
      %dma_start3A_252 = arith.constant 0 : i32
      %dma_start3A_253 = tpu.memref_slice %arg2[%add3A_249, %dma_start3A_252] : memref<98304x512xf32, #tpu.memory_space<hbm>> -> memref<8x512xf32, #tpu.memory_space<hbm>>
      tpu.enqueue_dma source(%dma_start3A_253 : memref<8x512xf32, #tpu.memory_space<hbm>>) target(%arg7 : memref<8x512xf32, #tpu.memory_space<vmem>>) target_semaphore(%arg17 : memref<!tpu.dma_semaphore, #tpu.memory_space<semaphore_mem>>)
      %add3A_254 = arith.constant 1 : i32
      %add3A_255 = arith.addi %mul3A_161, %add3A_254 : i32
      %mul3A_256 = arith.constant 96 : i32
      %mul3A_257 = arith.muli %select_n3A, %mul3A_256 : i32
      %add3A_258 = arith.addi %mul3A_257, %add3A_255 : i32
      %mul3A_259 = arith.constant 512 : i32
      %mul3A_260 = arith.muli %add3A_258, %mul3A_259 : i32
      %add3A_261 = arith.addi %mul3A_260, %mul3A_32 : i32
      %add3A_262 = arith.constant 16 : i32
      %add3A_263 = arith.addi %add3A_261, %add3A_262 : i32
      %dma_start3A_264 = arith.constant 0 : i32
      %dma_start3A_265 = tpu.memref_slice %arg2[%add3A_263, %dma_start3A_264] : memref<98304x512xf32, #tpu.memory_space<hbm>> -> memref<8x512xf32, #tpu.memory_space<hbm>>
      %dma_start3A_266 = arith.constant 0 : i32
      %dma_start3A_267 = tpu.memref_slice %arg2[%add3A_263, %dma_start3A_266] : memref<98304x512xf32, #tpu.memory_space<hbm>> -> memref<8x512xf32, #tpu.memory_space<hbm>>
      tpu.enqueue_dma source(%dma_start3A_267 : memref<8x512xf32, #tpu.memory_space<hbm>>) target(%arg8 : memref<8x512xf32, #tpu.memory_space<vmem>>) target_semaphore(%arg18 : memref<!tpu.dma_semaphore, #tpu.memory_space<semaphore_mem>>)
      %add3A_268 = arith.constant 2 : i32
      %add3A_269 = arith.addi %mul3A_161, %add3A_268 : i32
      %mul3A_270 = arith.constant 96 : i32
      %mul3A_271 = arith.muli %select_n3A, %mul3A_270 : i32
      %add3A_272 = arith.addi %mul3A_271, %add3A_269 : i32
      %mul3A_273 = arith.constant 512 : i32
      %mul3A_274 = arith.muli %add3A_272, %mul3A_273 : i32
      %add3A_275 = arith.addi %mul3A_274, %mul3A_32 : i32
      %add3A_276 = arith.constant 16 : i32
      %add3A_277 = arith.addi %add3A_275, %add3A_276 : i32
      %dma_start3A_278 = arith.constant 0 : i32
      %dma_start3A_279 = tpu.memref_slice %arg2[%add3A_277, %dma_start3A_278] : memref<98304x512xf32, #tpu.memory_space<hbm>> -> memref<8x512xf32, #tpu.memory_space<hbm>>
      %dma_start3A_280 = arith.constant 0 : i32
      %dma_start3A_281 = tpu.memref_slice %arg2[%add3A_277, %dma_start3A_280] : memref<98304x512xf32, #tpu.memory_space<hbm>> -> memref<8x512xf32, #tpu.memory_space<hbm>>
      tpu.enqueue_dma source(%dma_start3A_281 : memref<8x512xf32, #tpu.memory_space<hbm>>) target(%arg9 : memref<8x512xf32, #tpu.memory_space<vmem>>) target_semaphore(%arg19 : memref<!tpu.dma_semaphore, #tpu.memory_space<semaphore_mem>>)
      %add3A_282 = arith.constant 3 : i32
      %add3A_283 = arith.addi %mul3A_161, %add3A_282 : i32
      %mul3A_284 = arith.constant 96 : i32
      %mul3A_285 = arith.muli %select_n3A, %mul3A_284 : i32
      %add3A_286 = arith.addi %mul3A_285, %add3A_283 : i32
      %mul3A_287 = arith.constant 512 : i32
      %mul3A_288 = arith.muli %add3A_286, %mul3A_287 : i32
      %add3A_289 = arith.addi %mul3A_288, %mul3A_32 : i32
      %add3A_290 = arith.constant 16 : i32
      %add3A_291 = arith.addi %add3A_289, %add3A_290 : i32
      %dma_start3A_292 = arith.constant 0 : i32
      %dma_start3A_293 = tpu.memref_slice %arg2[%add3A_291, %dma_start3A_292] : memref<98304x512xf32, #tpu.memory_space<hbm>> -> memref<8x512xf32, #tpu.memory_space<hbm>>
      %dma_start3A_294 = arith.constant 0 : i32
      %dma_start3A_295 = tpu.memref_slice %arg2[%add3A_291, %dma_start3A_294] : memref<98304x512xf32, #tpu.memory_space<hbm>> -> memref<8x512xf32, #tpu.memory_space<hbm>>
      tpu.enqueue_dma source(%dma_start3A_295 : memref<8x512xf32, #tpu.memory_space<hbm>>) target(%arg10 : memref<8x512xf32, #tpu.memory_space<vmem>>) target_semaphore(%arg20 : memref<!tpu.dma_semaphore, #tpu.memory_space<semaphore_mem>>)
      %mul3A_296 = arith.constant 96 : i32
      %mul3A_297 = arith.muli %select_n3A, %mul3A_296 : i32
      %add3A_298 = arith.constant 0 : i32
      %add3A_299 = arith.addi %mul3A_297, %add3A_298 : i32
      %mul3A_300 = arith.constant 512 : i32
      %mul3A_301 = arith.muli %add3A_299, %mul3A_300 : i32
      %add3A_302 = arith.addi %mul3A_301, %mul3A_32 : i32
      %add3A_303 = arith.constant 0 : i32
      %add3A_304 = arith.addi %add3A_302, %add3A_303 : i32
      %dma_wait3A_305 = arith.constant 0 : i32
      %dma_wait3A_306 = tpu.memref_slice %arg2[%add3A_304, %dma_wait3A_305] : memref<98304x512xf32, #tpu.memory_space<hbm>> -> memref<8x512xf32, #tpu.memory_space<hbm>>
      %dma_wait3A_307 = arith.constant 0 : i32
      %dma_wait3A_308 = tpu.memref_slice %arg2[%add3A_304, %dma_wait3A_307] : memref<98304x512xf32, #tpu.memory_space<hbm>> -> memref<8x512xf32, #tpu.memory_space<hbm>>
      tpu.wait_dma2 semaphore(%arg21 : memref<!tpu.dma_semaphore, #tpu.memory_space<semaphore_mem>>) src(%dma_wait3A_308 : memref<8x512xf32, #tpu.memory_space<hbm>>) dst(%arg11 : memref<8x512xf32, #tpu.memory_space<vmem>>)
      %mul3A_309 = arith.constant 96 : i32
      %mul3A_310 = arith.muli %select_n3A, %mul3A_309 : i32
      %add3A_311 = arith.constant 0 : i32
      %add3A_312 = arith.addi %mul3A_310, %add3A_311 : i32
      %mul3A_313 = arith.constant 512 : i32
      %mul3A_314 = arith.muli %add3A_312, %mul3A_313 : i32
      %add3A_315 = arith.addi %mul3A_314, %mul3A_32 : i32
      %add3A_316 = arith.constant 0 : i32
      %add3A_317 = arith.addi %add3A_315, %add3A_316 : i32
      %dma_wait3A_318 = arith.constant 0 : i32
      %dma_wait3A_319 = tpu.memref_slice %arg2[%add3A_317, %dma_wait3A_318] : memref<98304x512xf32, #tpu.memory_space<hbm>> -> memref<8x512xf32, #tpu.memory_space<hbm>>
      %dma_wait3A_320 = arith.constant 0 : i32
      %dma_wait3A_321 = tpu.memref_slice %arg2[%add3A_317, %dma_wait3A_320] : memref<98304x512xf32, #tpu.memory_space<hbm>> -> memref<8x512xf32, #tpu.memory_space<hbm>>
      tpu.wait_dma2 semaphore(%arg22 : memref<!tpu.dma_semaphore, #tpu.memory_space<semaphore_mem>>) src(%dma_wait3A_321 : memref<8x512xf32, #tpu.memory_space<hbm>>) dst(%arg12 : memref<8x512xf32, #tpu.memory_space<vmem>>)
      %mul3A_322 = arith.constant 96 : i32
      %mul3A_323 = arith.muli %select_n3A, %mul3A_322 : i32
      %add3A_324 = arith.constant 0 : i32
      %add3A_325 = arith.addi %mul3A_323, %add3A_324 : i32
      %mul3A_326 = arith.constant 512 : i32
      %mul3A_327 = arith.muli %add3A_325, %mul3A_326 : i32
      %add3A_328 = arith.addi %mul3A_327, %mul3A_32 : i32
      %add3A_329 = arith.constant 0 : i32
      %add3A_330 = arith.addi %add3A_328, %add3A_329 : i32
      %dma_wait3A_331 = arith.constant 0 : i32
      %dma_wait3A_332 = tpu.memref_slice %arg2[%add3A_330, %dma_wait3A_331] : memref<98304x512xf32, #tpu.memory_space<hbm>> -> memref<8x512xf32, #tpu.memory_space<hbm>>
      %dma_wait3A_333 = arith.constant 0 : i32
      %dma_wait3A_334 = tpu.memref_slice %arg2[%add3A_330, %dma_wait3A_333] : memref<98304x512xf32, #tpu.memory_space<hbm>> -> memref<8x512xf32, #tpu.memory_space<hbm>>
      tpu.wait_dma2 semaphore(%arg23 : memref<!tpu.dma_semaphore, #tpu.memory_space<semaphore_mem>>) src(%dma_wait3A_334 : memref<8x512xf32, #tpu.memory_space<hbm>>) dst(%arg13 : memref<8x512xf32, #tpu.memory_space<vmem>>)
      %mul3A_335 = arith.constant 96 : i32
      %mul3A_336 = arith.muli %select_n3A, %mul3A_335 : i32
      %add3A_337 = arith.constant 0 : i32
      %add3A_338 = arith.addi %mul3A_336, %add3A_337 : i32
      %mul3A_339 = arith.constant 512 : i32
      %mul3A_340 = arith.muli %add3A_338, %mul3A_339 : i32
      %add3A_341 = arith.addi %mul3A_340, %mul3A_32 : i32
      %add3A_342 = arith.constant 0 : i32
      %add3A_343 = arith.addi %add3A_341, %add3A_342 : i32
      %dma_wait3A_344 = arith.constant 0 : i32
      %dma_wait3A_345 = tpu.memref_slice %arg2[%add3A_343, %dma_wait3A_344] : memref<98304x512xf32, #tpu.memory_space<hbm>> -> memref<8x512xf32, #tpu.memory_space<hbm>>
      %dma_wait3A_346 = arith.constant 0 : i32
      %dma_wait3A_347 = tpu.memref_slice %arg2[%add3A_343, %dma_wait3A_346] : memref<98304x512xf32, #tpu.memory_space<hbm>> -> memref<8x512xf32, #tpu.memory_space<hbm>>
      tpu.wait_dma2 semaphore(%arg24 : memref<!tpu.dma_semaphore, #tpu.memory_space<semaphore_mem>>) src(%dma_wait3A_347 : memref<8x512xf32, #tpu.memory_space<hbm>>) dst(%arg14 : memref<8x512xf32, #tpu.memory_space<vmem>>)
      %parallel_loop3A_348 = arith.constant 0 : i32
      %parallel_loop3A_349 = arith.constant 256 : i32
      %parallel_loop3A_350 = arith.constant 1 : i32
      scf.for %parallel_loop3A_525 = %parallel_loop3A_348 to %parallel_loop3A_349 step %parallel_loop3A_350  : i32 {
        %parallel_loop3A_526 = arith.constant 32 : i32
        %parallel_loop3A_527 = arith.divsi %parallel_loop3A_525, %parallel_loop3A_526 : i32
        %parallel_loop3A_528 = arith.constant 0 : i32
        %parallel_loop3A_529 = arith.cmpi sgt, %parallel_loop3A_525, %parallel_loop3A_528 : i32
        %parallel_loop3A_530 = arith.extui %parallel_loop3A_529 : i1 to i32
        %parallel_loop3A_531 = arith.constant 0 : i32
        %parallel_loop3A_532 = arith.cmpi slt, %parallel_loop3A_525, %parallel_loop3A_531 : i32
        %parallel_loop3A_533 = arith.extui %parallel_loop3A_532 : i1 to i32
        %parallel_loop3A_534 = arith.subi %parallel_loop3A_530, %parallel_loop3A_533 : i32
        %parallel_loop3A_535 = arith.constant 0 : i32
        %parallel_loop3A_536 = arith.cmpi sgt, %parallel_loop3A_526, %parallel_loop3A_535 : i32
        %parallel_loop3A_537 = arith.extui %parallel_loop3A_536 : i1 to i32
        %parallel_loop3A_538 = arith.constant 0 : i32
        %parallel_loop3A_539 = arith.cmpi slt, %parallel_loop3A_526, %parallel_loop3A_538 : i32
        %parallel_loop3A_540 = arith.extui %parallel_loop3A_539 : i1 to i32
        %parallel_loop3A_541 = arith.subi %parallel_loop3A_537, %parallel_loop3A_540 : i32
        %parallel_loop3A_542 = arith.cmpi ne, %parallel_loop3A_534, %parallel_loop3A_541 : i32
        %parallel_loop3A_543 = arith.remsi %parallel_loop3A_525, %parallel_loop3A_526 : i32
        %parallel_loop3A_544 = arith.constant 0 : i32
        %parallel_loop3A_545 = arith.cmpi ne, %parallel_loop3A_543, %parallel_loop3A_544 : i32
        %parallel_loop3A_546 = arith.andi %parallel_loop3A_542, %parallel_loop3A_545 : i1
        %parallel_loop3A_547 = arith.constant 1 : i32
        %parallel_loop3A_548 = arith.subi %parallel_loop3A_527, %parallel_loop3A_547 : i32
        %parallel_loop3A_549 = arith.select %parallel_loop3A_546, %parallel_loop3A_548, %parallel_loop3A_527 : i32
        %parallel_loop3A_550 = arith.constant 32 : i32
        %parallel_loop3A_551 = arith.constant 0 : i32
        %parallel_loop3A_552 = arith.cmpi eq, %parallel_loop3A_550, %parallel_loop3A_551 : i32
        %parallel_loop3A_553 = arith.constant 1 : i32
        %parallel_loop3A_554 = arith.select %parallel_loop3A_552, %parallel_loop3A_553, %parallel_loop3A_550 : i32
        %parallel_loop3A_555 = arith.remsi %parallel_loop3A_525, %parallel_loop3A_554 : i32
        %parallel_loop3A_556 = arith.constant 0 : i32
        %parallel_loop3A_557 = arith.cmpi ne, %parallel_loop3A_555, %parallel_loop3A_556 : i32
        %parallel_loop3A_558 = arith.constant 0 : i32
        %parallel_loop3A_559 = arith.cmpi slt, %parallel_loop3A_555, %parallel_loop3A_558 : i32
        %parallel_loop3A_560 = arith.constant 0 : i32
        %parallel_loop3A_561 = arith.cmpi slt, %parallel_loop3A_554, %parallel_loop3A_560 : i32
        %parallel_loop3A_562 = arith.xori %parallel_loop3A_559, %parallel_loop3A_561 : i1
        %parallel_loop3A_563 = arith.andi %parallel_loop3A_562, %parallel_loop3A_557 : i1
        %parallel_loop3A_564 = arith.addi %parallel_loop3A_555, %parallel_loop3A_554 : i32
        %parallel_loop3A_565 = arith.select %parallel_loop3A_563, %parallel_loop3A_564, %parallel_loop3A_555 : i32
        %parallel_loop3A_566 = arith.constant 8 : i32
        %parallel_loop3A_567 = arith.addi %parallel_loop3A_566, %parallel_loop3A_549 : i32
        %parallel_loop3A_568 = arith.constant 16 : i32
        %parallel_loop3A_569 = arith.muli %parallel_loop3A_565, %parallel_loop3A_568 : i32
        %parallel_loop3A_570 = arith.index_cast %parallel_loop3A_567 : i32 to index
        %parallel_loop3A_571 = arith.index_cast %parallel_loop3A_569 : i32 to index
        %parallel_loop3A_572 = tpu.vector_load %arg6[%parallel_loop3A_570, %parallel_loop3A_571] {strides = array<i32>} : memref<32x512xi32, #tpu.memory_space<vmem>>, vector<16xi32>,
        %parallel_loop3A_573 = arith.constant 16 : i32
        %parallel_loop3A_574 = vector.broadcast %parallel_loop3A_573 : i32 to vector<16xi32>
        %parallel_loop3A_575 = arith.muli %parallel_loop3A_572, %parallel_loop3A_574 : vector<16xi32>
        %parallel_loop3A_576 = arith.constant 16 : i32
        %parallel_loop3A_577 = arith.muli %parallel_loop3A_565, %parallel_loop3A_576 : i32
        %parallel_loop3A_578 = arith.index_cast %parallel_loop3A_549 : i32 to index
        %parallel_loop3A_579 = arith.index_cast %parallel_loop3A_577 : i32 to index
        %parallel_loop3A_580 = tpu.vector_load %arg11[%parallel_loop3A_578, %parallel_loop3A_579] {strides = array<i32>} : memref<8x512xf32, #tpu.memory_space<vmem>>, vector<16xf32>,
        %parallel_loop3A_581 = arith.addi %parallel_loop3A_575, %add3A_167 : vector<16xi32>
        tpu.vector_store_idx %arg15[%parallel_loop3A_581], %parallel_loop3A_580 {add = true} : memref<49152xf32, #tpu.memory_space<vmem>>[vector<16xi32>], vector<16xf32>,
        %parallel_loop3A_582 = arith.constant 16 : i32
        %parallel_loop3A_583 = arith.muli %parallel_loop3A_565, %parallel_loop3A_582 : i32
        %parallel_loop3A_584 = arith.index_cast %parallel_loop3A_549 : i32 to index
        %parallel_loop3A_585 = arith.index_cast %parallel_loop3A_583 : i32 to index
        %parallel_loop3A_586 = tpu.vector_load %arg12[%parallel_loop3A_584, %parallel_loop3A_585] {strides = array<i32>} : memref<8x512xf32, #tpu.memory_space<vmem>>, vector<16xf32>,
        %parallel_loop3A_587 = arith.addi %parallel_loop3A_575, %add3A_173 : vector<16xi32>
        tpu.vector_store_idx %arg15[%parallel_loop3A_587], %parallel_loop3A_586 {add = true} : memref<49152xf32, #tpu.memory_space<vmem>>[vector<16xi32>], vector<16xf32>,
        %parallel_loop3A_588 = arith.constant 16 : i32
        %parallel_loop3A_589 = arith.muli %parallel_loop3A_565, %parallel_loop3A_588 : i32
        %parallel_loop3A_590 = arith.index_cast %parallel_loop3A_549 : i32 to index
        %parallel_loop3A_591 = arith.index_cast %parallel_loop3A_589 : i32 to index
        %parallel_loop3A_592 = tpu.vector_load %arg13[%parallel_loop3A_590, %parallel_loop3A_591] {strides = array<i32>} : memref<8x512xf32, #tpu.memory_space<vmem>>, vector<16xf32>,
        %parallel_loop3A_593 = arith.addi %parallel_loop3A_575, %add3A_179 : vector<16xi32>
        tpu.vector_store_idx %arg15[%parallel_loop3A_593], %parallel_loop3A_592 {add = true} : memref<49152xf32, #tpu.memory_space<vmem>>[vector<16xi32>], vector<16xf32>,
        %parallel_loop3A_594 = arith.constant 16 : i32
        %parallel_loop3A_595 = arith.muli %parallel_loop3A_565, %parallel_loop3A_594 : i32
        %parallel_loop3A_596 = arith.index_cast %parallel_loop3A_549 : i32 to index
        %parallel_loop3A_597 = arith.index_cast %parallel_loop3A_595 : i32 to index
        %parallel_loop3A_598 = tpu.vector_load %arg14[%parallel_loop3A_596, %parallel_loop3A_597] {strides = array<i32>} : memref<8x512xf32, #tpu.memory_space<vmem>>, vector<16xf32>,
        %parallel_loop3A_599 = arith.addi %parallel_loop3A_575, %add3A_185 : vector<16xi32>
        tpu.vector_store_idx %arg15[%parallel_loop3A_599], %parallel_loop3A_598 {add = true} : memref<49152xf32, #tpu.memory_space<vmem>>[vector<16xi32>], vector<16xf32>,
      } {sc.loop_unroll_factor = 8 : i64, sc.parallel_access}
      %add3A_351 = arith.constant 0 : i32
      %add3A_352 = arith.addi %mul3A_161, %add3A_351 : i32
      %mul3A_353 = arith.constant 96 : i32
      %mul3A_354 = arith.muli %select_n3A, %mul3A_353 : i32
      %add3A_355 = arith.addi %mul3A_354, %add3A_352 : i32
      %mul3A_356 = arith.constant 512 : i32
      %mul3A_357 = arith.muli %add3A_355, %mul3A_356 : i32
      %add3A_358 = arith.addi %mul3A_357, %mul3A_32 : i32
      %add3A_359 = arith.constant 24 : i32
      %add3A_360 = arith.addi %add3A_358, %add3A_359 : i32
      %dma_start3A_361 = arith.constant 0 : i32
      %dma_start3A_362 = tpu.memref_slice %arg2[%add3A_360, %dma_start3A_361] : memref<98304x512xf32, #tpu.memory_space<hbm>> -> memref<8x512xf32, #tpu.memory_space<hbm>>
      %dma_start3A_363 = arith.constant 0 : i32
      %dma_start3A_364 = tpu.memref_slice %arg2[%add3A_360, %dma_start3A_363] : memref<98304x512xf32, #tpu.memory_space<hbm>> -> memref<8x512xf32, #tpu.memory_space<hbm>>
      tpu.enqueue_dma source(%dma_start3A_364 : memref<8x512xf32, #tpu.memory_space<hbm>>) target(%arg11 : memref<8x512xf32, #tpu.memory_space<vmem>>) target_semaphore(%arg21 : memref<!tpu.dma_semaphore, #tpu.memory_space<semaphore_mem>>)
      %add3A_365 = arith.constant 1 : i32
      %add3A_366 = arith.addi %mul3A_161, %add3A_365 : i32
      %mul3A_367 = arith.constant 96 : i32
      %mul3A_368 = arith.muli %select_n3A, %mul3A_367 : i32
      %add3A_369 = arith.addi %mul3A_368, %add3A_366 : i32
      %mul3A_370 = arith.constant 512 : i32
      %mul3A_371 = arith.muli %add3A_369, %mul3A_370 : i32
      %add3A_372 = arith.addi %mul3A_371, %mul3A_32 : i32
      %add3A_373 = arith.constant 24 : i32
      %add3A_374 = arith.addi %add3A_372, %add3A_373 : i32
      %dma_start3A_375 = arith.constant 0 : i32
      %dma_start3A_376 = tpu.memref_slice %arg2[%add3A_374, %dma_start3A_375] : memref<98304x512xf32, #tpu.memory_space<hbm>> -> memref<8x512xf32, #tpu.memory_space<hbm>>
      %dma_start3A_377 = arith.constant 0 : i32
      %dma_start3A_378 = tpu.memref_slice %arg2[%add3A_374, %dma_start3A_377] : memref<98304x512xf32, #tpu.memory_space<hbm>> -> memref<8x512xf32, #tpu.memory_space<hbm>>
      tpu.enqueue_dma source(%dma_start3A_378 : memref<8x512xf32, #tpu.memory_space<hbm>>) target(%arg12 : memref<8x512xf32, #tpu.memory_space<vmem>>) target_semaphore(%arg22 : memref<!tpu.dma_semaphore, #tpu.memory_space<semaphore_mem>>)
      %add3A_379 = arith.constant 2 : i32
      %add3A_380 = arith.addi %mul3A_161, %add3A_379 : i32
      %mul3A_381 = arith.constant 96 : i32
      %mul3A_382 = arith.muli %select_n3A, %mul3A_381 : i32
      %add3A_383 = arith.addi %mul3A_382, %add3A_380 : i32
      %mul3A_384 = arith.constant 512 : i32
      %mul3A_385 = arith.muli %add3A_383, %mul3A_384 : i32
      %add3A_386 = arith.addi %mul3A_385, %mul3A_32 : i32
      %add3A_387 = arith.constant 24 : i32
      %add3A_388 = arith.addi %add3A_386, %add3A_387 : i32
      %dma_start3A_389 = arith.constant 0 : i32
      %dma_start3A_390 = tpu.memref_slice %arg2[%add3A_388, %dma_start3A_389] : memref<98304x512xf32, #tpu.memory_space<hbm>> -> memref<8x512xf32, #tpu.memory_space<hbm>>
      %dma_start3A_391 = arith.constant 0 : i32
      %dma_start3A_392 = tpu.memref_slice %arg2[%add3A_388, %dma_start3A_391] : memref<98304x512xf32, #tpu.memory_space<hbm>> -> memref<8x512xf32, #tpu.memory_space<hbm>>
      tpu.enqueue_dma source(%dma_start3A_392 : memref<8x512xf32, #tpu.memory_space<hbm>>) target(%arg13 : memref<8x512xf32, #tpu.memory_space<vmem>>) target_semaphore(%arg23 : memref<!tpu.dma_semaphore, #tpu.memory_space<semaphore_mem>>)
      %add3A_393 = arith.constant 3 : i32
      %add3A_394 = arith.addi %mul3A_161, %add3A_393 : i32
      %mul3A_395 = arith.constant 96 : i32
      %mul3A_396 = arith.muli %select_n3A, %mul3A_395 : i32
      %add3A_397 = arith.addi %mul3A_396, %add3A_394 : i32
      %mul3A_398 = arith.constant 512 : i32
      %mul3A_399 = arith.muli %add3A_397, %mul3A_398 : i32
      %add3A_400 = arith.addi %mul3A_399, %mul3A_32 : i32
      %add3A_401 = arith.constant 24 : i32
      %add3A_402 = arith.addi %add3A_400, %add3A_401 : i32
      %dma_start3A_403 = arith.constant 0 : i32
      %dma_start3A_404 = tpu.memref_slice %arg2[%add3A_402, %dma_start3A_403] : memref<98304x512xf32, #tpu.memory_space<hbm>> -> memref<8x512xf32, #tpu.memory_space<hbm>>
      %dma_start3A_405 = arith.constant 0 : i32
      %dma_start3A_406 = tpu.memref_slice %arg2[%add3A_402, %dma_start3A_405] : memref<98304x512xf32, #tpu.memory_space<hbm>> -> memref<8x512xf32, #tpu.memory_space<hbm>>
      tpu.enqueue_dma source(%dma_start3A_406 : memref<8x512xf32, #tpu.memory_space<hbm>>) target(%arg14 : memref<8x512xf32, #tpu.memory_space<vmem>>) target_semaphore(%arg24 : memref<!tpu.dma_semaphore, #tpu.memory_space<semaphore_mem>>)
      %mul3A_407 = arith.constant 96 : i32
      %mul3A_408 = arith.muli %select_n3A, %mul3A_407 : i32
      %add3A_409 = arith.constant 0 : i32
      %add3A_410 = arith.addi %mul3A_408, %add3A_409 : i32
      %mul3A_411 = arith.constant 512 : i32
      %mul3A_412 = arith.muli %add3A_410, %mul3A_411 : i32
      %add3A_413 = arith.addi %mul3A_412, %mul3A_32 : i32
      %add3A_414 = arith.constant 0 : i32
      %add3A_415 = arith.addi %add3A_413, %add3A_414 : i32
      %dma_wait3A_416 = arith.constant 0 : i32
      %dma_wait3A_417 = tpu.memref_slice %arg2[%add3A_415, %dma_wait3A_416] : memref<98304x512xf32, #tpu.memory_space<hbm>> -> memref<8x512xf32, #tpu.memory_space<hbm>>
      %dma_wait3A_418 = arith.constant 0 : i32
      %dma_wait3A_419 = tpu.memref_slice %arg2[%add3A_415, %dma_wait3A_418] : memref<98304x512xf32, #tpu.memory_space<hbm>> -> memref<8x512xf32, #tpu.memory_space<hbm>>
      tpu.wait_dma2 semaphore(%arg17 : memref<!tpu.dma_semaphore, #tpu.memory_space<semaphore_mem>>) src(%dma_wait3A_419 : memref<8x512xf32, #tpu.memory_space<hbm>>) dst(%arg7 : memref<8x512xf32, #tpu.memory_space<vmem>>)
      %mul3A_420 = arith.constant 96 : i32
      %mul3A_421 = arith.muli %select_n3A, %mul3A_420 : i32
      %add3A_422 = arith.constant 0 : i32
      %add3A_423 = arith.addi %mul3A_421, %add3A_422 : i32
      %mul3A_424 = arith.constant 512 : i32
      %mul3A_425 = arith.muli %add3A_423, %mul3A_424 : i32
      %add3A_426 = arith.addi %mul3A_425, %mul3A_32 : i32
      %add3A_427 = arith.constant 0 : i32
      %add3A_428 = arith.addi %add3A_426, %add3A_427 : i32
      %dma_wait3A_429 = arith.constant 0 : i32
      %dma_wait3A_430 = tpu.memref_slice %arg2[%add3A_428, %dma_wait3A_429] : memref<98304x512xf32, #tpu.memory_space<hbm>> -> memref<8x512xf32, #tpu.memory_space<hbm>>
      %dma_wait3A_431 = arith.constant 0 : i32
      %dma_wait3A_432 = tpu.memref_slice %arg2[%add3A_428, %dma_wait3A_431] : memref<98304x512xf32, #tpu.memory_space<hbm>> -> memref<8x512xf32, #tpu.memory_space<hbm>>
      tpu.wait_dma2 semaphore(%arg18 : memref<!tpu.dma_semaphore, #tpu.memory_space<semaphore_mem>>) src(%dma_wait3A_432 : memref<8x512xf32, #tpu.memory_space<hbm>>) dst(%arg8 : memref<8x512xf32, #tpu.memory_space<vmem>>)
      %mul3A_433 = arith.constant 96 : i32
      %mul3A_434 = arith.muli %select_n3A, %mul3A_433 : i32
      %add3A_435 = arith.constant 0 : i32
      %add3A_436 = arith.addi %mul3A_434, %add3A_435 : i32
      %mul3A_437 = arith.constant 512 : i32
      %mul3A_438 = arith.muli %add3A_436, %mul3A_437 : i32
      %add3A_439 = arith.addi %mul3A_438, %mul3A_32 : i32
      %add3A_440 = arith.constant 0 : i32
      %add3A_441 = arith.addi %add3A_439, %add3A_440 : i32
      %dma_wait3A_442 = arith.constant 0 : i32
      %dma_wait3A_443 = tpu.memref_slice %arg2[%add3A_441, %dma_wait3A_442] : memref<98304x512xf32, #tpu.memory_space<hbm>> -> memref<8x512xf32, #tpu.memory_space<hbm>>
      %dma_wait3A_444 = arith.constant 0 : i32
      %dma_wait3A_445 = tpu.memref_slice %arg2[%add3A_441, %dma_wait3A_444] : memref<98304x512xf32, #tpu.memory_space<hbm>> -> memref<8x512xf32, #tpu.memory_space<hbm>>
      tpu.wait_dma2 semaphore(%arg19 : memref<!tpu.dma_semaphore, #tpu.memory_space<semaphore_mem>>) src(%dma_wait3A_445 : memref<8x512xf32, #tpu.memory_space<hbm>>) dst(%arg9 : memref<8x512xf32, #tpu.memory_space<vmem>>)
      %mul3A_446 = arith.constant 96 : i32
      %mul3A_447 = arith.muli %select_n3A, %mul3A_446 : i32
      %add3A_448 = arith.constant 0 : i32
      %add3A_449 = arith.addi %mul3A_447, %add3A_448 : i32
      %mul3A_450 = arith.constant 512 : i32
      %mul3A_451 = arith.muli %add3A_449, %mul3A_450 : i32
      %add3A_452 = arith.addi %mul3A_451, %mul3A_32 : i32
      %add3A_453 = arith.constant 0 : i32
      %add3A_454 = arith.addi %add3A_452, %add3A_453 : i32
      %dma_wait3A_455 = arith.constant 0 : i32
      %dma_wait3A_456 = tpu.memref_slice %arg2[%add3A_454, %dma_wait3A_455] : memref<98304x512xf32, #tpu.memory_space<hbm>> -> memref<8x512xf32, #tpu.memory_space<hbm>>
      %dma_wait3A_457 = arith.constant 0 : i32
      %dma_wait3A_458 = tpu.memref_slice %arg2[%add3A_454, %dma_wait3A_457] : memref<98304x512xf32, #tpu.memory_space<hbm>> -> memref<8x512xf32, #tpu.memory_space<hbm>>
      tpu.wait_dma2 semaphore(%arg20 : memref<!tpu.dma_semaphore, #tpu.memory_space<semaphore_mem>>) src(%dma_wait3A_458 : memref<8x512xf32, #tpu.memory_space<hbm>>) dst(%arg10 : memref<8x512xf32, #tpu.memory_space<vmem>>)
      %parallel_loop3A_459 = arith.constant 0 : i32
      %parallel_loop3A_460 = arith.constant 256 : i32
      %parallel_loop3A_461 = arith.constant 1 : i32
      scf.for %parallel_loop3A_525 = %parallel_loop3A_459 to %parallel_loop3A_460 step %parallel_loop3A_461  : i32 {
        %parallel_loop3A_526 = arith.constant 32 : i32
        %parallel_loop3A_527 = arith.divsi %parallel_loop3A_525, %parallel_loop3A_526 : i32
        %parallel_loop3A_528 = arith.constant 0 : i32
        %parallel_loop3A_529 = arith.cmpi sgt, %parallel_loop3A_525, %parallel_loop3A_528 : i32
        %parallel_loop3A_530 = arith.extui %parallel_loop3A_529 : i1 to i32
        %parallel_loop3A_531 = arith.constant 0 : i32
        %parallel_loop3A_532 = arith.cmpi slt, %parallel_loop3A_525, %parallel_loop3A_531 : i32
        %parallel_loop3A_533 = arith.extui %parallel_loop3A_532 : i1 to i32
        %parallel_loop3A_534 = arith.subi %parallel_loop3A_530, %parallel_loop3A_533 : i32
        %parallel_loop3A_535 = arith.constant 0 : i32
        %parallel_loop3A_536 = arith.cmpi sgt, %parallel_loop3A_526, %parallel_loop3A_535 : i32
        %parallel_loop3A_537 = arith.extui %parallel_loop3A_536 : i1 to i32
        %parallel_loop3A_538 = arith.constant 0 : i32
        %parallel_loop3A_539 = arith.cmpi slt, %parallel_loop3A_526, %parallel_loop3A_538 : i32
        %parallel_loop3A_540 = arith.extui %parallel_loop3A_539 : i1 to i32
        %parallel_loop3A_541 = arith.subi %parallel_loop3A_537, %parallel_loop3A_540 : i32
        %parallel_loop3A_542 = arith.cmpi ne, %parallel_loop3A_534, %parallel_loop3A_541 : i32
        %parallel_loop3A_543 = arith.remsi %parallel_loop3A_525, %parallel_loop3A_526 : i32
        %parallel_loop3A_544 = arith.constant 0 : i32
        %parallel_loop3A_545 = arith.cmpi ne, %parallel_loop3A_543, %parallel_loop3A_544 : i32
        %parallel_loop3A_546 = arith.andi %parallel_loop3A_542, %parallel_loop3A_545 : i1
        %parallel_loop3A_547 = arith.constant 1 : i32
        %parallel_loop3A_548 = arith.subi %parallel_loop3A_527, %parallel_loop3A_547 : i32
        %parallel_loop3A_549 = arith.select %parallel_loop3A_546, %parallel_loop3A_548, %parallel_loop3A_527 : i32
        %parallel_loop3A_550 = arith.constant 32 : i32
        %parallel_loop3A_551 = arith.constant 0 : i32
        %parallel_loop3A_552 = arith.cmpi eq, %parallel_loop3A_550, %parallel_loop3A_551 : i32
        %parallel_loop3A_553 = arith.constant 1 : i32
        %parallel_loop3A_554 = arith.select %parallel_loop3A_552, %parallel_loop3A_553, %parallel_loop3A_550 : i32
        %parallel_loop3A_555 = arith.remsi %parallel_loop3A_525, %parallel_loop3A_554 : i32
        %parallel_loop3A_556 = arith.constant 0 : i32
        %parallel_loop3A_557 = arith.cmpi ne, %parallel_loop3A_555, %parallel_loop3A_556 : i32
        %parallel_loop3A_558 = arith.constant 0 : i32
        %parallel_loop3A_559 = arith.cmpi slt, %parallel_loop3A_555, %parallel_loop3A_558 : i32
        %parallel_loop3A_560 = arith.constant 0 : i32
        %parallel_loop3A_561 = arith.cmpi slt, %parallel_loop3A_554, %parallel_loop3A_560 : i32
        %parallel_loop3A_562 = arith.xori %parallel_loop3A_559, %parallel_loop3A_561 : i1
        %parallel_loop3A_563 = arith.andi %parallel_loop3A_562, %parallel_loop3A_557 : i1
        %parallel_loop3A_564 = arith.addi %parallel_loop3A_555, %parallel_loop3A_554 : i32
        %parallel_loop3A_565 = arith.select %parallel_loop3A_563, %parallel_loop3A_564, %parallel_loop3A_555 : i32
        %parallel_loop3A_566 = arith.constant 16 : i32
        %parallel_loop3A_567 = arith.addi %parallel_loop3A_566, %parallel_loop3A_549 : i32
        %parallel_loop3A_568 = arith.constant 16 : i32
        %parallel_loop3A_569 = arith.muli %parallel_loop3A_565, %parallel_loop3A_568 : i32
        %parallel_loop3A_570 = arith.index_cast %parallel_loop3A_567 : i32 to index
        %parallel_loop3A_571 = arith.index_cast %parallel_loop3A_569 : i32 to index
        %parallel_loop3A_572 = tpu.vector_load %arg6[%parallel_loop3A_570, %parallel_loop3A_571] {strides = array<i32>} : memref<32x512xi32, #tpu.memory_space<vmem>>, vector<16xi32>,
        %parallel_loop3A_573 = arith.constant 16 : i32
        %parallel_loop3A_574 = vector.broadcast %parallel_loop3A_573 : i32 to vector<16xi32>
        %parallel_loop3A_575 = arith.muli %parallel_loop3A_572, %parallel_loop3A_574 : vector<16xi32>
        %parallel_loop3A_576 = arith.constant 16 : i32
        %parallel_loop3A_577 = arith.muli %parallel_loop3A_565, %parallel_loop3A_576 : i32
        %parallel_loop3A_578 = arith.index_cast %parallel_loop3A_549 : i32 to index
        %parallel_loop3A_579 = arith.index_cast %parallel_loop3A_577 : i32 to index
        %parallel_loop3A_580 = tpu.vector_load %arg7[%parallel_loop3A_578, %parallel_loop3A_579] {strides = array<i32>} : memref<8x512xf32, #tpu.memory_space<vmem>>, vector<16xf32>,
        %parallel_loop3A_581 = arith.addi %parallel_loop3A_575, %add3A_167 : vector<16xi32>
        tpu.vector_store_idx %arg15[%parallel_loop3A_581], %parallel_loop3A_580 {add = true} : memref<49152xf32, #tpu.memory_space<vmem>>[vector<16xi32>], vector<16xf32>,
        %parallel_loop3A_582 = arith.constant 16 : i32
        %parallel_loop3A_583 = arith.muli %parallel_loop3A_565, %parallel_loop3A_582 : i32
        %parallel_loop3A_584 = arith.index_cast %parallel_loop3A_549 : i32 to index
        %parallel_loop3A_585 = arith.index_cast %parallel_loop3A_583 : i32 to index
        %parallel_loop3A_586 = tpu.vector_load %arg8[%parallel_loop3A_584, %parallel_loop3A_585] {strides = array<i32>} : memref<8x512xf32, #tpu.memory_space<vmem>>, vector<16xf32>,
        %parallel_loop3A_587 = arith.addi %parallel_loop3A_575, %add3A_173 : vector<16xi32>
        tpu.vector_store_idx %arg15[%parallel_loop3A_587], %parallel_loop3A_586 {add = true} : memref<49152xf32, #tpu.memory_space<vmem>>[vector<16xi32>], vector<16xf32>,
        %parallel_loop3A_588 = arith.constant 16 : i32
        %parallel_loop3A_589 = arith.muli %parallel_loop3A_565, %parallel_loop3A_588 : i32
        %parallel_loop3A_590 = arith.index_cast %parallel_loop3A_549 : i32 to index
        %parallel_loop3A_591 = arith.index_cast %parallel_loop3A_589 : i32 to index
        %parallel_loop3A_592 = tpu.vector_load %arg9[%parallel_loop3A_590, %parallel_loop3A_591] {strides = array<i32>} : memref<8x512xf32, #tpu.memory_space<vmem>>, vector<16xf32>,
        %parallel_loop3A_593 = arith.addi %parallel_loop3A_575, %add3A_179 : vector<16xi32>
        tpu.vector_store_idx %arg15[%parallel_loop3A_593], %parallel_loop3A_592 {add = true} : memref<49152xf32, #tpu.memory_space<vmem>>[vector<16xi32>], vector<16xf32>,
        %parallel_loop3A_594 = arith.constant 16 : i32
        %parallel_loop3A_595 = arith.muli %parallel_loop3A_565, %parallel_loop3A_594 : i32
        %parallel_loop3A_596 = arith.index_cast %parallel_loop3A_549 : i32 to index
        %parallel_loop3A_597 = arith.index_cast %parallel_loop3A_595 : i32 to index
        %parallel_loop3A_598 = tpu.vector_load %arg10[%parallel_loop3A_596, %parallel_loop3A_597] {strides = array<i32>} : memref<8x512xf32, #tpu.memory_space<vmem>>, vector<16xf32>,
        %parallel_loop3A_599 = arith.addi %parallel_loop3A_575, %add3A_185 : vector<16xi32>
        tpu.vector_store_idx %arg15[%parallel_loop3A_599], %parallel_loop3A_598 {add = true} : memref<49152xf32, #tpu.memory_space<vmem>>[vector<16xi32>], vector<16xf32>,
      } {sc.loop_unroll_factor = 8 : i64, sc.parallel_access}
      %lt3A_462 = arith.constant 23 : i32
      %lt3A_463 = arith.cmpi slt, %scan3A_159, %lt3A_462 : i32
      %convert_element_type3A = arith.extui %lt3A_463 : i1 to i32
      %cond3A = arith.constant 0 : i32
      %cond3A_464 = arith.cmpi ne, %convert_element_type3A, %cond3A : i32
      scf.if %cond3A_464 {
        %add3A_525 = arith.constant 4 : i32
        %add3A_526 = arith.addi %mul3A_161, %add3A_525 : i32
        %add3A_527 = arith.constant 0 : i32
        %add3A_528 = arith.addi %add3A_526, %add3A_527 : i32
        %mul3A_529 = arith.constant 96 : i32
        %mul3A_530 = arith.muli %select_n3A, %mul3A_529 : i32
        %add3A_531 = arith.addi %mul3A_530, %add3A_528 : i32
        %mul3A_532 = arith.constant 512 : i32
        %mul3A_533 = arith.muli %add3A_531, %mul3A_532 : i32
        %add3A_534 = arith.addi %mul3A_533, %mul3A_32 : i32
        %add3A_535 = arith.constant 0 : i32
        %add3A_536 = arith.addi %add3A_534, %add3A_535 : i32
        %dma_start3A_537 = arith.constant 0 : i32
        %dma_start3A_538 = tpu.memref_slice %arg2[%add3A_536, %dma_start3A_537] : memref<98304x512xf32, #tpu.memory_space<hbm>> -> memref<8x512xf32, #tpu.memory_space<hbm>>
        %dma_start3A_539 = arith.constant 0 : i32
        %dma_start3A_540 = tpu.memref_slice %arg2[%add3A_536, %dma_start3A_539] : memref<98304x512xf32, #tpu.memory_space<hbm>> -> memref<8x512xf32, #tpu.memory_space<hbm>>
        tpu.enqueue_dma source(%dma_start3A_540 : memref<8x512xf32, #tpu.memory_space<hbm>>) target(%arg7 : memref<8x512xf32, #tpu.memory_space<vmem>>) target_semaphore(%arg17 : memref<!tpu.dma_semaphore, #tpu.memory_space<semaphore_mem>>)
        %add3A_541 = arith.constant 4 : i32
        %add3A_542 = arith.addi %mul3A_161, %add3A_541 : i32
        %add3A_543 = arith.constant 1 : i32
        %add3A_544 = arith.addi %add3A_542, %add3A_543 : i32
        %mul3A_545 = arith.constant 96 : i32
        %mul3A_546 = arith.muli %select_n3A, %mul3A_545 : i32
        %add3A_547 = arith.addi %mul3A_546, %add3A_544 : i32
        %mul3A_548 = arith.constant 512 : i32
        %mul3A_549 = arith.muli %add3A_547, %mul3A_548 : i32
        %add3A_550 = arith.addi %mul3A_549, %mul3A_32 : i32
        %add3A_551 = arith.constant 0 : i32
        %add3A_552 = arith.addi %add3A_550, %add3A_551 : i32
        %dma_start3A_553 = arith.constant 0 : i32
        %dma_start3A_554 = tpu.memref_slice %arg2[%add3A_552, %dma_start3A_553] : memref<98304x512xf32, #tpu.memory_space<hbm>> -> memref<8x512xf32, #tpu.memory_space<hbm>>
        %dma_start3A_555 = arith.constant 0 : i32
        %dma_start3A_556 = tpu.memref_slice %arg2[%add3A_552, %dma_start3A_555] : memref<98304x512xf32, #tpu.memory_space<hbm>> -> memref<8x512xf32, #tpu.memory_space<hbm>>
        tpu.enqueue_dma source(%dma_start3A_556 : memref<8x512xf32, #tpu.memory_space<hbm>>) target(%arg8 : memref<8x512xf32, #tpu.memory_space<vmem>>) target_semaphore(%arg18 : memref<!tpu.dma_semaphore, #tpu.memory_space<semaphore_mem>>)
        %add3A_557 = arith.constant 4 : i32
        %add3A_558 = arith.addi %mul3A_161, %add3A_557 : i32
        %add3A_559 = arith.constant 2 : i32
        %add3A_560 = arith.addi %add3A_558, %add3A_559 : i32
        %mul3A_561 = arith.constant 96 : i32
        %mul3A_562 = arith.muli %select_n3A, %mul3A_561 : i32
        %add3A_563 = arith.addi %mul3A_562, %add3A_560 : i32
        %mul3A_564 = arith.constant 512 : i32
        %mul3A_565 = arith.muli %add3A_563, %mul3A_564 : i32
        %add3A_566 = arith.addi %mul3A_565, %mul3A_32 : i32
        %add3A_567 = arith.constant 0 : i32
        %add3A_568 = arith.addi %add3A_566, %add3A_567 : i32
        %dma_start3A_569 = arith.constant 0 : i32
        %dma_start3A_570 = tpu.memref_slice %arg2[%add3A_568, %dma_start3A_569] : memref<98304x512xf32, #tpu.memory_space<hbm>> -> memref<8x512xf32, #tpu.memory_space<hbm>>
        %dma_start3A_571 = arith.constant 0 : i32
        %dma_start3A_572 = tpu.memref_slice %arg2[%add3A_568, %dma_start3A_571] : memref<98304x512xf32, #tpu.memory_space<hbm>> -> memref<8x512xf32, #tpu.memory_space<hbm>>
        tpu.enqueue_dma source(%dma_start3A_572 : memref<8x512xf32, #tpu.memory_space<hbm>>) target(%arg9 : memref<8x512xf32, #tpu.memory_space<vmem>>) target_semaphore(%arg19 : memref<!tpu.dma_semaphore, #tpu.memory_space<semaphore_mem>>)
        %add3A_573 = arith.constant 4 : i32
        %add3A_574 = arith.addi %mul3A_161, %add3A_573 : i32
        %add3A_575 = arith.constant 3 : i32
        %add3A_576 = arith.addi %add3A_574, %add3A_575 : i32
        %mul3A_577 = arith.constant 96 : i32
        %mul3A_578 = arith.muli %select_n3A, %mul3A_577 : i32
        %add3A_579 = arith.addi %mul3A_578, %add3A_576 : i32
        %mul3A_580 = arith.constant 512 : i32
        %mul3A_581 = arith.muli %add3A_579, %mul3A_580 : i32
        %add3A_582 = arith.addi %mul3A_581, %mul3A_32 : i32
        %add3A_583 = arith.constant 0 : i32
        %add3A_584 = arith.addi %add3A_582, %add3A_583 : i32
        %dma_start3A_585 = arith.constant 0 : i32
        %dma_start3A_586 = tpu.memref_slice %arg2[%add3A_584, %dma_start3A_585] : memref<98304x512xf32, #tpu.memory_space<hbm>> -> memref<8x512xf32, #tpu.memory_space<hbm>>
        %dma_start3A_587 = arith.constant 0 : i32
        %dma_start3A_588 = tpu.memref_slice %arg2[%add3A_584, %dma_start3A_587] : memref<98304x512xf32, #tpu.memory_space<hbm>> -> memref<8x512xf32, #tpu.memory_space<hbm>>
        tpu.enqueue_dma source(%dma_start3A_588 : memref<8x512xf32, #tpu.memory_space<hbm>>) target(%arg10 : memref<8x512xf32, #tpu.memory_space<vmem>>) target_semaphore(%arg20 : memref<!tpu.dma_semaphore, #tpu.memory_space<semaphore_mem>>)
      } else {
      }
      %mul3A_465 = arith.constant 96 : i32
      %mul3A_466 = arith.muli %select_n3A, %mul3A_465 : i32
      %add3A_467 = arith.constant 0 : i32
      %add3A_468 = arith.addi %mul3A_466, %add3A_467 : i32
      %mul3A_469 = arith.constant 512 : i32
      %mul3A_470 = arith.muli %add3A_468, %mul3A_469 : i32
      %add3A_471 = arith.addi %mul3A_470, %mul3A_32 : i32
      %add3A_472 = arith.constant 0 : i32
      %add3A_473 = arith.addi %add3A_471, %add3A_472 : i32
      %dma_wait3A_474 = arith.constant 0 : i32
      %dma_wait3A_475 = tpu.memref_slice %arg2[%add3A_473, %dma_wait3A_474] : memref<98304x512xf32, #tpu.memory_space<hbm>> -> memref<8x512xf32, #tpu.memory_space<hbm>>
      %dma_wait3A_476 = arith.constant 0 : i32
      %dma_wait3A_477 = tpu.memref_slice %arg2[%add3A_473, %dma_wait3A_476] : memref<98304x512xf32, #tpu.memory_space<hbm>> -> memref<8x512xf32, #tpu.memory_space<hbm>>
      tpu.wait_dma2 semaphore(%arg21 : memref<!tpu.dma_semaphore, #tpu.memory_space<semaphore_mem>>) src(%dma_wait3A_477 : memref<8x512xf32, #tpu.memory_space<hbm>>) dst(%arg11 : memref<8x512xf32, #tpu.memory_space<vmem>>)
      %mul3A_478 = arith.constant 96 : i32
      %mul3A_479 = arith.muli %select_n3A, %mul3A_478 : i32
      %add3A_480 = arith.constant 0 : i32
      %add3A_481 = arith.addi %mul3A_479, %add3A_480 : i32
      %mul3A_482 = arith.constant 512 : i32
      %mul3A_483 = arith.muli %add3A_481, %mul3A_482 : i32
      %add3A_484 = arith.addi %mul3A_483, %mul3A_32 : i32
      %add3A_485 = arith.constant 0 : i32
      %add3A_486 = arith.addi %add3A_484, %add3A_485 : i32
      %dma_wait3A_487 = arith.constant 0 : i32
      %dma_wait3A_488 = tpu.memref_slice %arg2[%add3A_486, %dma_wait3A_487] : memref<98304x512xf32, #tpu.memory_space<hbm>> -> memref<8x512xf32, #tpu.memory_space<hbm>>
      %dma_wait3A_489 = arith.constant 0 : i32
      %dma_wait3A_490 = tpu.memref_slice %arg2[%add3A_486, %dma_wait3A_489] : memref<98304x512xf32, #tpu.memory_space<hbm>> -> memref<8x512xf32, #tpu.memory_space<hbm>>
      tpu.wait_dma2 semaphore(%arg22 : memref<!tpu.dma_semaphore, #tpu.memory_space<semaphore_mem>>) src(%dma_wait3A_490 : memref<8x512xf32, #tpu.memory_space<hbm>>) dst(%arg12 : memref<8x512xf32, #tpu.memory_space<vmem>>)
      %mul3A_491 = arith.constant 96 : i32
      %mul3A_492 = arith.muli %select_n3A, %mul3A_491 : i32
      %add3A_493 = arith.constant 0 : i32
      %add3A_494 = arith.addi %mul3A_492, %add3A_493 : i32
      %mul3A_495 = arith.constant 512 : i32
      %mul3A_496 = arith.muli %add3A_494, %mul3A_495 : i32
      %add3A_497 = arith.addi %mul3A_496, %mul3A_32 : i32
      %add3A_498 = arith.constant 0 : i32
      %add3A_499 = arith.addi %add3A_497, %add3A_498 : i32
      %dma_wait3A_500 = arith.constant 0 : i32
      %dma_wait3A_501 = tpu.memref_slice %arg2[%add3A_499, %dma_wait3A_500] : memref<98304x512xf32, #tpu.memory_space<hbm>> -> memref<8x512xf32, #tpu.memory_space<hbm>>
      %dma_wait3A_502 = arith.constant 0 : i32
      %dma_wait3A_503 = tpu.memref_slice %arg2[%add3A_499, %dma_wait3A_502] : memref<98304x512xf32, #tpu.memory_space<hbm>> -> memref<8x512xf32, #tpu.memory_space<hbm>>
      tpu.wait_dma2 semaphore(%arg23 : memref<!tpu.dma_semaphore, #tpu.memory_space<semaphore_mem>>) src(%dma_wait3A_503 : memref<8x512xf32, #tpu.memory_space<hbm>>) dst(%arg13 : memref<8x512xf32, #tpu.memory_space<vmem>>)
      %mul3A_504 = arith.constant 96 : i32
      %mul3A_505 = arith.muli %select_n3A, %mul3A_504 : i32
      %add3A_506 = arith.constant 0 : i32
      %add3A_507 = arith.addi %mul3A_505, %add3A_506 : i32
      %mul3A_508 = arith.constant 512 : i32
      %mul3A_509 = arith.muli %add3A_507, %mul3A_508 : i32
      %add3A_510 = arith.addi %mul3A_509, %mul3A_32 : i32
      %add3A_511 = arith.constant 0 : i32
      %add3A_512 = arith.addi %add3A_510, %add3A_511 : i32
      %dma_wait3A_513 = arith.constant 0 : i32
      %dma_wait3A_514 = tpu.memref_slice %arg2[%add3A_512, %dma_wait3A_513] : memref<98304x512xf32, #tpu.memory_space<hbm>> -> memref<8x512xf32, #tpu.memory_space<hbm>>
      %dma_wait3A_515 = arith.constant 0 : i32
      %dma_wait3A_516 = tpu.memref_slice %arg2[%add3A_512, %dma_wait3A_515] : memref<98304x512xf32, #tpu.memory_space<hbm>> -> memref<8x512xf32, #tpu.memory_space<hbm>>
      tpu.wait_dma2 semaphore(%arg24 : memref<!tpu.dma_semaphore, #tpu.memory_space<semaphore_mem>>) src(%dma_wait3A_516 : memref<8x512xf32, #tpu.memory_space<hbm>>) dst(%arg14 : memref<8x512xf32, #tpu.memory_space<vmem>>)
      %parallel_loop3A_517 = arith.constant 0 : i32
      %parallel_loop3A_518 = arith.constant 256 : i32
      %parallel_loop3A_519 = arith.constant 1 : i32
      scf.for %parallel_loop3A_525 = %parallel_loop3A_517 to %parallel_loop3A_518 step %parallel_loop3A_519  : i32 {
        %parallel_loop3A_526 = arith.constant 32 : i32
        %parallel_loop3A_527 = arith.divsi %parallel_loop3A_525, %parallel_loop3A_526 : i32
        %parallel_loop3A_528 = arith.constant 0 : i32
        %parallel_loop3A_529 = arith.cmpi sgt, %parallel_loop3A_525, %parallel_loop3A_528 : i32
        %parallel_loop3A_530 = arith.extui %parallel_loop3A_529 : i1 to i32
        %parallel_loop3A_531 = arith.constant 0 : i32
        %parallel_loop3A_532 = arith.cmpi slt, %parallel_loop3A_525, %parallel_loop3A_531 : i32
        %parallel_loop3A_533 = arith.extui %parallel_loop3A_532 : i1 to i32
        %parallel_loop3A_534 = arith.subi %parallel_loop3A_530, %parallel_loop3A_533 : i32
        %parallel_loop3A_535 = arith.constant 0 : i32
        %parallel_loop3A_536 = arith.cmpi sgt, %parallel_loop3A_526, %parallel_loop3A_535 : i32
        %parallel_loop3A_537 = arith.extui %parallel_loop3A_536 : i1 to i32
        %parallel_loop3A_538 = arith.constant 0 : i32
        %parallel_loop3A_539 = arith.cmpi slt, %parallel_loop3A_526, %parallel_loop3A_538 : i32
        %parallel_loop3A_540 = arith.extui %parallel_loop3A_539 : i1 to i32
        %parallel_loop3A_541 = arith.subi %parallel_loop3A_537, %parallel_loop3A_540 : i32
        %parallel_loop3A_542 = arith.cmpi ne, %parallel_loop3A_534, %parallel_loop3A_541 : i32
        %parallel_loop3A_543 = arith.remsi %parallel_loop3A_525, %parallel_loop3A_526 : i32
        %parallel_loop3A_544 = arith.constant 0 : i32
        %parallel_loop3A_545 = arith.cmpi ne, %parallel_loop3A_543, %parallel_loop3A_544 : i32
        %parallel_loop3A_546 = arith.andi %parallel_loop3A_542, %parallel_loop3A_545 : i1
        %parallel_loop3A_547 = arith.constant 1 : i32
        %parallel_loop3A_548 = arith.subi %parallel_loop3A_527, %parallel_loop3A_547 : i32
        %parallel_loop3A_549 = arith.select %parallel_loop3A_546, %parallel_loop3A_548, %parallel_loop3A_527 : i32
        %parallel_loop3A_550 = arith.constant 32 : i32
        %parallel_loop3A_551 = arith.constant 0 : i32
        %parallel_loop3A_552 = arith.cmpi eq, %parallel_loop3A_550, %parallel_loop3A_551 : i32
        %parallel_loop3A_553 = arith.constant 1 : i32
        %parallel_loop3A_554 = arith.select %parallel_loop3A_552, %parallel_loop3A_553, %parallel_loop3A_550 : i32
        %parallel_loop3A_555 = arith.remsi %parallel_loop3A_525, %parallel_loop3A_554 : i32
        %parallel_loop3A_556 = arith.constant 0 : i32
        %parallel_loop3A_557 = arith.cmpi ne, %parallel_loop3A_555, %parallel_loop3A_556 : i32
        %parallel_loop3A_558 = arith.constant 0 : i32
        %parallel_loop3A_559 = arith.cmpi slt, %parallel_loop3A_555, %parallel_loop3A_558 : i32
        %parallel_loop3A_560 = arith.constant 0 : i32
        %parallel_loop3A_561 = arith.cmpi slt, %parallel_loop3A_554, %parallel_loop3A_560 : i32
        %parallel_loop3A_562 = arith.xori %parallel_loop3A_559, %parallel_loop3A_561 : i1
        %parallel_loop3A_563 = arith.andi %parallel_loop3A_562, %parallel_loop3A_557 : i1
        %parallel_loop3A_564 = arith.addi %parallel_loop3A_555, %parallel_loop3A_554 : i32
        %parallel_loop3A_565 = arith.select %parallel_loop3A_563, %parallel_loop3A_564, %parallel_loop3A_555 : i32
        %parallel_loop3A_566 = arith.constant 24 : i32
        %parallel_loop3A_567 = arith.addi %parallel_loop3A_566, %parallel_loop3A_549 : i32
        %parallel_loop3A_568 = arith.constant 16 : i32
        %parallel_loop3A_569 = arith.muli %parallel_loop3A_565, %parallel_loop3A_568 : i32
        %parallel_loop3A_570 = arith.index_cast %parallel_loop3A_567 : i32 to index
        %parallel_loop3A_571 = arith.index_cast %parallel_loop3A_569 : i32 to index
        %parallel_loop3A_572 = tpu.vector_load %arg6[%parallel_loop3A_570, %parallel_loop3A_571] {strides = array<i32>} : memref<32x512xi32, #tpu.memory_space<vmem>>, vector<16xi32>,
        %parallel_loop3A_573 = arith.constant 16 : i32
        %parallel_loop3A_574 = vector.broadcast %parallel_loop3A_573 : i32 to vector<16xi32>
        %parallel_loop3A_575 = arith.muli %parallel_loop3A_572, %parallel_loop3A_574 : vector<16xi32>
        %parallel_loop3A_576 = arith.constant 16 : i32
        %parallel_loop3A_577 = arith.muli %parallel_loop3A_565, %parallel_loop3A_576 : i32
        %parallel_loop3A_578 = arith.index_cast %parallel_loop3A_549 : i32 to index
        %parallel_loop3A_579 = arith.index_cast %parallel_loop3A_577 : i32 to index
        %parallel_loop3A_580 = tpu.vector_load %arg11[%parallel_loop3A_578, %parallel_loop3A_579] {strides = array<i32>} : memref<8x512xf32, #tpu.memory_space<vmem>>, vector<16xf32>,
        %parallel_loop3A_581 = arith.addi %parallel_loop3A_575, %add3A_167 : vector<16xi32>
        tpu.vector_store_idx %arg15[%parallel_loop3A_581], %parallel_loop3A_580 {add = true} : memref<49152xf32, #tpu.memory_space<vmem>>[vector<16xi32>], vector<16xf32>,
        %parallel_loop3A_582 = arith.constant 16 : i32
        %parallel_loop3A_583 = arith.muli %parallel_loop3A_565, %parallel_loop3A_582 : i32
        %parallel_loop3A_584 = arith.index_cast %parallel_loop3A_549 : i32 to index
        %parallel_loop3A_585 = arith.index_cast %parallel_loop3A_583 : i32 to index
        %parallel_loop3A_586 = tpu.vector_load %arg12[%parallel_loop3A_584, %parallel_loop3A_585] {strides = array<i32>} : memref<8x512xf32, #tpu.memory_space<vmem>>, vector<16xf32>,
        %parallel_loop3A_587 = arith.addi %parallel_loop3A_575, %add3A_173 : vector<16xi32>
        tpu.vector_store_idx %arg15[%parallel_loop3A_587], %parallel_loop3A_586 {add = true} : memref<49152xf32, #tpu.memory_space<vmem>>[vector<16xi32>], vector<16xf32>,
        %parallel_loop3A_588 = arith.constant 16 : i32
        %parallel_loop3A_589 = arith.muli %parallel_loop3A_565, %parallel_loop3A_588 : i32
        %parallel_loop3A_590 = arith.index_cast %parallel_loop3A_549 : i32 to index
        %parallel_loop3A_591 = arith.index_cast %parallel_loop3A_589 : i32 to index
        %parallel_loop3A_592 = tpu.vector_load %arg13[%parallel_loop3A_590, %parallel_loop3A_591] {strides = array<i32>} : memref<8x512xf32, #tpu.memory_space<vmem>>, vector<16xf32>,
        %parallel_loop3A_593 = arith.addi %parallel_loop3A_575, %add3A_179 : vector<16xi32>
        tpu.vector_store_idx %arg15[%parallel_loop3A_593], %parallel_loop3A_592 {add = true} : memref<49152xf32, #tpu.memory_space<vmem>>[vector<16xi32>], vector<16xf32>,
        %parallel_loop3A_594 = arith.constant 16 : i32
        %parallel_loop3A_595 = arith.muli %parallel_loop3A_565, %parallel_loop3A_594 : i32
        %parallel_loop3A_596 = arith.index_cast %parallel_loop3A_549 : i32 to index
        %parallel_loop3A_597 = arith.index_cast %parallel_loop3A_595 : i32 to index
        %parallel_loop3A_598 = tpu.vector_load %arg14[%parallel_loop3A_596, %parallel_loop3A_597] {strides = array<i32>} : memref<8x512xf32, #tpu.memory_space<vmem>>, vector<16xf32>,
        %parallel_loop3A_599 = arith.addi %parallel_loop3A_575, %add3A_185 : vector<16xi32>
        tpu.vector_store_idx %arg15[%parallel_loop3A_599], %parallel_loop3A_598 {add = true} : memref<49152xf32, #tpu.memory_space<vmem>>[vector<16xi32>], vector<16xf32>,
      } {sc.loop_unroll_factor = 8 : i64, sc.parallel_access}
      %lt3A_520 = arith.constant 23 : i32
      %lt3A_521 = arith.cmpi slt, %scan3A_159, %lt3A_520 : i32
      %convert_element_type3A_522 = arith.extui %lt3A_521 : i1 to i32
      %cond3A_523 = arith.constant 0 : i32
      %cond3A_524 = arith.cmpi ne, %convert_element_type3A_522, %cond3A_523 : i32
      scf.if %cond3A_524 {
        %add3A_525 = arith.constant 4 : i32
        %add3A_526 = arith.addi %mul3A_161, %add3A_525 : i32
        %add3A_527 = arith.constant 0 : i32
        %add3A_528 = arith.addi %add3A_526, %add3A_527 : i32
        %mul3A_529 = arith.constant 96 : i32
        %mul3A_530 = arith.muli %select_n3A, %mul3A_529 : i32
        %add3A_531 = arith.addi %mul3A_530, %add3A_528 : i32
        %mul3A_532 = arith.constant 512 : i32
        %mul3A_533 = arith.muli %add3A_531, %mul3A_532 : i32
        %add3A_534 = arith.addi %mul3A_533, %mul3A_32 : i32
        %add3A_535 = arith.constant 8 : i32
        %add3A_536 = arith.addi %add3A_534, %add3A_535 : i32
        %dma_start3A_537 = arith.constant 0 : i32
        %dma_start3A_538 = tpu.memref_slice %arg2[%add3A_536, %dma_start3A_537] : memref<98304x512xf32, #tpu.memory_space<hbm>> -> memref<8x512xf32, #tpu.memory_space<hbm>>
        %dma_start3A_539 = arith.constant 0 : i32
        %dma_start3A_540 = tpu.memref_slice %arg2[%add3A_536, %dma_start3A_539] : memref<98304x512xf32, #tpu.memory_space<hbm>> -> memref<8x512xf32, #tpu.memory_space<hbm>>
        tpu.enqueue_dma source(%dma_start3A_540 : memref<8x512xf32, #tpu.memory_space<hbm>>) target(%arg11 : memref<8x512xf32, #tpu.memory_space<vmem>>) target_semaphore(%arg21 : memref<!tpu.dma_semaphore, #tpu.memory_space<semaphore_mem>>)
        %add3A_541 = arith.constant 4 : i32
        %add3A_542 = arith.addi %mul3A_161, %add3A_541 : i32
        %add3A_543 = arith.constant 1 : i32
        %add3A_544 = arith.addi %add3A_542, %add3A_543 : i32
        %mul3A_545 = arith.constant 96 : i32
        %mul3A_546 = arith.muli %select_n3A, %mul3A_545 : i32
        %add3A_547 = arith.addi %mul3A_546, %add3A_544 : i32
        %mul3A_548 = arith.constant 512 : i32
        %mul3A_549 = arith.muli %add3A_547, %mul3A_548 : i32
        %add3A_550 = arith.addi %mul3A_549, %mul3A_32 : i32
        %add3A_551 = arith.constant 8 : i32
        %add3A_552 = arith.addi %add3A_550, %add3A_551 : i32
        %dma_start3A_553 = arith.constant 0 : i32
        %dma_start3A_554 = tpu.memref_slice %arg2[%add3A_552, %dma_start3A_553] : memref<98304x512xf32, #tpu.memory_space<hbm>> -> memref<8x512xf32, #tpu.memory_space<hbm>>
        %dma_start3A_555 = arith.constant 0 : i32
        %dma_start3A_556 = tpu.memref_slice %arg2[%add3A_552, %dma_start3A_555] : memref<98304x512xf32, #tpu.memory_space<hbm>> -> memref<8x512xf32, #tpu.memory_space<hbm>>
        tpu.enqueue_dma source(%dma_start3A_556 : memref<8x512xf32, #tpu.memory_space<hbm>>) target(%arg12 : memref<8x512xf32, #tpu.memory_space<vmem>>) target_semaphore(%arg22 : memref<!tpu.dma_semaphore, #tpu.memory_space<semaphore_mem>>)
        %add3A_557 = arith.constant 4 : i32
        %add3A_558 = arith.addi %mul3A_161, %add3A_557 : i32
        %add3A_559 = arith.constant 2 : i32
        %add3A_560 = arith.addi %add3A_558, %add3A_559 : i32
        %mul3A_561 = arith.constant 96 : i32
        %mul3A_562 = arith.muli %select_n3A, %mul3A_561 : i32
        %add3A_563 = arith.addi %mul3A_562, %add3A_560 : i32
        %mul3A_564 = arith.constant 512 : i32
        %mul3A_565 = arith.muli %add3A_563, %mul3A_564 : i32
        %add3A_566 = arith.addi %mul3A_565, %mul3A_32 : i32
        %add3A_567 = arith.constant 8 : i32
        %add3A_568 = arith.addi %add3A_566, %add3A_567 : i32
        %dma_start3A_569 = arith.constant 0 : i32
        %dma_start3A_570 = tpu.memref_slice %arg2[%add3A_568, %dma_start3A_569] : memref<98304x512xf32, #tpu.memory_space<hbm>> -> memref<8x512xf32, #tpu.memory_space<hbm>>
        %dma_start3A_571 = arith.constant 0 : i32
        %dma_start3A_572 = tpu.memref_slice %arg2[%add3A_568, %dma_start3A_571] : memref<98304x512xf32, #tpu.memory_space<hbm>> -> memref<8x512xf32, #tpu.memory_space<hbm>>
        tpu.enqueue_dma source(%dma_start3A_572 : memref<8x512xf32, #tpu.memory_space<hbm>>) target(%arg13 : memref<8x512xf32, #tpu.memory_space<vmem>>) target_semaphore(%arg23 : memref<!tpu.dma_semaphore, #tpu.memory_space<semaphore_mem>>)
        %add3A_573 = arith.constant 4 : i32
        %add3A_574 = arith.addi %mul3A_161, %add3A_573 : i32
        %add3A_575 = arith.constant 3 : i32
        %add3A_576 = arith.addi %add3A_574, %add3A_575 : i32
        %mul3A_577 = arith.constant 96 : i32
        %mul3A_578 = arith.muli %select_n3A, %mul3A_577 : i32
        %add3A_579 = arith.addi %mul3A_578, %add3A_576 : i32
        %mul3A_580 = arith.constant 512 : i32
        %mul3A_581 = arith.muli %add3A_579, %mul3A_580 : i32
        %add3A_582 = arith.addi %mul3A_581, %mul3A_32 : i32
        %add3A_583 = arith.constant 8 : i32
        %add3A_584 = arith.addi %add3A_582, %add3A_583 : i32
        %dma_start3A_585 = arith.constant 0 : i32
        %dma_start3A_586 = tpu.memref_slice %arg2[%add3A_584, %dma_start3A_585] : memref<98304x512xf32, #tpu.memory_space<hbm>> -> memref<8x512xf32, #tpu.memory_space<hbm>>
        %dma_start3A_587 = arith.constant 0 : i32
        %dma_start3A_588 = tpu.memref_slice %arg2[%add3A_584, %dma_start3A_587] : memref<98304x512xf32, #tpu.memory_space<hbm>> -> memref<8x512xf32, #tpu.memory_space<hbm>>
        tpu.enqueue_dma source(%dma_start3A_588 : memref<8x512xf32, #tpu.memory_space<hbm>>) target(%arg14 : memref<8x512xf32, #tpu.memory_space<vmem>>) target_semaphore(%arg24 : memref<!tpu.dma_semaphore, #tpu.memory_space<semaphore_mem>>)
      } else {
      }
    }
    %scan3A_154 = arith.constant 24 : i32
    %mul3A_155 = arith.constant 49152 : i32
    %mul3A_156 = arith.muli %add3A, %mul3A_155 : i32
    "tpu.region"() ({
      %run_scoped3A = tpu.sem_alloc : memref<!tpu.dma_semaphore, #tpu.memory_space<semaphore_mem>>
      %dma_start3A_159 = tpu.memref_slice %arg4[%mul3A_156] : memref<1572864xf32, #tpu.memory_space<hbm>> -> memref<49152xf32, #tpu.memory_space<hbm>>
      %dma_start3A_160 = tpu.memref_slice %arg4[%mul3A_156] : memref<1572864xf32, #tpu.memory_space<hbm>> -> memref<49152xf32, #tpu.memory_space<hbm>>
      tpu.enqueue_dma source(%arg15 : memref<49152xf32, #tpu.memory_space<vmem>>) target(%dma_start3A_160 : memref<49152xf32, #tpu.memory_space<hbm>>) target_semaphore(%run_scoped3A : memref<!tpu.dma_semaphore, #tpu.memory_space<semaphore_mem>>)
      %dma_wait3A = tpu.memref_slice %arg4[%mul3A_156] : memref<1572864xf32, #tpu.memory_space<hbm>> -> memref<49152xf32, #tpu.memory_space<hbm>>
      %dma_wait3A_161 = tpu.memref_slice %arg4[%mul3A_156] : memref<1572864xf32, #tpu.memory_space<hbm>> -> memref<49152xf32, #tpu.memory_space<hbm>>
      tpu.wait_dma2 semaphore(%run_scoped3A : memref<!tpu.dma_semaphore, #tpu.memory_space<semaphore_mem>>) src(%arg15 : memref<49152xf32, #tpu.memory_space<vmem>>) dst(%dma_wait3A_161 : memref<49152xf32, #tpu.memory_space<hbm>>)
      tpu.yield
    }) : () -> ()
    %mul3A_157 = arith.constant 1024 : i32
    %mul3A_158 = arith.muli %add3A, %mul3A_157 : i32
    "tpu.region"() ({
      %run_scoped3A = tpu.sem_alloc : memref<!tpu.dma_semaphore, #tpu.memory_space<semaphore_mem>>
      %dma_start3A_159 = tpu.memref_slice %arg5[%mul3A_158] : memref<32768xf32, #tpu.memory_space<hbm>> -> memref<1024xf32, #tpu.memory_space<hbm>>
      %dma_start3A_160 = tpu.memref_slice %arg5[%mul3A_158] : memref<32768xf32, #tpu.memory_space<hbm>> -> memref<1024xf32, #tpu.memory_space<hbm>>
      tpu.enqueue_dma source(%arg16 : memref<1024xf32, #tpu.memory_space<vmem>>) target(%dma_start3A_160 : memref<1024xf32, #tpu.memory_space<hbm>>) target_semaphore(%run_scoped3A : memref<!tpu.dma_semaphore, #tpu.memory_space<semaphore_mem>>)
      %dma_wait3A = tpu.memref_slice %arg5[%mul3A_158] : memref<32768xf32, #tpu.memory_space<hbm>> -> memref<1024xf32, #tpu.memory_space<hbm>>
      %dma_wait3A_161 = tpu.memref_slice %arg5[%mul3A_158] : memref<32768xf32, #tpu.memory_space<hbm>> -> memref<1024xf32, #tpu.memory_space<hbm>>
      tpu.wait_dma2 semaphore(%run_scoped3A : memref<!tpu.dma_semaphore, #tpu.memory_space<semaphore_mem>>) src(%arg16 : memref<1024xf32, #tpu.memory_space<vmem>>) dst(%dma_wait3A_161 : memref<1024xf32, #tpu.memory_space<hbm>>)
      tpu.yield
    }) : () -> ()
    return
  }
}

module attributes {stable_mosaic.version = 14 : i64} {
  func.func @_loss_body(%arg0: memref<12288x128xf32, #tpu.memory_space<vmem>>, %arg1: memref<256x128xf32, #tpu.memory_space<vmem>>, %arg2: memref<1x1xf32, #tpu.memory_space<vmem>>) attributes {dimension_semantics = [], scalar_prefetch = 0 : i64, scratch_operands = 0 : i64, tpu.core_type = #tpu.core_type<tc>} {
    %get3A = arith.constant 0 : index
    %get3A_0 = arith.constant 0 : index
    %get3A_1 = vector.load %arg0[%get3A, %get3A_0] : memref<12288x128xf32, #tpu.memory_space<vmem>>, vector<12288x128xf32>
    %reshape3A = vector.shape_cast %get3A_1 : vector<12288x128xf32> to vector<32x384x128xf32>
    %reduce_sum3A = arith.constant dense<0.000000e+00> : vector<384x128xf32>
    %reduce_sum3A_2 = vector.multi_reduction <add>, %reshape3A, %reduce_sum3A [0] : vector<32x384x128xf32> to vector<384x128xf32>
    %iota3A = tpu.iota {dimensions = array<i32: 0>} : vector<128x8xi32>
    %iota3A_3 = tpu.iota {dimensions = array<i32: 1>} : vector<128x8xi32>
    %jit3A = arith.constant 16 : i32
    %div3A = vector.broadcast %jit3A : i32 to vector<128x8xi32>
    %div3A_4 = arith.divsi %iota3A, %div3A : vector<128x8xi32>
    %sign3A = arith.constant 0 : i32
    %sign3A_5 = vector.broadcast %sign3A : i32 to vector<128x8xi32>
    %sign3A_6 = arith.cmpi sgt, %iota3A, %sign3A_5 : vector<128x8xi32>
    %sign3A_7 = arith.extui %sign3A_6 : vector<128x8xi1> to vector<128x8xi32>
    %sign3A_8 = arith.constant 0 : i32
    %sign3A_9 = vector.broadcast %sign3A_8 : i32 to vector<128x8xi32>
    %sign3A_10 = arith.cmpi slt, %iota3A, %sign3A_9 : vector<128x8xi32>
    %sign3A_11 = arith.extui %sign3A_10 : vector<128x8xi1> to vector<128x8xi32>
    %sign3A_12 = arith.subi %sign3A_7, %sign3A_11 : vector<128x8xi32>
    %sign3A_13 = arith.constant 0 : i32
    %sign3A_14 = arith.cmpi sgt, %jit3A, %sign3A_13 : i32
    %sign3A_15 = arith.extui %sign3A_14 : i1 to i32
    %sign3A_16 = arith.constant 0 : i32
    %sign3A_17 = arith.cmpi slt, %jit3A, %sign3A_16 : i32
    %sign3A_18 = arith.extui %sign3A_17 : i1 to i32
    %sign3A_19 = arith.subi %sign3A_15, %sign3A_18 : i32
    %ne3A = vector.broadcast %sign3A_19 : i32 to vector<128x8xi32>
    %ne3A_20 = arith.cmpi ne, %sign3A_12, %ne3A : vector<128x8xi32>
    %rem3A = vector.broadcast %jit3A : i32 to vector<128x8xi32>
    %rem3A_21 = arith.remsi %iota3A, %rem3A : vector<128x8xi32>
    %ne3A_22 = arith.constant 0 : i32
    %ne3A_23 = vector.broadcast %ne3A_22 : i32 to vector<128x8xi32>
    %ne3A_24 = arith.cmpi ne, %rem3A_21, %ne3A_23 : vector<128x8xi32>
    %and3A = arith.andi %ne3A_20, %ne3A_24 : vector<128x8xi1>
    %sub3A = arith.constant 1 : i32
    %sub3A_25 = vector.broadcast %sub3A : i32 to vector<128x8xi32>
    %sub3A_26 = arith.subi %div3A_4, %sub3A_25 : vector<128x8xi32>
    %select_n3A = arith.select %and3A, %sub3A_26, %div3A_4 : vector<128x8xi1>, vector<128x8xi32>
    %eq3A = arith.cmpi eq, %select_n3A, %iota3A_3 : vector<128x8xi32>
    %jit3A_27 = arith.constant 1.000000e+00 : f32
    %jit3A_28 = arith.constant 0.000000e+00 : f32
    %broadcast_in_dim3A = vector.broadcast %jit3A_27 : f32 to vector<128x8xf32>
    %broadcast_in_dim3A_29 = vector.broadcast %jit3A_28 : f32 to vector<128x8xf32>
    %select_n3A_30 = arith.select %eq3A, %broadcast_in_dim3A, %broadcast_in_dim3A_29 : vector<128x8xi1>, vector<128x8xf32>
    %dot_general3A = arith.constant dense<0.000000e+00> : vector<384x8xf32>
    %dot_general3A_31 = tpu.matmul %reduce_sum3A_2, %select_n3A_30, %dot_general3A {dimension_numbers = #tpu.dot_dimension_numbers<[1], [0], [0], [1], [0, 0, 1, 1], [], []>, transpose_lhs_hint = false} : vector<384x128xf32>, vector<128x8xf32>, vector<384x8xf32> -> vector<384x8xf32>
    %iota3A_32 = tpu.iota {dimensions = array<i32: 0>} : vector<96x384xi32>
    %iota3A_33 = tpu.iota {dimensions = array<i32: 1>} : vector<96x384xi32>
    %mul3A = arith.constant 4 : i32
    %mul3A_34 = vector.broadcast %mul3A : i32 to vector<96x384xi32>
    %mul3A_35 = arith.muli %mul3A_34, %iota3A_32 : vector<96x384xi32>
    %add3A = arith.constant 0 : i32
    %add3A_36 = vector.broadcast %add3A : i32 to vector<96x384xi32>
    %add3A_37 = arith.addi %mul3A_35, %add3A_36 : vector<96x384xi32>
    %eq3A_38 = arith.cmpi eq, %iota3A_33, %add3A_37 : vector<96x384xi32>
    %jit3A_39 = arith.constant 1.000000e+00 : f32
    %jit3A_40 = arith.constant 0.000000e+00 : f32
    %broadcast_in_dim3A_41 = vector.broadcast %jit3A_39 : f32 to vector<96x384xf32>
    %broadcast_in_dim3A_42 = vector.broadcast %jit3A_40 : f32 to vector<96x384xf32>
    %select_n3A_43 = arith.select %eq3A_38, %broadcast_in_dim3A_41, %broadcast_in_dim3A_42 : vector<96x384xi1>, vector<96x384xf32>
    %dot_general3A_44 = arith.constant dense<0.000000e+00> : vector<96x8xf32>
    %dot_general3A_45 = tpu.matmul %select_n3A_43, %dot_general3A_31, %dot_general3A_44 {dimension_numbers = #tpu.dot_dimension_numbers<[1], [0], [0], [1], [0, 0, 1, 1], [], []>, transpose_lhs_hint = false} : vector<96x384xf32>, vector<384x8xf32>, vector<96x8xf32> -> vector<96x8xf32>
    %mul3A_46 = arith.constant 4 : i32
    %mul3A_47 = vector.broadcast %mul3A_46 : i32 to vector<96x384xi32>
    %mul3A_48 = arith.muli %mul3A_47, %iota3A_32 : vector<96x384xi32>
    %add3A_49 = arith.constant 1 : i32
    %add3A_50 = vector.broadcast %add3A_49 : i32 to vector<96x384xi32>
    %add3A_51 = arith.addi %mul3A_48, %add3A_50 : vector<96x384xi32>
    %eq3A_52 = arith.cmpi eq, %iota3A_33, %add3A_51 : vector<96x384xi32>
    %jit3A_53 = arith.constant 1.000000e+00 : f32
    %jit3A_54 = arith.constant 0.000000e+00 : f32
    %broadcast_in_dim3A_55 = vector.broadcast %jit3A_53 : f32 to vector<96x384xf32>
    %broadcast_in_dim3A_56 = vector.broadcast %jit3A_54 : f32 to vector<96x384xf32>
    %select_n3A_57 = arith.select %eq3A_52, %broadcast_in_dim3A_55, %broadcast_in_dim3A_56 : vector<96x384xi1>, vector<96x384xf32>
    %dot_general3A_58 = arith.constant dense<0.000000e+00> : vector<96x8xf32>
    %dot_general3A_59 = tpu.matmul %select_n3A_57, %dot_general3A_31, %dot_general3A_58 {dimension_numbers = #tpu.dot_dimension_numbers<[1], [0], [0], [1], [0, 0, 1, 1], [], []>, transpose_lhs_hint = false} : vector<96x384xf32>, vector<384x8xf32>, vector<96x8xf32> -> vector<96x8xf32>
    %mul3A_60 = arith.constant 4 : i32
    %mul3A_61 = vector.broadcast %mul3A_60 : i32 to vector<96x384xi32>
    %mul3A_62 = arith.muli %mul3A_61, %iota3A_32 : vector<96x384xi32>
    %add3A_63 = arith.constant 2 : i32
    %add3A_64 = vector.broadcast %add3A_63 : i32 to vector<96x384xi32>
    %add3A_65 = arith.addi %mul3A_62, %add3A_64 : vector<96x384xi32>
    %eq3A_66 = arith.cmpi eq, %iota3A_33, %add3A_65 : vector<96x384xi32>
    %jit3A_67 = arith.constant 1.000000e+00 : f32
    %jit3A_68 = arith.constant 0.000000e+00 : f32
    %broadcast_in_dim3A_69 = vector.broadcast %jit3A_67 : f32 to vector<96x384xf32>
    %broadcast_in_dim3A_70 = vector.broadcast %jit3A_68 : f32 to vector<96x384xf32>
    %select_n3A_71 = arith.select %eq3A_66, %broadcast_in_dim3A_69, %broadcast_in_dim3A_70 : vector<96x384xi1>, vector<96x384xf32>
    %dot_general3A_72 = arith.constant dense<0.000000e+00> : vector<96x8xf32>
    %dot_general3A_73 = tpu.matmul %select_n3A_71, %dot_general3A_31, %dot_general3A_72 {dimension_numbers = #tpu.dot_dimension_numbers<[1], [0], [0], [1], [0, 0, 1, 1], [], []>, transpose_lhs_hint = false} : vector<96x384xf32>, vector<384x8xf32>, vector<96x8xf32> -> vector<96x8xf32>
    %concatenate3A = tpu.concatenate %dot_general3A_45, %dot_general3A_59, %dot_general3A_73 in 1 : vector<96x8xf32>, vector<96x8xf32>, vector<96x8xf32> -> vector<96x24xf32>
    %slice3A = vector.extract_strided_slice %concatenate3A {offsets = [0, 0], sizes = [96, 19], strides = [1, 1]} : vector<96x24xf32> to vector<96x19xf32>
    %get3A_74 = arith.constant 0 : index
    %get3A_75 = arith.constant 0 : index
    %get3A_76 = vector.load %arg1[%get3A_74, %get3A_75] : memref<256x128xf32, #tpu.memory_space<vmem>>, vector<256x128xf32>
    %reshape3A_77 = vector.shape_cast %get3A_76 : vector<256x128xf32> to vector<32x8x128xf32>
    %reduce_sum3A_78 = arith.constant dense<0.000000e+00> : vector<8x128xf32>
    %reduce_sum3A_79 = vector.multi_reduction <add>, %reshape3A_77, %reduce_sum3A_78 [0] : vector<32x8x128xf32> to vector<8x128xf32>
    %dot_general3A_80 = arith.constant dense<0.000000e+00> : vector<8x8xf32>
    %dot_general3A_81 = tpu.matmul %reduce_sum3A_79, %select_n3A_30, %dot_general3A_80 {dimension_numbers = #tpu.dot_dimension_numbers<[1], [0], [0], [1], [0, 0, 1, 1], [], []>, transpose_lhs_hint = false} : vector<8x128xf32>, vector<128x8xf32>, vector<8x8xf32> -> vector<8x8xf32>
    %slice3A_82 = vector.extract_strided_slice %dot_general3A_81 {offsets = [0, 0], sizes = [1, 8], strides = [1, 1]} : vector<8x8xf32> to vector<1x8xf32>
    %slice3A_83 = vector.extract_strided_slice %dot_general3A_81 {offsets = [1, 0], sizes = [1, 8], strides = [1, 1]} : vector<8x8xf32> to vector<1x8xf32>
    %slice3A_84 = vector.extract_strided_slice %dot_general3A_81 {offsets = [2, 0], sizes = [1, 8], strides = [1, 1]} : vector<8x8xf32> to vector<1x8xf32>
    %concatenate3A_85 = tpu.concatenate %slice3A_82, %slice3A_83, %slice3A_84 in 1 : vector<1x8xf32>, vector<1x8xf32>, vector<1x8xf32> -> vector<1x24xf32>
    %slice3A_86 = vector.extract_strided_slice %concatenate3A_85 {offsets = [0, 0], sizes = [1, 19], strides = [1, 1]} : vector<1x24xf32> to vector<1x19xf32>
    %gt3A = arith.constant 0.000000e+00 : f32
    %gt3A_87 = vector.broadcast %gt3A : f32 to vector<1x19xf32>
    %gt3A_88 = arith.cmpf ogt, %slice3A_86, %gt3A_87 : vector<1x19xf32>
    %max3A = arith.constant 1.000000e+00 : f32
    %max3A_89 = vector.broadcast %max3A : f32 to vector<1x19xf32>
    %max3A_90 = arith.maximumf %slice3A_86, %max3A_89 : vector<1x19xf32>
    %div3A_91 = vector.broadcast %max3A_90 : vector<1x19xf32> to vector<96x19xf32>
    %div3A_92 = arith.divf %slice3A, %div3A_91 : vector<96x19xf32>
    %jit3A_93 = arith.constant 0.000000e+00 : f32
    %broadcast_in_dim3A_94 = vector.shape_cast %gt3A_88 : vector<1x19xi1> to vector<1x19xi1>
    %broadcast_in_dim3A_95 = vector.broadcast %broadcast_in_dim3A_94 : vector<1x19xi1> to vector<96x19xi1>
    %broadcast_in_dim3A_96 = vector.broadcast %jit3A_93 : f32 to vector<96x19xf32>
    %select_n3A_97 = arith.select %broadcast_in_dim3A_95, %div3A_92, %broadcast_in_dim3A_96 : vector<96x19xi1>, vector<96x19xf32>
    %mul3A_98 = arith.mulf %select_n3A_97, %select_n3A_97 : vector<96x19xf32>
    %reduce_sum3A_99 = arith.constant dense<0.000000e+00> : vector<19xf32>
    %reduce_sum3A_100 = vector.multi_reduction <add>, %mul3A_98, %reduce_sum3A_99 [0] : vector<96x19xf32> to vector<19xf32>
    %broadcast_in_dim3A_101 = vector.shape_cast %reduce_sum3A_100 : vector<19xf32> to vector<1x19xf32>
    %sqrt3A = math.sqrt %broadcast_in_dim3A_101 : vector<1x19xf32>
    %max3A_102 = arith.constant 9.99999996E-13 : f32
    %max3A_103 = vector.broadcast %max3A_102 : f32 to vector<1x19xf32>
    %max3A_104 = arith.maximumf %sqrt3A, %max3A_103 : vector<1x19xf32>
    %div3A_105 = vector.broadcast %max3A_104 : vector<1x19xf32> to vector<96x19xf32>
    %div3A_106 = arith.divf %select_n3A_97, %div3A_105 : vector<96x19xf32>
    %dot_general3A_107 = arith.constant dense<0.000000e+00> : vector<19x19xf32>
    %dot_general3A_108 = tpu.matmul %div3A_106, %div3A_106, %dot_general3A_107 {dimension_numbers = #tpu.dot_dimension_numbers<[0], [0], [1], [1], [0, 1, 1, 1], [], []>, transpose_lhs_hint = false} : vector<96x19xf32>, vector<96x19xf32>, vector<19x19xf32> -> vector<19x19xf32>
    %sub3A_109 = arith.constant 1.000000e+00 : f32
    %sub3A_110 = vector.broadcast %sub3A_109 : f32 to vector<19x19xf32>
    %sub3A_111 = arith.subf %sub3A_110, %dot_general3A_108 : vector<19x19xf32>
    %iota3A_112 = tpu.iota {dimensions = array<i32: 0>} : vector<19x19xi32>
    %iota3A_113 = tpu.iota {dimensions = array<i32: 1>} : vector<19x19xi32>
    %eq3A_114 = arith.cmpi eq, %iota3A_112, %iota3A_113 : vector<19x19xi32>
    %jit3A_115 = arith.constant 2.000000e+00 : f32
    %broadcast_in_dim3A_116 = vector.broadcast %jit3A_115 : f32 to vector<19x19xf32>
    %select_n3A_117 = arith.select %eq3A_114, %broadcast_in_dim3A_116, %sub3A_111 : vector<19x19xi1>, vector<19x19xf32>
    %gt3A_118 = arith.constant 0.000000e+00 : f32
    %gt3A_119 = vector.broadcast %gt3A_118 : f32 to vector<1x19xf32>
    %gt3A_120 = arith.cmpf ogt, %slice3A_86, %gt3A_119 : vector<1x19xf32>
    %jit3A_121 = arith.constant 1.000000e+00 : f32
    %jit3A_122 = arith.constant 0.000000e+00 : f32
    %broadcast_in_dim3A_123 = vector.broadcast %jit3A_121 : f32 to vector<1x19xf32>
    %broadcast_in_dim3A_124 = vector.broadcast %jit3A_122 : f32 to vector<1x19xf32>
    %select_n3A_125 = arith.select %gt3A_120, %broadcast_in_dim3A_123, %broadcast_in_dim3A_124 : vector<1x19xi1>, vector<1x19xf32>
    %dot_general3A_126 = arith.constant dense<0.000000e+00> : vector<19x19xf32>
    %dot_general3A_127 = tpu.matmul %select_n3A_125, %select_n3A_125, %dot_general3A_126 {dimension_numbers = #tpu.dot_dimension_numbers<[0], [0], [1], [1], [0, 1, 1, 1], [], []>, transpose_lhs_hint = false} : vector<1x19xf32>, vector<1x19xf32>, vector<19x19xf32> -> vector<19x19xf32>
    %sub3A_128 = arith.constant 5.000000e-01 : f32
    %sub3A_129 = vector.broadcast %sub3A_128 : f32 to vector<19x19xf32>
    %sub3A_130 = arith.subf %sub3A_129, %select_n3A_117 : vector<19x19xf32>
    %max3A_131 = arith.constant 0.000000e+00 : f32
    %max3A_132 = vector.broadcast %max3A_131 : f32 to vector<19x19xf32>
    %max3A_133 = arith.maximumf %sub3A_130, %max3A_132 : vector<19x19xf32>
    %mul3A_134 = arith.mulf %dot_general3A_127, %max3A_133 : vector<19x19xf32>
    %reduce_sum3A_135 = vector.shape_cast %select_n3A_125 : vector<1x19xf32> to vector<1x1x19xf32>
    %reduce_sum3A_136 = arith.constant dense<0.000000e+00> : vector<1xf32>
    %reduce_sum3A_137 = vector.multi_reduction <add>, %reduce_sum3A_135, %reduce_sum3A_136 [1, 2] : vector<1x1x19xf32> to vector<1xf32>
    %reduce_sum3A_138 = vector.shape_cast %reduce_sum3A_137 : vector<1xf32> to vector<1x1x1xf32>
    %reduce_sum3A_139 = vector.extract %reduce_sum3A_138[0, 0, 0] : f32 from vector<1x1x1xf32>
    %reduce_sum3A_140 = vector.shape_cast %mul3A_134 : vector<19x19xf32> to vector<1x19x19xf32>
    %reduce_sum3A_141 = arith.constant dense<0.000000e+00> : vector<1xf32>
    %reduce_sum3A_142 = vector.multi_reduction <add>, %reduce_sum3A_140, %reduce_sum3A_141 [1, 2] : vector<1x19x19xf32> to vector<1xf32>
    %reduce_sum3A_143 = vector.shape_cast %reduce_sum3A_142 : vector<1xf32> to vector<1x1x1xf32>
    %reduce_sum3A_144 = vector.extract %reduce_sum3A_143[0, 0, 0] : f32 from vector<1x1x1xf32>
    %mul3A_145 = arith.constant 1.000000e+00 : f32
    %mul3A_146 = arith.mulf %mul3A_145, %reduce_sum3A_144 : f32
    %mul3A_147 = arith.mulf %reduce_sum3A_139, %reduce_sum3A_139 : f32
    %div3A_148 = arith.divf %mul3A_146, %mul3A_147 : f32
    %reshape3A_149 = vector.broadcast %div3A_148 : f32 to vector<1x1xf32>
    %swap3A = arith.constant 0 : index
    %swap3A_150 = arith.constant 0 : index
    %swap3A_151 = vector.load %arg2[%swap3A, %swap3A_150] : memref<1x1xf32, #tpu.memory_space<vmem>>, vector<1x1xf32>
    tpu.vector_store %arg2[%swap3A, %swap3A_150], %reshape3A_149 {strides = array<i32>} : memref<1x1xf32, #tpu.memory_space<vmem>>, vector<1x1xf32>,
    return
  }
}

</mosaic_0001>

<sc_bundles>
// kernel: kernel.4.cloned.1.call-start
scs
__scs_entry_jumppad:
0x0: {  	(pc) =	sbr.rel $0x88, $3  }
0x1: {  	(tag) =	ssettag $0x0;
	lr =	simm.s32 $0x1  }
0x2: {  	[smem:$0x3F9F] =	sst lr;
	_ =	strace $0xD0000000  }
0x3: {  	_ = 	snop  }
0x4: {  	_ = 	snop  }
0x5: {  	_ = 	snop  }
0x6: {  	_ = 	snop  }
0x7: {  	_ = 	snop  }
__scs_overlays_trampoline_lowered:
0x8: {  	[smem:$0x3FAE] =	sst s0  }
0x9: {  	[smem:$0x3FAF] =	sst s1  }
0xa: {  	[smem:$0x3FB0] =	sst s2  }
0xb: {  	[smem:$0x3FB1] =	sst s3  }
0xc: {  	[smem:$0x3FB2] =	sst s4  }
0xd: {  	[smem:$0x3FB3] =	sst s5  }
0xe: {  	[smem:$0x3FB4] =	sst s6  }
0xf: {  	[smem:$0x3FB5] =	sst s7  }
0x10: {  	[smem:$0x3FB6] =	sst s8  }
0x11: {  	[smem:$0x3FB7] =	sst s9;
	s0 =	simm.s32 @!p0 $0x0  }
0x12: {  	s1 =	sld [smem:$0x3F9D];
	s0 =	simm.s32 @p0 $0x1  }
0x13: {  	[smem:$0x3FB8] =	sst s0;
	s0 =	simm.s32 @!p1 $0x0  }
0x14: {  	s2 =	sld [smem:$0x3F9C];
	s0 =	simm.s32 @p1 $0x1  }
0x15: {  	[smem:$0x3FB9] =	sst s0;
	s0 =	simm.s32 @!p2 $0x0  }
0x16: {  	s3 =	sld [smem:$0x3FDB];
	s0 =	simm.s32 @p2 $0x1  }
0x17: {  	s4 =	simm.s32 $0x1BF5;
	[smem:$0x3FBB] =	sst s0  }
0x18: {  	s0 =	sld [smem:$0x3F9E];
	_ =	swait.ge [sflag:s4], $0x0  }
0x19: {  	s7 =	sld [smem:$0x3F9F]  }
0x1a: {  	s8 =	sadd.s32 $0xFFFFE003, lr  }
0x1b: {  	s9 =	sadd.s32 $0xFFFFFEF7, lr;
	s5 =	simm.s32 $0xFFFFFFFF;
	p2 =	slt.u32 s8, $0xFFFFF086  }
0x1c: {  	p1 =	slt.u32 s9, $0xF7A;
	s5 =	simm.s32 @!p2 $0x0  }
0x1d: {  	s5 =	simm.s32 @p1 $0x1;
	p0 =	seq.s32 s7, s2  }
0x1e: {  	s7 =	smul.u32 @!p0 $0xF7A, s2;
	p2 =	seq.s32 @!p0 s5, $0x0  }
0x1f: {  	s9 =	smul.u32 $0xF7A, s1;
	s8 =	simm.s32 @!p0 $0x1BF5;
	p2 =	por !p2, p0  }
0x20: {  	[sflag:s8] =	ssyncset.s32 @!p0 $0xFFFFF086;
	s6 =	sadd.s32 @!p0 s3, s7;
	s7 =	simm.s32 @!p0 $0x108  }
0x21: {  	s3 =	sadd.s32 s3, s9;
	s6 =	sadd.s32 @!p0 $0x88, s6;
	s7 =	simm.s32 @p2 $0x1082  }
0x22: {  	[simem:s7], [sflag:s8] =	dma.local @!p0 [hbm:s6], $0xF7A  }
0x23: {  	s9 =	sor.u32 $0xD0000000, s2;
	s6 =	simm.s32 $0x108;
	_ =	swait.ge @!p0 [sflag:s8], $0x0  }
0x24: {  	s3 =	sadd.s32 $0x88, s3;
	s6 =	simm.s32 @!p1 $0x1082;
	[sflag:s4] =	ssyncset.s32 $0xFFFFF086  }
0x25: {  	[simem:s6], [sflag:s4] =	dma.local [hbm:s3], $0xF7A  }
0x26: {  	[smem:$0x3F9F] =	sst s1;
	(tag) =	ssettag s2;
	_ =	strace s9  }
0x27: {  	s1 =	sld [smem:$0x3FAF]  }
0x28: {  	s2 =	sld [smem:$0x3FB0]  }
0x29: {  	s4 =	sld [smem:$0x3FB2]  }
0x2a: {  	p0 =	seq.s32 s5, $0x0;
	s5 =	sld [smem:$0x3FB3]  }
0x2b: {  	s6 =	sld [smem:$0x3FB4]  }
0x2c: {  	s7 =	sld [smem:$0x3FB5]  }
0x2d: {  	s3 =	simm.s32 $0x108;
	s8 =	sld [smem:$0x3FB6]  }
0x2e: {  	s3 =	simm.s32 @!p0 $0x1082;
	s9 =	sld [smem:$0x3FB7]  }
0x2f: {  	lr =	sadd.s32 s0, s3;
	s0 =	sld [smem:$0x3FAE]  }
0x30: {  	s3 =	sld [smem:$0x3FB1]  }
0x31: {  	[smem:$0x3FBA] =	sst s10  }
0x32: {  	s10 =	sld [smem:$0x3FB8];
	_ =	sdelay $0x3  }
0x33: {  	p0 =	seq.s32 s10, $0x1;
	s10 =	sld [smem:$0x3FBA];
	_ =	sdelay $0x3  }
0x34: {  	[smem:$0x3FBA] =	sst s10  }
0x35: {  	s10 =	sld [smem:$0x3FB9];
	_ =	sdelay $0x3  }
0x36: {  	p1 =	seq.s32 s10, $0x1;
	s10 =	sld [smem:$0x3FBA];
	_ =	sdelay $0x3  }
0x37: {  	[smem:$0x3FBA] =	sst s10  }
0x38: {  	s10 =	sld [smem:$0x3FBB]  }
0x39: {  	_ = 	snop;
	(pc) =	sbr.ind lr, $3  }
0x3a: {  	_ = 	snop  }
0x3b: {  	_ = 	snop  }
0x3c: {  	p2 =	seq.s32 s10, $0x1;
	s10 =	sld [smem:$0x3FBA]  }
0x3d: {  	_ =	shalt  }
0x3e: {  	_ =	shalt  }
0x3f: {  	_ =	shalt  }
0x40: {  	_ =	shalt  }
0x41: {  	_ =	shalt  }
0x42: {  	_ =	shalt  }
0x43: {  	_ =	shalt  }
0x44: {  	_ =	shalt  }
0x45: {  	_ =	shalt  }
0x46: {  	_ =	shalt  }
0x47: {  	_ =	shalt  }
0x48: {  	_ =	shalt  }
0x49: {  	_ =	shalt  }
0x4a: {  	_ =	shalt  }
0x4b: {  	_ =	shalt  }
0x4c: {  	_ =	shalt  }
0x4d: {  	_ =	shalt  }
0x4e: {  	_ =	shalt  }
0x4f: {  	_ =	shalt  }
0x50: {  	_ =	shalt  }
0x51: {  	_ =	shalt  }
0x52: {  	_ =	shalt  }
0x53: {  	_ =	shalt  }
0x54: {  	_ =	shalt  }
0x55: {  	_ =	shalt  }
0x56: {  	_ =	shalt  }
0x57: {  	_ =	shalt  }
0x58: {  	_ =	shalt  }
0x59: {  	_ =	shalt  }
0x5a: {  	_ =	shalt  }
0x5b: {  	_ =	shalt  }
0x5c: {  	_ =	shalt  }
0x5d: {  	_ =	shalt  }
0x5e: {  	_ =	shalt  }
0x5f: {  	_ =	shalt  }
0x60: {  	_ =	shalt  }
0x61: {  	_ =	shalt  }
0x62: {  	_ =	shalt  }
0x63: {  	_ =	shalt  }
0x64: {  	_ =	shalt  }
0x65: {  	_ =	shalt  }
0x66: {  	_ =	shalt  }
0x67: {  	_ =	shalt  }
0x68: {  	_ =	shalt  }
0x69: {  	_ =	shalt  }
0x6a: {  	_ =	shalt  }
0x6b: {  	_ =	shalt  }
0x6c: {  	_ =	shalt  }
0x6d: {  	_ =	shalt  }
0x6e: {  	_ =	shalt  }
0x6f: {  	_ =	shalt  }
0x70: {  	_ =	shalt  }
0x71: {  	_ =	shalt  }
0x72: {  	_ =	shalt  }
0x73: {  	_ =	shalt  }
0x74: {  	_ =	shalt  }
0x75: {  	_ =	shalt  }
0x76: {  	_ =	shalt  }
0x77: {  	_ =	shalt  }
0x78: {  	_ =	shalt  }
0x79: {  	_ =	shalt  }
0x7a: {  	_ =	shalt  }
0x7b: {  	_ =	shalt  }
0x7c: {  	_ =	shalt  }
0x7d: {  	_ =	shalt  }
0x7e: {  	_ =	shalt  }
0x7f: {  	_ =	shalt  }
0x80: {  	_ =	shalt  }
0x81: {  	_ =	shalt  }
0x82: {  	_ =	shalt  }
0x83: {  	_ =	shalt  }
0x84: {  	_ =	shalt  }
0x85: {  	_ =	shalt  }
0x86: {  	_ =	shalt  }
0x87: {  	_ =	shalt  }
.Lfunc_end0:
.L_simem_size_0:
called_computation_lowered:
.L_overlay_start_0:
0x88: {  	s2 =	sld [smem:$0x3FD9]  }
0x89: {  	s3 =	sld [smem:$0x3FFE];
	_ =	sdelay $0x1  }
0x8a: {  	s1 =	srdreg.scid  }
0x8b: {  	s0 =	sand.u32 $0x1, s1  }
0x8c: {  	s17 =	sshll.u32 s0, $0xA;
	s2 =	sadd.s32 s3, s2  }
0x8d: {  	s2 =	sadd.s32 s2, s17  }
0x8e: {  	[smem:$0x3FC6] =	sst s2  }
0x8f: {  	_ = 	snop  }
0x90: {  	s2 =	sld [smem:$0x3FC9]  }
0x91: {  	s18 =	sld [smem:$0x3FC8];
	(tm) =	ssettm $0x1  }
0x92: {  	s4 =	sld [smem:$0x3FFB];
	_ =	sdelay $0x3  }
0x93: {  	_ =	strace s4  }
0x94: {  	s4 =	sld [smem:$0x3FFC];
	_ =	sdelay $0x3  }
0x95: {  	_ =	strace s4  }
0x96: {  	s4 =	sld [smem:$0x3FFD];
	_ =	sdelay $0x3  }
0x97: {  	_ =	strace s4  }
0x98: {  	_ =	strace $0x8FFFFFFF  }
0x99: {  	s19 =	sld [smem:$0x3FDB];
	_ =	sdelay $0x1  }
0x9a: {  	s5 =	simm.s32 $_scs_section_size  }
0x9b: {  	s6 =	simm.s32 $_size__tile_overlayer_lowered;
	s7 =	simm.s32 $_tile_overlayer_lowered  }
0x9c: {  	s22 =	simm.s32 $0x1BFF;
	s21 =	sshll.u32 s7, $0x1;
	s4 =	sadd.s32 s5, s19  }
0x9d: {  	s8 =	simm.s32 $0x0;
	s20 =	sshll.u32 s6, $0x1;
	s6 =	sadd.s32 s21, s4  }
0x9e: {  	[timem:s8], [sflag:s22] =	dma.local [hbm:s6], s20  }
0x9f: {  	_ =	swait.ge [sflag:s22], s20  }
0xa0: {  	s5 =	ssub.s32 $0x0, s20;
	[sflag:s22] =	ssyncset.done $0x0  }
0xa1: {  	[sflag:s22] =	ssyncadd.s32 s5;
	_ =	sdelay $0x1  }
0xa2: {  	s23 =	simm.s32 $0x1B8B  }
0xa3: {  	_ =	swait.ge [sflag:s23], $0x1  }
0xa4: {  	[sflag:s23] =	ssyncset.done $0x0  }
0xa5: {  	s25 =	simm.s32 $0x1B8E;
	s24 =	sld [smem:$0x3FFE];
	[sflag:s23] =	ssyncadd.s32 $0xFFFFFFFF  }
0xa6: {  	s26 =	simm.s32 $execute0_lowered;
	[smem:$0x3FD2] =	sst s25  }
0xa7: {  	s6 =	sshll.u32 s26, $0x1;
	_ =	strace $0x80000046;
	[dreg:$0x1] =	wrdreg $0xFFFFFFFF  }
0xa8: {  	s28 =	simm.s32 $_size_execute0_lowered;
	s4 =	sadd.s32 s4, s6;
	[dreg:$0x0] =	wrdreg $0x0  }
0xa9: {  	s6 =	sshll.u32 s28, $0x1;
	[dreg:$0x2] =	wrdreg s4  }
0xaa: {  	[dreg:$0x3] =	wrdreg s6  }
0xab: {  	[dreg:$0x4] =	wrdreg $0xC0  }
0xac: {  	_ =	task [dreg:s8], $0x5FFFF  }
0xad: {  	[dreg:$0x1] =	wrdreg $0xFFFFFFFF  }
0xae: {  	[dreg:$0x0] =	wrdreg $0x60  }
0xaf: {  	[dreg:$0x2] =	wrdreg s2  }
0xb0: {  	[dreg:$0x3] =	wrdreg s18  }
0xb1: {  	[dreg:$0x4] =	wrdreg s24  }
0xb2: {  	[dreg:$0x5] =	wrdreg $0x9  }
0xb3: {  	_ =	task.clear_ibuf [dreg:s8], $0x6FFFF;
	_ =	strace $0x90000046  }
0xb4: {  	s29 =	simm.s32 $0x9;
	_ =	strace $0x80000048  }
0xb5: {  	_ =	swait.ge [sflag:s29], $0x1  }
0xb6: {  	[sflag:s29] =	ssyncadd.s32 $0xFFFFFFFF  }
0xb7: {  	_ =	strace $0x90000048  }
0xb8: {  	_ =	sfence  }
0xb9: {  	s30 =	sld [smem:$0x0];
	_ =	sdelay $0x2  }
0xba: {  	s31 =	sshll.u32 s1, $0xD;
	s1 =	sshrl.u32 s1, $0x2  }
0xbb: {  	s3 =	sand.u32 $0x4000, s31;
	s1 =	sadd.s32 s1, s30  }
0xbc: {  	s0 =	sor.u32 s3, s0;
	s1 =	sshll.u32 s1, $0x11  }
0xbd: {  	s0 =	sor.u32 s1, s0  }
0xbe: {  	s0 =	sadd.s32 $0x8F2B, s0  }
0xbf: {  	[sflag:s0] =	ssyncadd.remote.s32 $0x1  }
0xc0: {  	_ =	sfence.sel $0xFFFF  }
0xc1: {  	[dreg:$0x0] =	wrdreg $0xFFFFFFFF;
	(pc) =	sbr.abs _section_cstart, $3  }
0xc2: {  	[dreg:$0x1] =	wrdreg $0xFFFFFFFF  }
0xc3: {  	_ =	task.clear_ibuf [dreg:s8], $0x2FFFF;
	_ =	strace $0x9FFFFFFF  }
0xc4: {  	(tm) =	ssettm $0x7FFFFFFF  }
0xc5: {  	_ =	shalt  }
tec
execute0_lowered:
.L_overlay_start_1:
0x0: {  	(tag) =	ssettag $0x1  }
0x1: {  	s0 =	srdreg.scid;
	s10 =	rddreg [dreg:$0x0]  }
0x2: {  	s1 =	rddreg [dreg:$0x1];
	s5 =	stileid.u32;
	s0 =	sand.u32 $0x1, s0  }
0x3: {  	s3 =	rddreg [dreg:$0x2];
	s14 =	simm.s32 $0x0;
	s2 =	sshll.u32 s0, $0x4  }
0x4: {  	[smem:$0x7FF] =	sst s14;
	s12 =	sadd.s32 $0x200, s10;
	s2 =	sor.u32 s5, s2  }
0x5: {  	_ =	strace $0x80000047;
	s16 =	ssub.s32 $0x2, s0;
	s4 =	smul.u32 $0x1800, s2  }
0x6: {  	s7 =	smul.u32 $0x300000, s0;
	s8 =	sshll.u32 s0, $0x12;
	s2 =	sshll.u32 s2, $0x7  }
0x7: {  	s9 =	sshrl.u32 s16, $0x1;
	s2 =	sadd.s32 s2, s3;
	s6 =	sadd.s32 s4, s3  }
0x8: {  	s4 =	sshll.u32 s5, $0xE;
	s5 =	sshll.u32 s5, $0xB;
	s28 =	sadd.s32 $0x30C00, s2  }
0x9: {  	s3 =	ssub.s32 s16, s9;
	s26 =	sadd.s32 $0xC00, s6;
	[dreg:$0x12] =	wrdreg s28  }
0xa: {  	s7 =	sor.u32 s7, s5;
	s29 =	smax.u32 s3, $0x1;
	[dreg:$0x11] =	wrdreg s26  }
0xb: {  	s8 =	sor.u32 s4, s8;
	s21 =	sadd.s32 s7, s12;
	[dreg:$0x13] =	wrdreg s29  }
0xc: {  	s8 =	sshrl.u32 s8, $0x3;
	s17 =	sadd.s32 s10, s7;
	[dreg:$0x9] =	wrdreg s21  }
0xd: {  	s11 =	simm.s32 $0x8000;
	s1 =	sadd.s32 s1, s8;
	[dreg:$0x4] =	wrdreg s17  }
0xe: {  	s16 =	simm.s32 $0xC000;
	s18 =	sadd.s32 $0x8000, s17;
	[dreg:$0x5] =	wrdreg s1  }
0xf: {  	s2 =	simm.s32 $0x0;
	s19 =	sadd.s32 $0x10000, s17;
	[dreg:$0x6] =	wrdreg s18  }
0x10: {  	s6 =	simm.s32 $0x8;
	s20 =	sadd.s32 $0x18000, s17;
	[dreg:$0x7] =	wrdreg s19  }
0x11: {  	s8 =	smul.u32 $0x60, s0;
	s22 =	sadd.s32 $0x8200, s17;
	[dreg:$0x8] =	wrdreg s20  }
0x12: {  	s23 =	sadd.s32 $0x10200, s17;
	s24 =	sadd.s32 $0x18200, s17;
	[dreg:$0xa] =	wrdreg s22  }
0x13: {  	s17 =	sadd.s32 $0x400, s10;
	s21 =	simm.s32 $0xB000;
	[dreg:$0xb] =	wrdreg s23  }
0x14: {  	[dreg:$0xc] =	wrdreg s24;
	s18 =	sadd.s32 $0x600, s10;
	s1 =	simm.s32 $0x9  }
.Ltmp0:
0x15: {  	s19 =	simm.s32 $0x9000;
	s25 =	sor.u32 $0x7, s8;
	(pc) =	sbr.rel .LBB2_1-.Ltmp0, $4  }
0x16: {  	s20 =	simm.s32 $0xA000;
	s15 =	sor.u32 $0x4, s8;
	[dreg:$0x10] =	wrdreg s25  }
0x17: {  	s10 =	simm.s32 $0x18000;
	s30 =	sor.u32 $0x5, s8;
	[dreg:$0xd] =	wrdreg s15  }
0x18: {  	s23 =	simm.s32 $0x5;
	s31 =	sor.u32 $0x6, s8;
	[dreg:$0xe] =	wrdreg s30  }
0x19: {  	v0 =	vimm.f32 $0.0e+00;
	v1 =	vlaneseq.u32;
	v2 =	vimm.f32 $1.000000000e+00;
	s24 =	simm.s32 $0x6;
	s25 =	simm.s32 $0x7;
	[dreg:$0xf] =	wrdreg s31  }
.LBB2_18:
0x1a: {  	s0 =	rddreg [dreg:$0x11];
	s1 =	simm.s32 $0x9  }
0x1b: {  	[hbm4b:s0+s14] =	stream.linear.scatter [tilespmem:s16], [sflag:$0x9], $0xC000, $0x38;
	[tilespmem:$0x18400] =	vst v63  }
0x1c: {  	_ =	swait.ge [sflag:s1], $0xC000  }
0x1d: {  	[sflag:s1] =	ssyncset.done $0x0  }
0x1e: {  	s30 =	rddreg [dreg:$0x12];
	[sflag:s1] =	ssyncadd.s32 $0xFFFF4000  }
0x1f: {  	[hbm4b:s30+s14] =	stream.linear.scatter [tilespmem:s10], [sflag:$0x9], $0x400, $0x38;
	[tilespmem:$0x18400] =	vst v63  }
0x20: {  	_ =	swait.ge [sflag:s1], $0x400  }
0x21: {  	s2 =	rddreg [dreg:$0x14]  }
0x22: {  	s31 =	rddreg [dreg:$0x13];
	s2 =	sadd.s32 $0x1, s2  }
0x23: {  	p0 =	sne.s32 s2, s31  }
.Ltmp1:
0x24: {  	_ = 	snop;
	(pc) =	sbr.rel @!p0 .LBB2_19-.Ltmp1, $3  }
0x25: {  	_ =	sdelay $0x1  }
0x26: {  	[sflag:s1] =	ssyncset.done $0x0  }
0x27: {  	[sflag:s1] =	ssyncadd.s32 $0xFFFFFC00  }
.LBB2_1:
0x28: {  	[dreg:$0x14] =	wrdreg s2  }
0x29: {  	s0 =	rddreg [dreg:$0x5]  }
0x2a: {  	[tilespmem:s14], [sflag:$0x9] =	stream.linear.gather [hbm4b:s0+s14], $0x4000, $0x38;
	[tilespmem:$0x18400] =	vst v63  }
0x2b: {  	_ =	swait.ge [sflag:s1], $0x4000  }
0x2c: {  	[sflag:s1] =	ssyncset.done $0x0  }
0x2d: {  	s3 =	simm.s32 $0x4000;
	s2 =	rddreg [dreg:$0x4];
	[sflag:s1] =	ssyncadd.s32 $0xFFFFC000  }
0x2e: {  	[tilespmem:s3], [sflag:$0x1] =	stream.linear.gather [hbm4b:s2+s14], $0x1000, $0x38;
	[tilespmem:$0x18400] =	vst v63  }
0x2f: {  	s9 =	simm.s32 $0x5000;
	s7 =	rddreg [dreg:$0x6]  }
0x30: {  	[tilespmem:s9], [sflag:$0x2] =	stream.linear.gather [hbm4b:s7+s14], $0x1000, $0x38;
	[tilespmem:$0x18400] =	vst v63  }
0x31: {  	s15 =	simm.s32 $0x6000;
	s13 =	rddreg [dreg:$0x7]  }
0x32: {  	[tilespmem:s15], [sflag:$0x3] =	stream.linear.gather [hbm4b:s13+s14], $0x1000, $0x38;
	[tilespmem:$0x18400] =	vst v63  }
0x33: {  	s26 =	simm.s32 $0x7000;
	s22 =	rddreg [dreg:$0x8]  }
0x34: {  	[tilespmem:s26], [sflag:$0x4] =	stream.linear.gather [hbm4b:s22+s14], $0x1000, $0x38;
	[tilespmem:$0x18400] =	vst v63  }
0x35: {  	s28 =	rddreg [dreg:$0x9]  }
0x36: {  	[tilespmem:s11], [sflag:$0x5] =	stream.linear.gather [hbm4b:s28+s14], $0x1000, $0x38;
	[tilespmem:$0x18400] =	vst v63  }
0x37: {  	s29 =	rddreg [dreg:$0xa]  }
0x38: {  	[tilespmem:s19], [sflag:$0x6] =	stream.linear.gather [hbm4b:s29+s14], $0x1000, $0x38;
	[tilespmem:$0x18400] =	vst v63  }
0x39: {  	s30 =	rddreg [dreg:$0xb]  }
0x3a: {  	[tilespmem:s20], [sflag:$0x7] =	stream.linear.gather [hbm4b:s30+s14], $0x1000, $0x38;
	[tilespmem:$0x18400] =	vst v63  }
0x3b: {  	s31 =	rddreg [dreg:$0xc];
	s1 =	simm.s32 $0xC040  }
0x3c: {  	[tilespmem:s21], [sflag:$0x8] =	stream.linear.gather [hbm4b:s31+s14], $0x1000, $0x38;
	[tilespmem:$0x18400] =	vst v63  }
0x3d: {  	[tilespmem:s1+$0xFFFFFFC0] =	vst v0  }
0x3e: {  	[tilespmem:s1+$0x30] =	vst v0  }
0x3f: {  	[tilespmem:s1+$0x20] =	vst v0  }
0x40: {  	[tilespmem:s1+$0x10] =	vst v0  }
0x41: {  	[tilespmem:s1+$0x0] =	vst v0  }
0x42: {  	[tilespmem:s1+$0xFFFFFFF0] =	vst v0  }
0x43: {  	s0 =	simm.s32 $0x18020;
	s2 =	simm.s32 $0x0;
	[tilespmem:s1+$0xFFFFFFE0] =	vst v0  }
.LBB2_2:
0x44: {  	s2 =	sadd.s32 $0x8, s2;
	[tilespmem:s1+$0xFFFFFFD0] =	vst v0;
	s1 =	sadd.s32 $0x80, s1  }
0x45: {  	[tilespmem:s1+$0xFFFFFFC0] =	vst v0;
	p0 =	slt.u32 s2, $0xBF8  }
0x46: {  	[tilespmem:s1+$0x30] =	vst v0  }
.Ltmp2:
0x47: {  	[tilespmem:s1+$0x20] =	vst v0;
	(pc) =	sbr.rel @p0 .LBB2_2-.Ltmp2, $4  }
0x48: {  	[tilespmem:s1+$0x10] =	vst v0  }
0x49: {  	[tilespmem:s1+$0x0] =	vst v0  }
0x4a: {  	[tilespmem:s1+$0xFFFFFFF0] =	vst v0  }
0x4b: {  	[tilespmem:s1+$0xFFFFFFE0] =	vst v0  }
0x4c: {  	[tilespmem:s1+$0xFFFFFFD0] =	vst v0  }
0x4d: {  	[tilespmem:s0+$0xFFFFFFE0] =	vst v0  }
0x4e: {  	[tilespmem:s0+$0x10] =	vst v0  }
0x4f: {  	s1 =	simm.s32 $0x0;
	[tilespmem:s0+$0x0] =	vst v0  }
.LBB2_4:
0x50: {  	s1 =	sadd.s32 $0x4, s1  }
0x51: {  	[tilespmem:s0+$0xFFFFFFF0] =	vst v0;
	s0 =	sadd.s32 $0x40, s0;
	p0 =	slt.u32 s1, $0x3C  }
.Ltmp3:
0x52: {  	[tilespmem:s0+$0xFFFFFFE0] =	vst v0;
	(pc) =	sbr.rel @p0 .LBB2_4-.Ltmp3, $3  }
0x53: {  	_ =	sdelay $0x1  }
0x54: {  	[tilespmem:s0+$0x10] =	vst v0  }
0x55: {  	s26 =	simm.s32 $0x0;
	[tilespmem:s0+$0x0] =	vst v0  }
0x56: {  	s1 =	sand.u32 $0x3000, s26;
	s2 =	sand.u32 $0x300, s26  }
0x57: {  	[tilespmem:s0+$0xFFFFFFF0] =	vst v0;
	s7 =	sor.u32 s2, s1  }
0x58: {  	v3 =	vld [tilespmem:s7+$0x80]  }
0x59: {  	v4 =	vld [tilespmem:s7+$0x0];
	_ =	sdelay $0x3  }
0x5a: {  	v3 =	vshll.u32 v3, $0x4  }
0x5b: {  	v4 =	vshll.u32 v4, $0x4;
	v3 =	vor.u32 v1, v3  }
0x5c: {  	v4 =	vor.u32 v1, v4;
	_ =	sdelay $0x3  }
0x5d: {  	[tilespmem:v3+s10+$0x0] =	vst.idx.add.f32.msk $0xffff, v2  }
0x5e: {  	[tilespmem:v4+s10+$0x0] =	vst.idx.add.f32.msk $0xffff, v2  }
0x5f: {  	v3 =	vld [tilespmem:s7+$0x90]  }
0x60: {  	v4 =	vld [tilespmem:s7+$0x10];
	_ =	sdelay $0x3  }
0x61: {  	v3 =	vshll.u32 v3, $0x4  }
0x62: {  	v4 =	vshll.u32 v4, $0x4;
	v3 =	vor.u32 v1, v3  }
0x63: {  	v4 =	vor.u32 v1, v4;
	_ =	sdelay $0x3  }
0x64: {  	[tilespmem:v3+s10+$0x0] =	vst.idx.add.f32.msk $0xffff, v2  }
0x65: {  	[tilespmem:v4+s10+$0x0] =	vst.idx.add.f32.msk $0xffff, v2  }
0x66: {  	v3 =	vld [tilespmem:s7+$0xA0]  }
0x67: {  	v4 =	vld [tilespmem:s7+$0x20];
	_ =	sdelay $0x3  }
0x68: {  	v3 =	vshll.u32 v3, $0x4  }
0x69: {  	v4 =	vshll.u32 v4, $0x4;
	v3 =	vor.u32 v1, v3  }
0x6a: {  	v4 =	vor.u32 v1, v4;
	_ =	sdelay $0x3  }
0x6b: {  	[tilespmem:v3+s10+$0x0] =	vst.idx.add.f32.msk $0xffff, v2  }
0x6c: {  	[tilespmem:v4+s10+$0x0] =	vst.idx.add.f32.msk $0xffff, v2  }
0x6d: {  	v3 =	vld [tilespmem:s7+$0xB0]  }
0x6e: {  	v4 =	vld [tilespmem:s7+$0x30];
	_ =	sdelay $0x3  }
0x6f: {  	v3 =	vshll.u32 v3, $0x4  }
0x70: {  	v4 =	vshll.u32 v4, $0x4;
	v3 =	vor.u32 v1, v3  }
0x71: {  	v4 =	vor.u32 v1, v4;
	_ =	sdelay $0x3  }
0x72: {  	[tilespmem:v3+s10+$0x0] =	vst.idx.add.f32.msk $0xffff, v2  }
0x73: {  	[tilespmem:v4+s10+$0x0] =	vst.idx.add.f32.msk $0xffff, v2  }
0x74: {  	v3 =	vld [tilespmem:s7+$0xC0]  }
0x75: {  	v4 =	vld [tilespmem:s7+$0x40];
	_ =	sdelay $0x3  }
0x76: {  	v3 =	vshll.u32 v3, $0x4  }
0x77: {  	v4 =	vshll.u32 v4, $0x4;
	v3 =	vor.u32 v1, v3  }
0x78: {  	v4 =	vor.u32 v1, v4;
	_ =	sdelay $0x3  }
0x79: {  	[tilespmem:v3+s10+$0x0] =	vst.idx.add.f32.msk $0xffff, v2  }
0x7a: {  	[tilespmem:v4+s10+$0x0] =	vst.idx.add.f32.msk $0xffff, v2  }
0x7b: {  	v3 =	vld [tilespmem:s7+$0xD0]  }
0x7c: {  	v4 =	vld [tilespmem:s7+$0x50];
	_ =	sdelay $0x3  }
0x7d: {  	v3 =	vshll.u32 v3, $0x4  }
0x7e: {  	v4 =	vshll.u32 v4, $0x4;
	v3 =	vor.u32 v1, v3  }
0x7f: {  	v4 =	vor.u32 v1, v4;
	_ =	sdelay $0x3  }
0x80: {  	[tilespmem:v3+s10+$0x0] =	vst.idx.add.f32.msk $0xffff, v2  }
0x81: {  	[tilespmem:v4+s10+$0x0] =	vst.idx.add.f32.msk $0xffff, v2  }
0x82: {  	v3 =	vld [tilespmem:s7+$0xE0]  }
0x83: {  	v4 =	vld [tilespmem:s7+$0x60];
	_ =	sdelay $0x3  }
0x84: {  	v3 =	vshll.u32 v3, $0x4  }
0x85: {  	v4 =	vshll.u32 v4, $0x4;
	v3 =	vor.u32 v1, v3  }
0x86: {  	v4 =	vor.u32 v1, v4;
	_ =	sdelay $0x3  }
0x87: {  	[tilespmem:v3+s10+$0x0] =	vst.idx.add.f32.msk $0xffff, v2  }
0x88: {  	[tilespmem:v4+s10+$0x0] =	vst.idx.add.f32.msk $0xffff, v2  }
0x89: {  	v3 =	vld [tilespmem:s7+$0xF0]  }
0x8a: {  	v4 =	vld [tilespmem:s7+$0x70];
	_ =	sdelay $0x3  }
0x8b: {  	v3 =	vshll.u32 v3, $0x4  }
0x8c: {  	v4 =	vshll.u32 v4, $0x4;
	v3 =	vor.u32 v1, v3  }
0x8d: {  	v4 =	vor.u32 v1, v4;
	_ =	sdelay $0x3  }
0x8e: {  	[tilespmem:v3+s10+$0x0] =	vst.idx.add.f32.msk $0xffff, v2  }
0x8f: {  	[tilespmem:v4+s10+$0x0] =	vst.idx.add.f32.msk $0xffff, v2  }
0x90: {  	v3 =	vld [tilespmem:s7+$0x480]  }
0x91: {  	v4 =	vld [tilespmem:s7+$0x400];
	_ =	sdelay $0x3  }
0x92: {  	v3 =	vshll.u32 v3, $0x4  }
0x93: {  	v4 =	vshll.u32 v4, $0x4;
	v3 =	vor.u32 v1, v3  }
0x94: {  	v4 =	vor.u32 v1, v4;
	_ =	sdelay $0x3  }
0x95: {  	[tilespmem:v3+s10+$0x0] =	vst.idx.add.f32.msk $0xffff, v2  }
0x96: {  	[tilespmem:v4+s10+$0x0] =	vst.idx.add.f32.msk $0xffff, v2  }
0x97: {  	v3 =	vld [tilespmem:s7+$0x490]  }
0x98: {  	v4 =	vld [tilespmem:s7+$0x410];
	_ =	sdelay $0x3  }
0x99: {  	v3 =	vshll.u32 v3, $0x4  }
0x9a: {  	v4 =	vshll.u32 v4, $0x4;
	v3 =	vor.u32 v1, v3  }
0x9b: {  	v4 =	vor.u32 v1, v4;
	_ =	sdelay $0x3  }
0x9c: {  	[tilespmem:v3+s10+$0x0] =	vst.idx.add.f32.msk $0xffff, v2  }
0x9d: {  	[tilespmem:v4+s10+$0x0] =	vst.idx.add.f32.msk $0xffff, v2  }
0x9e: {  	v3 =	vld [tilespmem:s7+$0x4A0]  }
0x9f: {  	v4 =	vld [tilespmem:s7+$0x420];
	_ =	sdelay $0x3  }
0xa0: {  	s9 =	simm.s32 $0x100;
	s28 =	simm.s32 $0x400;
	v3 =	vshll.u32 v3, $0x4  }
0xa1: {  	s11 =	sand.u32 $0x3000, s28;
	s1 =	sand.u32 $0x300, s9;
	v4 =	vshll.u32 v4, $0x4;
	v3 =	vor.u32 v1, v3  }
0xa2: {  	s29 =	sor.u32 s1, s11;
	v4 =	vor.u32 v1, v4  }
0xa3: {  	v5 =	vld [tilespmem:s29+$0x80];
	_ =	sdelay $0x1  }
0xa4: {  	v6 =	vld [tilespmem:s29+$0x0]  }
0xa5: {  	[tilespmem:v3+s10+$0x0] =	vst.idx.add.f32.msk $0xffff, v2  }
0xa6: {  	[tilespmem:v4+s10+$0x0] =	vst.idx.add.f32.msk $0xffff, v2  }
0xa7: {  	v5 =	vshll.u32 v5, $0x4;
	v3 =	vld [tilespmem:s7+$0x4B0]  }
0xa8: {  	v4 =	vor.u32 v1, v5;
	v5 =	vld [tilespmem:s7+$0x430];
	_ =	sdelay $0x1  }
0xa9: {  	v6 =	vshll.u32 v6, $0x4  }
0xaa: {  	v6 =	vor.u32 v1, v6  }
0xab: {  	v3 =	vshll.u32 v3, $0x4  }
0xac: {  	[tilespmem:v4+s10+$0x0] =	vst.idx.add.f32.msk $0xffff, v2;
	v4 =	vshll.u32 v5, $0x4;
	v3 =	vor.u32 v1, v3  }
0xad: {  	v4 =	vor.u32 v1, v4  }
0xae: {  	v5 =	vld [tilespmem:s29+$0x90]  }
0xaf: {  	[tilespmem:v6+s10+$0x0] =	vst.idx.add.f32.msk $0xffff, v2  }
0xb0: {  	v6 =	vld [tilespmem:s29+$0x10]  }
0xb1: {  	[tilespmem:v3+s10+$0x0] =	vst.idx.add.f32.msk $0xffff, v2  }
0xb2: {  	[tilespmem:v4+s10+$0x0] =	vst.idx.add.f32.msk $0xffff, v2  }
0xb3: {  	v5 =	vshll.u32 v5, $0x4;
	v3 =	vld [tilespmem:s7+$0x4C0]  }
0xb4: {  	v4 =	vor.u32 v1, v5;
	v5 =	vld [tilespmem:s7+$0x440];
	_ =	sdelay $0x1  }
0xb5: {  	v6 =	vshll.u32 v6, $0x4  }
0xb6: {  	v6 =	vor.u32 v1, v6  }
0xb7: {  	v3 =	vshll.u32 v3, $0x4  }
0xb8: {  	[tilespmem:v4+s10+$0x0] =	vst.idx.add.f32.msk $0xffff, v2;
	v4 =	vshll.u32 v5, $0x4;
	v3 =	vor.u32 v1, v3  }
0xb9: {  	v4 =	vor.u32 v1, v4  }
0xba: {  	v5 =	vld [tilespmem:s29+$0xA0]  }
0xbb: {  	[tilespmem:v6+s10+$0x0] =	vst.idx.add.f32.msk $0xffff, v2  }
0xbc: {  	v6 =	vld [tilespmem:s29+$0x20]  }
0xbd: {  	[tilespmem:v3+s10+$0x0] =	vst.idx.add.f32.msk $0xffff, v2  }
0xbe: {  	[tilespmem:v4+s10+$0x0] =	vst.idx.add.f32.msk $0xffff, v2  }
0xbf: {  	v5 =	vshll.u32 v5, $0x4;
	v3 =	vld [tilespmem:s7+$0x4D0]  }
0xc0: {  	v4 =	vor.u32 v1, v5;
	v5 =	vld [tilespmem:s7+$0x450];
	_ =	sdelay $0x1  }
0xc1: {  	v6 =	vshll.u32 v6, $0x4  }
0xc2: {  	v6 =	vor.u32 v1, v6  }
0xc3: {  	v3 =	vshll.u32 v3, $0x4  }
0xc4: {  	[tilespmem:v4+s10+$0x0] =	vst.idx.add.f32.msk $0xffff, v2;
	v4 =	vshll.u32 v5, $0x4;
	v3 =	vor.u32 v1, v3  }
0xc5: {  	v4 =	vor.u32 v1, v4  }
0xc6: {  	v5 =	vld [tilespmem:s29+$0xB0]  }
0xc7: {  	[tilespmem:v6+s10+$0x0] =	vst.idx.add.f32.msk $0xffff, v2  }
0xc8: {  	v6 =	vld [tilespmem:s29+$0x30]  }
0xc9: {  	[tilespmem:v3+s10+$0x0] =	vst.idx.add.f32.msk $0xffff, v2  }
0xca: {  	[tilespmem:v4+s10+$0x0] =	vst.idx.add.f32.msk $0xffff, v2  }
0xcb: {  	v5 =	vshll.u32 v5, $0x4;
	v3 =	vld [tilespmem:s7+$0x4E0]  }
0xcc: {  	v4 =	vor.u32 v1, v5;
	v5 =	vld [tilespmem:s7+$0x460];
	_ =	sdelay $0x1  }
0xcd: {  	v6 =	vshll.u32 v6, $0x4  }
0xce: {  	v6 =	vor.u32 v1, v6  }
0xcf: {  	v3 =	vshll.u32 v3, $0x4  }
0xd0: {  	[tilespmem:v4+s10+$0x0] =	vst.idx.add.f32.msk $0xffff, v2;
	v4 =	vshll.u32 v5, $0x4;
	v3 =	vor.u32 v1, v3  }
0xd1: {  	v4 =	vor.u32 v1, v4  }
0xd2: {  	v5 =	vld [tilespmem:s29+$0xC0]  }
0xd3: {  	[tilespmem:v6+s10+$0x0] =	vst.idx.add.f32.msk $0xffff, v2  }
0xd4: {  	v6 =	vld [tilespmem:s29+$0x40]  }
0xd5: {  	[tilespmem:v3+s10+$0x0] =	vst.idx.add.f32.msk $0xffff, v2  }
0xd6: {  	[tilespmem:v4+s10+$0x0] =	vst.idx.add.f32.msk $0xffff, v2  }
0xd7: {  	v5 =	vshll.u32 v5, $0x4;
	v3 =	vld [tilespmem:s7+$0x4F0]  }
0xd8: {  	v4 =	vor.u32 v1, v5;
	v5 =	vld [tilespmem:s7+$0x470];
	_ =	sdelay $0x1  }
0xd9: {  	v6 =	vshll.u32 v6, $0x4  }
0xda: {  	v6 =	vor.u32 v1, v6  }
0xdb: {  	v3 =	vshll.u32 v3, $0x4  }
0xdc: {  	[tilespmem:v4+s10+$0x0] =	vst.idx.add.f32.msk $0xffff, v2;
	v4 =	vshll.u32 v5, $0x4;
	v3 =	vor.u32 v1, v3  }
0xdd: {  	v4 =	vor.u32 v1, v4  }
0xde: {  	v5 =	vld [tilespmem:s29+$0xD0]  }
0xdf: {  	[tilespmem:v6+s10+$0x0] =	vst.idx.add.f32.msk $0xffff, v2  }
0xe0: {  	v6 =	vld [tilespmem:s29+$0x50]  }
0xe1: {  	[tilespmem:v3+s10+$0x0] =	vst.idx.add.f32.msk $0xffff, v2  }
0xe2: {  	[tilespmem:v4+s10+$0x0] =	vst.idx.add.f32.msk $0xffff, v2  }
0xe3: {  	v5 =	vshll.u32 v5, $0x4;
	v3 =	vld [tilespmem:s7+$0x880]  }
0xe4: {  	v4 =	vor.u32 v1, v5;
	v5 =	vld [tilespmem:s7+$0x800];
	_ =	sdelay $0x1  }
0xe5: {  	v6 =	vshll.u32 v6, $0x4  }
0xe6: {  	v6 =	vor.u32 v1, v6  }
0xe7: {  	v3 =	vshll.u32 v3, $0x4  }
0xe8: {  	[tilespmem:v4+s10+$0x0] =	vst.idx.add.f32.msk $0xffff, v2;
	v4 =	vshll.u32 v5, $0x4;
	v3 =	vor.u32 v1, v3  }
0xe9: {  	v4 =	vor.u32 v1, v4  }
0xea: {  	v5 =	vld [tilespmem:s29+$0xE0]  }
0xeb: {  	[tilespmem:v6+s10+$0x0] =	vst.idx.add.f32.msk $0xffff, v2  }
0xec: {  	v6 =	vld [tilespmem:s29+$0x60]  }
0xed: {  	[tilespmem:v3+s10+$0x0] =	vst.idx.add.f32.msk $0xffff, v2  }
0xee: {  	[tilespmem:v4+s10+$0x0] =	vst.idx.add.f32.msk $0xffff, v2  }
0xef: {  	v5 =	vshll.u32 v5, $0x4;
	v3 =	vld [tilespmem:s7+$0x890]  }
0xf0: {  	v4 =	vor.u32 v1, v5;
	v5 =	vld [tilespmem:s7+$0x810];
	_ =	sdelay $0x1  }
0xf1: {  	v6 =	vshll.u32 v6, $0x4  }
0xf2: {  	v6 =	vor.u32 v1, v6  }
0xf3: {  	v3 =	vshll.u32 v3, $0x4  }
0xf4: {  	[tilespmem:v4+s10+$0x0] =	vst.idx.add.f32.msk $0xffff, v2;
	v4 =	vshll.u32 v5, $0x4;
	v3 =	vor.u32 v1, v3  }
0xf5: {  	v4 =	vor.u32 v1, v4  }
0xf6: {  	v5 =	vld [tilespmem:s29+$0xF0]  }
0xf7: {  	[tilespmem:v6+s10+$0x0] =	vst.idx.add.f32.msk $0xffff, v2  }
0xf8: {  	v6 =	vld [tilespmem:s29+$0x70]  }
0xf9: {  	[tilespmem:v3+s10+$0x0] =	vst.idx.add.f32.msk $0xffff, v2  }
0xfa: {  	[tilespmem:v4+s10+$0x0] =	vst.idx.add.f32.msk $0xffff, v2  }
0xfb: {  	v5 =	vshll.u32 v5, $0x4;
	v3 =	vld [tilespmem:s7+$0x8A0]  }
0xfc: {  	v4 =	vor.u32 v1, v5;
	v5 =	vld [tilespmem:s7+$0x820];
	_ =	sdelay $0x1  }
0xfd: {  	v6 =	vshll.u32 v6, $0x4  }
0xfe: {  	v6 =	vor.u32 v1, v6  }
0xff: {  	v3 =	vshll.u32 v3, $0x4  }
0x100: {  	[tilespmem:v4+s10+$0x0] =	vst.idx.add.f32.msk $0xffff, v2;
	v4 =	vshll.u32 v5, $0x4;
	v3 =	vor.u32 v1, v3  }
0x101: {  	v4 =	vor.u32 v1, v4  }
0x102: {  	v5 =	vld [tilespmem:s29+$0x480]  }
0x103: {  	[tilespmem:v6+s10+$0x0] =	vst.idx.add.f32.msk $0xffff, v2  }
0x104: {  	v6 =	vld [tilespmem:s29+$0x400]  }
0x105: {  	[tilespmem:v3+s10+$0x0] =	vst.idx.add.f32.msk $0xffff, v2  }
0x106: {  	[tilespmem:v4+s10+$0x0] =	vst.idx.add.f32.msk $0xffff, v2  }
0x107: {  	v5 =	vshll.u32 v5, $0x4;
	v3 =	vld [tilespmem:s7+$0x8B0]  }
0x108: {  	v4 =	vor.u32 v1, v5;
	v5 =	vld [tilespmem:s7+$0x830];
	_ =	sdelay $0x1  }
0x109: {  	v6 =	vshll.u32 v6, $0x4  }
0x10a: {  	v6 =	vor.u32 v1, v6  }
0x10b: {  	v3 =	vshll.u32 v3, $0x4  }
0x10c: {  	[tilespmem:v4+s10+$0x0] =	vst.idx.add.f32.msk $0xffff, v2;
	v4 =	vshll.u32 v5, $0x4;
	v3 =	vor.u32 v1, v3  }
0x10d: {  	v4 =	vor.u32 v1, v4  }
0x10e: {  	v5 =	vld [tilespmem:s29+$0x490]  }
0x10f: {  	[tilespmem:v6+s10+$0x0] =	vst.idx.add.f32.msk $0xffff, v2  }
0x110: {  	v6 =	vld [tilespmem:s29+$0x410]  }
0x111: {  	[tilespmem:v3+s10+$0x0] =	vst.idx.add.f32.msk $0xffff, v2  }
0x112: {  	[tilespmem:v4+s10+$0x0] =	vst.idx.add.f32.msk $0xffff, v2  }
0x113: {  	v5 =	vshll.u32 v5, $0x4;
	v3 =	vld [tilespmem:s7+$0x8C0]  }
0x114: {  	v4 =	vor.u32 v1, v5;
	v5 =	vld [tilespmem:s7+$0x840];
	_ =	sdelay $0x1  }
0x115: {  	v6 =	vshll.u32 v6, $0x4  }
0x116: {  	v6 =	vor.u32 v1, v6  }
0x117: {  	v3 =	vshll.u32 v3, $0x4  }
0x118: {  	[tilespmem:v4+s10+$0x0] =	vst.idx.add.f32.msk $0xffff, v2;
	v4 =	vshll.u32 v5, $0x4;
	v3 =	vor.u32 v1, v3  }
0x119: {  	v4 =	vor.u32 v1, v4  }
0x11a: {  	v5 =	vld [tilespmem:s29+$0x4A0]  }
0x11b: {  	[tilespmem:v6+s10+$0x0] =	vst.idx.add.f32.msk $0xffff, v2  }
0x11c: {  	v6 =	vld [tilespmem:s29+$0x420]  }
0x11d: {  	[tilespmem:v3+s10+$0x0] =	vst.idx.add.f32.msk $0xffff, v2  }
0x11e: {  	[tilespmem:v4+s10+$0x0] =	vst.idx.add.f32.msk $0xffff, v2  }
0x11f: {  	v5 =	vshll.u32 v5, $0x4;
	v3 =	vld [tilespmem:s7+$0x8D0]  }
0x120: {  	s13 =	simm.s32 $0x200;
	s30 =	simm.s32 $0x800;
	v4 =	vor.u32 v1, v5;
	v5 =	vld [tilespmem:s7+$0x850]  }
0x121: {  	s14 =	sand.u32 $0x3000, s30;
	s1 =	sand.u32 $0x300, s13  }
0x122: {  	s31 =	sor.u32 s1, s14;
	v6 =	vshll.u32 v6, $0x4  }
0x123: {  	v7 =	vld [tilespmem:s31+$0x80];
	v6 =	vor.u32 v1, v6  }
0x124: {  	v8 =	vld [tilespmem:s31+$0x0];
	v3 =	vshll.u32 v3, $0x4  }
0x125: {  	[tilespmem:v4+s10+$0x0] =	vst.idx.add.f32.msk $0xffff, v2;
	v4 =	vshll.u32 v5, $0x4;
	v3 =	vor.u32 v1, v3  }
0x126: {  	v5 =	vld [tilespmem:s29+$0x4B0];
	v4 =	vor.u32 v1, v4;
	_ =	sdelay $0x1  }
0x127: {  	v7 =	vshll.u32 v7, $0x4;
	[tilespmem:v6+s10+$0x0] =	vst.idx.add.f32.msk $0xffff, v2  }
0x128: {  	v6 =	vor.u32 v1, v7;
	v7 =	vld [tilespmem:s29+$0x430]  }
0x129: {  	v8 =	vshll.u32 v8, $0x4;
	[tilespmem:v3+s10+$0x0] =	vst.idx.add.f32.msk $0xffff, v2  }
0x12a: {  	v5 =	vshll.u32 v5, $0x4;
	v3 =	vor.u32 v1, v8;
	[tilespmem:v4+s10+$0x0] =	vst.idx.add.f32.msk $0xffff, v2  }
0x12b: {  	v4 =	vor.u32 v1, v5;
	v8 =	vld [tilespmem:s7+$0x8E0]  }
0x12c: {  	v5 =	vld [tilespmem:s7+$0x860]  }
0x12d: {  	[tilespmem:v6+s10+$0x0] =	vst.idx.add.f32.msk $0xffff, v2  }
0x12e: {  	v6 =	vshll.u32 v7, $0x4;
	v7 =	vld [tilespmem:s31+$0x90]  }
0x12f: {  	v6 =	vor.u32 v1, v6;
	[tilespmem:v3+s10+$0x0] =	vst.idx.add.f32.msk $0xffff, v2  }
0x130: {  	[tilespmem:v4+s10+$0x0] =	vst.idx.add.f32.msk $0xffff, v2;
	v3 =	vshll.u32 v8, $0x4  }
0x131: {  	v8 =	vld [tilespmem:s31+$0x10];
	v4 =	vshll.u32 v5, $0x4;
	v3 =	vor.u32 v1, v3  }
0x132: {  	v5 =	vld [tilespmem:s29+$0x4C0];
	v4 =	vor.u32 v1, v4;
	_ =	sdelay $0x1  }
0x133: {  	v7 =	vshll.u32 v7, $0x4;
	[tilespmem:v6+s10+$0x0] =	vst.idx.add.f32.msk $0xffff, v2  }
0x134: {  	v6 =	vor.u32 v1, v7;
	v7 =	vld [tilespmem:s29+$0x440]  }
0x135: {  	v8 =	vshll.u32 v8, $0x4;
	[tilespmem:v3+s10+$0x0] =	vst.idx.add.f32.msk $0xffff, v2  }
0x136: {  	v5 =	vshll.u32 v5, $0x4;
	v3 =	vor.u32 v1, v8;
	[tilespmem:v4+s10+$0x0] =	vst.idx.add.f32.msk $0xffff, v2  }
0x137: {  	v4 =	vor.u32 v1, v5;
	v8 =	vld [tilespmem:s7+$0x8F0]  }
0x138: {  	v5 =	vld [tilespmem:s7+$0x870]  }
0x139: {  	[tilespmem:v6+s10+$0x0] =	vst.idx.add.f32.msk $0xffff, v2  }
0x13a: {  	v6 =	vshll.u32 v7, $0x4;
	v7 =	vld [tilespmem:s31+$0xA0]  }
0x13b: {  	v6 =	vor.u32 v1, v6;
	[tilespmem:v3+s10+$0x0] =	vst.idx.add.f32.msk $0xffff, v2  }
0x13c: {  	[tilespmem:v4+s10+$0x0] =	vst.idx.add.f32.msk $0xffff, v2;
	v3 =	vshll.u32 v8, $0x4  }
0x13d: {  	v8 =	vld [tilespmem:s31+$0x20];
	v4 =	vshll.u32 v5, $0x4;
	v3 =	vor.u32 v1, v3  }
0x13e: {  	v5 =	vld [tilespmem:s29+$0x4D0];
	v4 =	vor.u32 v1, v4  }
0x13f: {  	s15 =	sand.u32 $0x3, s26  }
0x140: {  	s0 =	sshll.u32 s15, $0x8;
	v7 =	vshll.u32 v7, $0x4;
	[tilespmem:v6+s10+$0x0] =	vst.idx.add.f32.msk $0xffff, v2  }
0x141: {  	s0 =	sadd.s32 $0x0, s0;
	v6 =	vor.u32 v1, v7;
	v7 =	vld [tilespmem:s29+$0x450]  }
0x142: {  	s2 =	sadd.s32 $0x80, s0;
	v8 =	vshll.u32 v8, $0x4;
	[tilespmem:v3+s10+$0x0] =	vst.idx.add.f32.msk $0xffff, v2  }
0x143: {  	s19 =	sor.u32 $0xC00, s2;
	v5 =	vshll.u32 v5, $0x4;
	v3 =	vor.u32 v1, v8;
	[tilespmem:v4+s10+$0x0] =	vst.idx.add.f32.msk $0xffff, v2  }
0x144: {  	s20 =	sor.u32 $0xC00, s0;
	v4 =	vor.u32 v1, v5;
	v8 =	vld [tilespmem:s19+$0x0]  }
0x145: {  	v5 =	vld [tilespmem:s20+$0x0]  }
0x146: {  	[tilespmem:v6+s10+$0x0] =	vst.idx.add.f32.msk $0xffff, v2  }
0x147: {  	v6 =	vshll.u32 v7, $0x4;
	v7 =	vld [tilespmem:s31+$0xB0]  }
0x148: {  	v6 =	vor.u32 v1, v6;
	[tilespmem:v3+s10+$0x0] =	vst.idx.add.f32.msk $0xffff, v2  }
0x149: {  	[tilespmem:v4+s10+$0x0] =	vst.idx.add.f32.msk $0xffff, v2;
	v3 =	vshll.u32 v8, $0x4  }
0x14a: {  	v8 =	vld [tilespmem:s31+$0x30];
	v4 =	vshll.u32 v5, $0x4;
	v3 =	vor.u32 v1, v3  }
0x14b: {  	v5 =	vld [tilespmem:s29+$0x4E0];
	v4 =	vor.u32 v1, v4;
	_ =	sdelay $0x1  }
0x14c: {  	v7 =	vshll.u32 v7, $0x4;
	[tilespmem:v6+s10+$0x0] =	vst.idx.add.f32.msk $0xffff, v2  }
0x14d: {  	v6 =	vor.u32 v1, v7;
	v7 =	vld [tilespmem:s29+$0x460]  }
0x14e: {  	v8 =	vshll.u32 v8, $0x4;
	[tilespmem:v3+s10+$0x0] =	vst.idx.add.f32.msk $0xffff, v2  }
0x14f: {  	s21 =	sor.u32 $0xC10, s2;
	v5 =	vshll.u32 v5, $0x4;
	v3 =	vor.u32 v1, v8;
	[tilespmem:v4+s10+$0x0] =	vst.idx.add.f32.msk $0xffff, v2  }
0x150: {  	s22 =	sor.u32 $0xC10, s0;
	v4 =	vor.u32 v1, v5;
	v8 =	vld [tilespmem:s21+$0x0]  }
0x151: {  	v5 =	vld [tilespmem:s22+$0x0]  }
0x152: {  	[tilespmem:v6+s10+$0x0] =	vst.idx.add.f32.msk $0xffff, v2  }
0x153: {  	v6 =	vshll.u32 v7, $0x4;
	v7 =	vld [tilespmem:s31+$0xC0]  }
0x154: {  	v6 =	vor.u32 v1, v6;
	[tilespmem:v3+s10+$0x0] =	vst.idx.add.f32.msk $0xffff, v2  }
0x155: {  	[tilespmem:v4+s10+$0x0] =	vst.idx.add.f32.msk $0xffff, v2;
	v3 =	vshll.u32 v8, $0x4  }
0x156: {  	v8 =	vld [tilespmem:s31+$0x40];
	v4 =	vshll.u32 v5, $0x4;
	v3 =	vor.u32 v1, v3  }
0x157: {  	v5 =	vld [tilespmem:s29+$0x4F0];
	v4 =	vor.u32 v1, v4;
	_ =	sdelay $0x1  }
0x158: {  	v7 =	vshll.u32 v7, $0x4;
	[tilespmem:v6+s10+$0x0] =	vst.idx.add.f32.msk $0xffff, v2  }
0x159: {  	v6 =	vor.u32 v1, v7;
	v7 =	vld [tilespmem:s29+$0x470]  }
0x15a: {  	v8 =	vshll.u32 v8, $0x4;
	[tilespmem:v3+s10+$0x0] =	vst.idx.add.f32.msk $0xffff, v2  }
0x15b: {  	s3 =	sor.u32 $0xC20, s2;
	v5 =	vshll.u32 v5, $0x4;
	v3 =	vor.u32 v1, v8;
	[tilespmem:v4+s10+$0x0] =	vst.idx.add.f32.msk $0xffff, v2  }
0x15c: {  	s7 =	sor.u32 $0xC20, s0;
	v4 =	vor.u32 v1, v5;
	v8 =	vld [tilespmem:s3+$0x0]  }
0x15d: {  	v5 =	vld [tilespmem:s7+$0x0]  }
0x15e: {  	[tilespmem:v6+s10+$0x0] =	vst.idx.add.f32.msk $0xffff, v2  }
0x15f: {  	v6 =	vshll.u32 v7, $0x4;
	v7 =	vld [tilespmem:s31+$0xD0]  }
0x160: {  	v6 =	vor.u32 v1, v6;
	[tilespmem:v3+s10+$0x0] =	vst.idx.add.f32.msk $0xffff, v2  }
0x161: {  	[tilespmem:v4+s10+$0x0] =	vst.idx.add.f32.msk $0xffff, v2;
	v3 =	vshll.u32 v8, $0x4  }
0x162: {  	v8 =	vld [tilespmem:s31+$0x50];
	v4 =	vshll.u32 v5, $0x4;
	v3 =	vor.u32 v1, v3  }
0x163: {  	v5 =	vld [tilespmem:s29+$0x880];
	v4 =	vor.u32 v1, v4;
	_ =	sdelay $0x1  }
0x164: {  	v7 =	vshll.u32 v7, $0x4;
	[tilespmem:v6+s10+$0x0] =	vst.idx.add.f32.msk $0xffff, v2  }
0x165: {  	v6 =	vor.u32 v1, v7;
	v7 =	vld [tilespmem:s29+$0x800]  }
0x166: {  	v8 =	vshll.u32 v8, $0x4;
	[tilespmem:v3+s10+$0x0] =	vst.idx.add.f32.msk $0xffff, v2  }
0x167: {  	s9 =	sor.u32 $0xC30, s2;
	v5 =	vshll.u32 v5, $0x4;
	v3 =	vor.u32 v1, v8;
	[tilespmem:v4+s10+$0x0] =	vst.idx.add.f32.msk $0xffff, v2  }
0x168: {  	s11 =	sor.u32 $0xC30, s0;
	v4 =	vor.u32 v1, v5;
	v8 =	vld [tilespmem:s9+$0x0]  }
0x169: {  	v5 =	vld [tilespmem:s11+$0x0]  }
0x16a: {  	[tilespmem:v6+s10+$0x0] =	vst.idx.add.f32.msk $0xffff, v2  }
0x16b: {  	v6 =	vshll.u32 v7, $0x4;
	v7 =	vld [tilespmem:s31+$0xE0]  }
0x16c: {  	v6 =	vor.u32 v1, v6;
	[tilespmem:v3+s10+$0x0] =	vst.idx.add.f32.msk $0xffff, v2  }
0x16d: {  	[tilespmem:v4+s10+$0x0] =	vst.idx.add.f32.msk $0xffff, v2;
	v3 =	vshll.u32 v8, $0x4  }
0x16e: {  	v8 =	vld [tilespmem:s31+$0x60];
	v4 =	vshll.u32 v5, $0x4;
	v3 =	vor.u32 v1, v3  }
0x16f: {  	v5 =	vld [tilespmem:s29+$0x890];
	v4 =	vor.u32 v1, v4;
	_ =	sdelay $0x1  }
0x170: {  	v7 =	vshll.u32 v7, $0x4;
	[tilespmem:v6+s10+$0x0] =	vst.idx.add.f32.msk $0xffff, v2  }
0x171: {  	v6 =	vor.u32 v1, v7;
	v7 =	vld [tilespmem:s29+$0x810]  }
0x172: {  	v8 =	vshll.u32 v8, $0x4;
	[tilespmem:v3+s10+$0x0] =	vst.idx.add.f32.msk $0xffff, v2  }
0x173: {  	s13 =	sor.u32 $0xC40, s2;
	v5 =	vshll.u32 v5, $0x4;
	v3 =	vor.u32 v1, v8;
	[tilespmem:v4+s10+$0x0] =	vst.idx.add.f32.msk $0xffff, v2  }
0x174: {  	s14 =	sor.u32 $0xC40, s0;
	v4 =	vor.u32 v1, v5;
	v8 =	vld [tilespmem:s13+$0x0]  }
0x175: {  	v5 =	vld [tilespmem:s14+$0x0]  }
0x176: {  	[tilespmem:v6+s10+$0x0] =	vst.idx.add.f32.msk $0xffff, v2  }
0x177: {  	v6 =	vshll.u32 v7, $0x4;
	v7 =	vld [tilespmem:s31+$0xF0]  }
0x178: {  	v6 =	vor.u32 v1, v6;
	[tilespmem:v3+s10+$0x0] =	vst.idx.add.f32.msk $0xffff, v2  }
0x179: {  	[tilespmem:v4+s10+$0x0] =	vst.idx.add.f32.msk $0xffff, v2;
	v3 =	vshll.u32 v8, $0x4  }
0x17a: {  	v8 =	vld [tilespmem:s31+$0x70];
	v4 =	vshll.u32 v5, $0x4;
	v3 =	vor.u32 v1, v3  }
0x17b: {  	v5 =	vld [tilespmem:s29+$0x8A0];
	v4 =	vor.u32 v1, v4;
	_ =	sdelay $0x1  }
0x17c: {  	v7 =	vshll.u32 v7, $0x4;
	[tilespmem:v6+s10+$0x0] =	vst.idx.add.f32.msk $0xffff, v2  }
0x17d: {  	v6 =	vor.u32 v1, v7;
	v7 =	vld [tilespmem:s29+$0x820]  }
0x17e: {  	v8 =	vshll.u32 v8, $0x4;
	[tilespmem:v3+s10+$0x0] =	vst.idx.add.f32.msk $0xffff, v2  }
0x17f: {  	s15 =	sor.u32 $0xC50, s2;
	v5 =	vshll.u32 v5, $0x4;
	v3 =	vor.u32 v1, v8;
	[tilespmem:v4+s10+$0x0] =	vst.idx.add.f32.msk $0xffff, v2  }
0x180: {  	s19 =	sor.u32 $0xC50, s0;
	v4 =	vor.u32 v1, v5;
	v8 =	vld [tilespmem:s15+$0x0]  }
0x181: {  	v5 =	vld [tilespmem:s19+$0x0]  }
0x182: {  	[tilespmem:v6+s10+$0x0] =	vst.idx.add.f32.msk $0xffff, v2  }
0x183: {  	v6 =	vshll.u32 v7, $0x4;
	v7 =	vld [tilespmem:s31+$0x480]  }
0x184: {  	v6 =	vor.u32 v1, v6;
	[tilespmem:v3+s10+$0x0] =	vst.idx.add.f32.msk $0xffff, v2  }
0x185: {  	[tilespmem:v4+s10+$0x0] =	vst.idx.add.f32.msk $0xffff, v2;
	v3 =	vshll.u32 v8, $0x4  }
0x186: {  	v8 =	vld [tilespmem:s31+$0x400];
	v4 =	vshll.u32 v5, $0x4;
	v3 =	vor.u32 v1, v3  }
0x187: {  	v5 =	vld [tilespmem:s29+$0x8B0];
	v4 =	vor.u32 v1, v4;
	_ =	sdelay $0x1  }
0x188: {  	v7 =	vshll.u32 v7, $0x4;
	[tilespmem:v6+s10+$0x0] =	vst.idx.add.f32.msk $0xffff, v2  }
0x189: {  	v6 =	vor.u32 v1, v7;
	v7 =	vld [tilespmem:s29+$0x830]  }
0x18a: {  	v8 =	vshll.u32 v8, $0x4;
	[tilespmem:v3+s10+$0x0] =	vst.idx.add.f32.msk $0xffff, v2  }
0x18b: {  	s20 =	sor.u32 $0xC60, s2;
	v5 =	vshll.u32 v5, $0x4;
	v3 =	vor.u32 v1, v8;
	[tilespmem:v4+s10+$0x0] =	vst.idx.add.f32.msk $0xffff, v2  }
0x18c: {  	s21 =	sor.u32 $0xC60, s0;
	v4 =	vor.u32 v1, v5;
	v8 =	vld [tilespmem:s20+$0x0]  }
0x18d: {  	v5 =	vld [tilespmem:s21+$0x0]  }
0x18e: {  	[tilespmem:v6+s10+$0x0] =	vst.idx.add.f32.msk $0xffff, v2  }
0x18f: {  	v6 =	vshll.u32 v7, $0x4;
	v7 =	vld [tilespmem:s31+$0x490]  }
0x190: {  	v6 =	vor.u32 v1, v6;
	[tilespmem:v3+s10+$0x0] =	vst.idx.add.f32.msk $0xffff, v2  }
0x191: {  	[tilespmem:v4+s10+$0x0] =	vst.idx.add.f32.msk $0xffff, v2;
	v3 =	vshll.u32 v8, $0x4  }
0x192: {  	v8 =	vld [tilespmem:s31+$0x410];
	v4 =	vshll.u32 v5, $0x4;
	v3 =	vor.u32 v1, v3  }
0x193: {  	v5 =	vld [tilespmem:s29+$0x8C0];
	v4 =	vor.u32 v1, v4  }
0x194: {  	v7 =	vshll.u32 v7, $0x4  }
0x195: {  	[tilespmem:v6+s10+$0x0] =	vst.idx.add.f32.msk $0xffff, v2;
	v6 =	vor.u32 v1, v7  }
0x196: {  	v7 =	vld [tilespmem:s29+$0x840]  }
0x197: {  	v8 =	vshll.u32 v8, $0x4;
	[tilespmem:v3+s10+$0x0] =	vst.idx.add.f32.msk $0xffff, v2  }
0x198: {  	s22 =	sor.u32 $0xC70, s2;
	v5 =	vshll.u32 v5, $0x4;
	v3 =	vor.u32 v1, v8;
	[tilespmem:v4+s10+$0x0] =	vst.idx.add.f32.msk $0xffff, v2  }
0x199: {  	v4 =	vor.u32 v1, v5;
	v8 =	vld [tilespmem:s22+$0x0]  }
0x19a: {  	[tilespmem:v6+s10+$0x0] =	vst.idx.add.f32.msk $0xffff, v2  }
0x19b: {  	v6 =	vshll.u32 v7, $0x4;
	v7 =	vld [tilespmem:s31+$0x4A0];
	s0 =	sor.u32 $0xC70, s0  }
0x19c: {  	v5 =	vld [tilespmem:s0+$0x0]  }
0x19d: {  	v9 =	vor.u32 v1, v6;
	[tilespmem:v3+s10+$0x0] =	vst.idx.add.f32.msk $0xffff, v2  }
0x19e: {  	[tilespmem:v4+s10+$0x0] =	vst.idx.add.f32.msk $0xffff, v2;
	v3 =	vshll.u32 v8, $0x4  }
0x19f: {  	v6 =	vld [tilespmem:s31+$0x420];
	v4 =	vor.u32 v1, v3;
	_ =	sdelay $0x1  }
0x1a0: {  	s2 =	simm.s32 $0x0;
	v8 =	vshll.u32 v5, $0x4;
	v5 =	vld [tilespmem:s29+$0x8D0]  }
0x1a1: {  	v7 =	vshll.u32 v7, $0x4;
	[tilespmem:v9+s10+$0x0] =	vst.idx.add.f32.msk $0xffff, v2;
	s7 =	simm.s32 $0x300;
	s9 =	simm.s32 $0xC00;
	s0 =	simm.s32 $0x4;
	v3 =	vor.u32 v1, v8  }
.LBB2_6:
0x1a2: {  	s1 =	sand.u32 $0x3000, s9;
	s3 =	sand.u32 $0x300, s7;
	s0 =	sadd.s32 $0x2, s0;
	v7 =	vor.u32 v1, v7;
	v8 =	vld [tilespmem:s29+$0x850]  }
0x1a3: {  	s1 =	sor.u32 s3, s1;
	p0 =	slt.u32 s0, $0x1E;
	v6 =	vshll.u32 v6, $0x4;
	[tilespmem:v4+s10+$0x0] =	vst.idx.add.f32.msk $0xffff, v2  }
0x1a4: {  	v4 =	vld [tilespmem:s1+$0x80];
	v6 =	vor.u32 v1, v6  }
0x1a5: {  	v9 =	vld [tilespmem:s1+$0x0];
	v5 =	vshll.u32 v5, $0x4  }
0x1a6: {  	v5 =	vor.u32 v1, v5;
	[tilespmem:v3+s10+$0x0] =	vst.idx.add.f32.msk $0xffff, v2  }
0x1a7: {  	[tilespmem:v7+s10+$0x0] =	vst.idx.add.f32.msk $0xffff, v2;
	v3 =	vshll.u32 v8, $0x4  }
0x1a8: {  	v7 =	vld [tilespmem:s31+$0x4B0];
	v3 =	vor.u32 v1, v3  }
0x1a9: {  	v4 =	vshll.u32 v4, $0x4;
	[tilespmem:v6+s10+$0x0] =	vst.idx.add.f32.msk $0xffff, v2  }
0x1aa: {  	v6 =	vshll.u32 v9, $0x4;
	v4 =	vor.u32 v1, v4;
	v8 =	vld [tilespmem:s31+$0x430]  }
0x1ab: {  	v6 =	vor.u32 v1, v6;
	[tilespmem:v5+s10+$0x0] =	vst.idx.add.f32.msk $0xffff, v2  }
0x1ac: {  	v5 =	vld [tilespmem:s29+$0x8E0]  }
0x1ad: {  	v7 =	vshll.u32 v7, $0x4;
	[tilespmem:v3+s10+$0x0] =	vst.idx.add.f32.msk $0xffff, v2  }
0x1ae: {  	v3 =	vor.u32 v1, v7;
	v7 =	vld [tilespmem:s29+$0x860]  }
0x1af: {  	[tilespmem:v4+s10+$0x0] =	vst.idx.add.f32.msk $0xffff, v2;
	v4 =	vshll.u32 v8, $0x4  }
0x1b0: {  	v8 =	vld [tilespmem:s1+$0x90];
	v4 =	vor.u32 v1, v4  }
0x1b1: {  	[tilespmem:v6+s10+$0x0] =	vst.idx.add.f32.msk $0xffff, v2;
	v5 =	vshll.u32 v5, $0x4  }
0x1b2: {  	v6 =	vld [tilespmem:s1+$0x10];
	v5 =	vor.u32 v1, v5  }
0x1b3: {  	[tilespmem:v3+s10+$0x0] =	vst.idx.add.f32.msk $0xffff, v2;
	v3 =	vshll.u32 v7, $0x4  }
0x1b4: {  	v7 =	vld [tilespmem:s31+$0x4C0];
	v3 =	vor.u32 v1, v3  }
0x1b5: {  	v8 =	vshll.u32 v8, $0x4;
	[tilespmem:v4+s10+$0x0] =	vst.idx.add.f32.msk $0xffff, v2  }
0x1b6: {  	v4 =	vor.u32 v1, v8;
	v8 =	vld [tilespmem:s31+$0x440]  }
0x1b7: {  	v6 =	vshll.u32 v6, $0x4;
	[tilespmem:v5+s10+$0x0] =	vst.idx.add.f32.msk $0xffff, v2  }
0x1b8: {  	v5 =	vor.u32 v1, v6;
	v6 =	vld [tilespmem:s29+$0x8F0]  }
0x1b9: {  	v7 =	vshll.u32 v7, $0x4;
	[tilespmem:v3+s10+$0x0] =	vst.idx.add.f32.msk $0xffff, v2  }
0x1ba: {  	v3 =	vor.u32 v1, v7;
	v7 =	vld [tilespmem:s29+$0x870];
	s29 =	smov.u32 s31;
	s31 =	smov.u32 s1  }
0x1bb: {  	[tilespmem:v4+s10+$0x0] =	vst.idx.add.f32.msk $0xffff, v2;
	v4 =	vshll.u32 v8, $0x4  }
0x1bc: {  	v8 =	vld [tilespmem:s31+$0xA0];
	v4 =	vor.u32 v1, v4  }
0x1bd: {  	[tilespmem:v5+s10+$0x0] =	vst.idx.add.f32.msk $0xffff, v2;
	v5 =	vshll.u32 v6, $0x4  }
0x1be: {  	s2 =	sadd.s32 $0x1, s2;
	v6 =	vld [tilespmem:s31+$0x20];
	v5 =	vor.u32 v1, v5  }
0x1bf: {  	s1 =	sand.u32 $0x3, s2;
	[tilespmem:v3+s10+$0x0] =	vst.idx.add.f32.msk $0xffff, v2;
	v3 =	vshll.u32 v7, $0x4  }
0x1c0: {  	s1 =	sshll.u32 s1, $0x8;
	v7 =	vld [tilespmem:s29+$0x4D0];
	v3 =	vor.u32 v1, v3  }
0x1c1: {  	s20 =	sadd.s32 s1, s28;
	s28 =	smov.u32 s30;
	s30 =	smov.u32 s9;
	v8 =	vshll.u32 v8, $0x4;
	[tilespmem:v4+s10+$0x0] =	vst.idx.add.f32.msk $0xffff, v2  }
0x1c2: {  	s13 =	sor.u32 $0xC00, s20;
	s14 =	sor.u32 $0xC10, s20;
	s19 =	sadd.s32 $0x80, s20;
	v4 =	vor.u32 v1, v8;
	v8 =	vld [tilespmem:s29+$0x450]  }
0x1c3: {  	s11 =	sor.u32 $0xC20, s20;
	s3 =	sor.u32 $0xC30, s20;
	s15 =	sor.u32 $0xC00, s19;
	v6 =	vshll.u32 v6, $0x4;
	[tilespmem:v5+s10+$0x0] =	vst.idx.add.f32.msk $0xffff, v2  }
0x1c4: {  	s1 =	sor.u32 $0xC40, s20;
	s22 =	sor.u32 $0xC50, s20;
	s21 =	sor.u32 $0xC60, s20;
	v5 =	vor.u32 v1, v6;
	v6 =	vld [tilespmem:s15+$0x0]  }
0x1c5: {  	s20 =	sor.u32 $0xC70, s20;
	v7 =	vshll.u32 v7, $0x4;
	[tilespmem:v3+s10+$0x0] =	vst.idx.add.f32.msk $0xffff, v2  }
0x1c6: {  	v3 =	vor.u32 v1, v7;
	v7 =	vld [tilespmem:s13+$0x0]  }
0x1c7: {  	[tilespmem:v4+s10+$0x0] =	vst.idx.add.f32.msk $0xffff, v2;
	v4 =	vshll.u32 v8, $0x4  }
0x1c8: {  	v8 =	vld [tilespmem:s31+$0xB0];
	v4 =	vor.u32 v1, v4  }
0x1c9: {  	[tilespmem:v5+s10+$0x0] =	vst.idx.add.f32.msk $0xffff, v2;
	v5 =	vshll.u32 v6, $0x4  }
0x1ca: {  	v6 =	vld [tilespmem:s31+$0x30];
	v5 =	vor.u32 v1, v5  }
0x1cb: {  	[tilespmem:v3+s10+$0x0] =	vst.idx.add.f32.msk $0xffff, v2;
	v3 =	vshll.u32 v7, $0x4  }
0x1cc: {  	v7 =	vld [tilespmem:s29+$0x4E0];
	v3 =	vor.u32 v1, v3  }
0x1cd: {  	v8 =	vshll.u32 v8, $0x4;
	[tilespmem:v4+s10+$0x0] =	vst.idx.add.f32.msk $0xffff, v2  }
0x1ce: {  	v4 =	vor.u32 v1, v8;
	v8 =	vld [tilespmem:s29+$0x460]  }
0x1cf: {  	s13 =	sor.u32 $0xC10, s19;
	v6 =	vshll.u32 v6, $0x4;
	[tilespmem:v5+s10+$0x0] =	vst.idx.add.f32.msk $0xffff, v2  }
0x1d0: {  	v5 =	vor.u32 v1, v6;
	v6 =	vld [tilespmem:s13+$0x0]  }
0x1d1: {  	v7 =	vshll.u32 v7, $0x4;
	[tilespmem:v3+s10+$0x0] =	vst.idx.add.f32.msk $0xffff, v2  }
0x1d2: {  	v3 =	vor.u32 v1, v7;
	v7 =	vld [tilespmem:s14+$0x0]  }
0x1d3: {  	[tilespmem:v4+s10+$0x0] =	vst.idx.add.f32.msk $0xffff, v2;
	v4 =	vshll.u32 v8, $0x4  }
0x1d4: {  	v8 =	vld [tilespmem:s31+$0xC0];
	v4 =	vor.u32 v1, v4  }
0x1d5: {  	[tilespmem:v5+s10+$0x0] =	vst.idx.add.f32.msk $0xffff, v2;
	v5 =	vshll.u32 v6, $0x4  }
0x1d6: {  	v6 =	vld [tilespmem:s31+$0x40];
	v5 =	vor.u32 v1, v5  }
0x1d7: {  	[tilespmem:v3+s10+$0x0] =	vst.idx.add.f32.msk $0xffff, v2;
	v3 =	vshll.u32 v7, $0x4  }
0x1d8: {  	v7 =	vld [tilespmem:s29+$0x4F0];
	v3 =	vor.u32 v1, v3  }
0x1d9: {  	v8 =	vshll.u32 v8, $0x4;
	[tilespmem:v4+s10+$0x0] =	vst.idx.add.f32.msk $0xffff, v2  }
0x1da: {  	v4 =	vor.u32 v1, v8;
	v8 =	vld [tilespmem:s29+$0x470]  }
0x1db: {  	s13 =	sor.u32 $0xC20, s19;
	v6 =	vshll.u32 v6, $0x4;
	[tilespmem:v5+s10+$0x0] =	vst.idx.add.f32.msk $0xffff, v2  }
0x1dc: {  	v5 =	vor.u32 v1, v6;
	v6 =	vld [tilespmem:s13+$0x0]  }
0x1dd: {  	v7 =	vshll.u32 v7, $0x4;
	[tilespmem:v3+s10+$0x0] =	vst.idx.add.f32.msk $0xffff, v2  }
0x1de: {  	v3 =	vor.u32 v1, v7;
	v7 =	vld [tilespmem:s11+$0x0]  }
0x1df: {  	[tilespmem:v4+s10+$0x0] =	vst.idx.add.f32.msk $0xffff, v2;
	v4 =	vshll.u32 v8, $0x4  }
0x1e0: {  	v8 =	vld [tilespmem:s31+$0xD0];
	v4 =	vor.u32 v1, v4  }
0x1e1: {  	[tilespmem:v5+s10+$0x0] =	vst.idx.add.f32.msk $0xffff, v2;
	v5 =	vshll.u32 v6, $0x4  }
0x1e2: {  	v6 =	vld [tilespmem:s31+$0x50];
	v5 =	vor.u32 v1, v5  }
0x1e3: {  	[tilespmem:v3+s10+$0x0] =	vst.idx.add.f32.msk $0xffff, v2;
	v3 =	vshll.u32 v7, $0x4  }
0x1e4: {  	v7 =	vld [tilespmem:s29+$0x880];
	v3 =	vor.u32 v1, v3  }
0x1e5: {  	v8 =	vshll.u32 v8, $0x4;
	[tilespmem:v4+s10+$0x0] =	vst.idx.add.f32.msk $0xffff, v2  }
0x1e6: {  	v4 =	vor.u32 v1, v8;
	v8 =	vld [tilespmem:s29+$0x800]  }
0x1e7: {  	s11 =	sor.u32 $0xC30, s19;
	v6 =	vshll.u32 v6, $0x4;
	[tilespmem:v5+s10+$0x0] =	vst.idx.add.f32.msk $0xffff, v2  }
0x1e8: {  	v5 =	vor.u32 v1, v6;
	v6 =	vld [tilespmem:s11+$0x0]  }
0x1e9: {  	v7 =	vshll.u32 v7, $0x4;
	[tilespmem:v3+s10+$0x0] =	vst.idx.add.f32.msk $0xffff, v2  }
0x1ea: {  	v3 =	vor.u32 v1, v7;
	v7 =	vld [tilespmem:s3+$0x0]  }
0x1eb: {  	[tilespmem:v4+s10+$0x0] =	vst.idx.add.f32.msk $0xffff, v2;
	v4 =	vshll.u32 v8, $0x4  }
0x1ec: {  	v8 =	vld [tilespmem:s31+$0xE0];
	v4 =	vor.u32 v1, v4  }
0x1ed: {  	[tilespmem:v5+s10+$0x0] =	vst.idx.add.f32.msk $0xffff, v2;
	v5 =	vshll.u32 v6, $0x4  }
0x1ee: {  	v6 =	vld [tilespmem:s31+$0x60];
	v5 =	vor.u32 v1, v5  }
0x1ef: {  	[tilespmem:v3+s10+$0x0] =	vst.idx.add.f32.msk $0xffff, v2;
	v3 =	vshll.u32 v7, $0x4  }
0x1f0: {  	v7 =	vld [tilespmem:s29+$0x890];
	v3 =	vor.u32 v1, v3  }
0x1f1: {  	v8 =	vshll.u32 v8, $0x4;
	[tilespmem:v4+s10+$0x0] =	vst.idx.add.f32.msk $0xffff, v2  }
0x1f2: {  	v4 =	vor.u32 v1, v8;
	v8 =	vld [tilespmem:s29+$0x810]  }
0x1f3: {  	s3 =	sor.u32 $0xC40, s19;
	v6 =	vshll.u32 v6, $0x4;
	[tilespmem:v5+s10+$0x0] =	vst.idx.add.f32.msk $0xffff, v2  }
0x1f4: {  	v5 =	vor.u32 v1, v6;
	v6 =	vld [tilespmem:s3+$0x0]  }
0x1f5: {  	v7 =	vshll.u32 v7, $0x4;
	[tilespmem:v3+s10+$0x0] =	vst.idx.add.f32.msk $0xffff, v2  }
0x1f6: {  	v3 =	vor.u32 v1, v7;
	v7 =	vld [tilespmem:s1+$0x0]  }
0x1f7: {  	[tilespmem:v4+s10+$0x0] =	vst.idx.add.f32.msk $0xffff, v2;
	v4 =	vshll.u32 v8, $0x4  }
0x1f8: {  	v8 =	vld [tilespmem:s31+$0xF0];
	v4 =	vor.u32 v1, v4  }
0x1f9: {  	[tilespmem:v5+s10+$0x0] =	vst.idx.add.f32.msk $0xffff, v2;
	v5 =	vshll.u32 v6, $0x4  }
0x1fa: {  	v6 =	vld [tilespmem:s31+$0x70];
	v5 =	vor.u32 v1, v5  }
0x1fb: {  	[tilespmem:v3+s10+$0x0] =	vst.idx.add.f32.msk $0xffff, v2;
	v3 =	vshll.u32 v7, $0x4  }
0x1fc: {  	v7 =	vld [tilespmem:s29+$0x8A0];
	v3 =	vor.u32 v1, v3  }
0x1fd: {  	v8 =	vshll.u32 v8, $0x4;
	[tilespmem:v4+s10+$0x0] =	vst.idx.add.f32.msk $0xffff, v2  }
0x1fe: {  	v4 =	vor.u32 v1, v8;
	v8 =	vld [tilespmem:s29+$0x820]  }
0x1ff: {  	s1 =	sor.u32 $0xC50, s19;
	v6 =	vshll.u32 v6, $0x4;
	[tilespmem:v5+s10+$0x0] =	vst.idx.add.f32.msk $0xffff, v2  }
0x200: {  	v5 =	vor.u32 v1, v6;
	v6 =	vld [tilespmem:s1+$0x0]  }
0x201: {  	v7 =	vshll.u32 v7, $0x4;
	[tilespmem:v3+s10+$0x0] =	vst.idx.add.f32.msk $0xffff, v2  }
0x202: {  	v3 =	vor.u32 v1, v7;
	v7 =	vld [tilespmem:s22+$0x0]  }
0x203: {  	[tilespmem:v4+s10+$0x0] =	vst.idx.add.f32.msk $0xffff, v2;
	v4 =	vshll.u32 v8, $0x4  }
0x204: {  	v8 =	vld [tilespmem:s31+$0x480];
	v4 =	vor.u32 v1, v4  }
0x205: {  	[tilespmem:v5+s10+$0x0] =	vst.idx.add.f32.msk $0xffff, v2;
	v5 =	vshll.u32 v6, $0x4  }
0x206: {  	v6 =	vld [tilespmem:s31+$0x400];
	v5 =	vor.u32 v1, v5  }
0x207: {  	[tilespmem:v3+s10+$0x0] =	vst.idx.add.f32.msk $0xffff, v2;
	v3 =	vshll.u32 v7, $0x4  }
0x208: {  	v7 =	vld [tilespmem:s29+$0x8B0];
	v3 =	vor.u32 v1, v3  }
0x209: {  	v8 =	vshll.u32 v8, $0x4;
	[tilespmem:v4+s10+$0x0] =	vst.idx.add.f32.msk $0xffff, v2  }
0x20a: {  	v4 =	vor.u32 v1, v8;
	v8 =	vld [tilespmem:s29+$0x830]  }
0x20b: {  	s1 =	sor.u32 $0xC60, s19;
	v6 =	vshll.u32 v6, $0x4;
	[tilespmem:v5+s10+$0x0] =	vst.idx.add.f32.msk $0xffff, v2  }
0x20c: {  	v5 =	vor.u32 v1, v6;
	v6 =	vld [tilespmem:s1+$0x0]  }
0x20d: {  	v7 =	vshll.u32 v7, $0x4;
	[tilespmem:v3+s10+$0x0] =	vst.idx.add.f32.msk $0xffff, v2  }
0x20e: {  	v3 =	vor.u32 v1, v7;
	v7 =	vld [tilespmem:s21+$0x0]  }
0x20f: {  	[tilespmem:v4+s10+$0x0] =	vst.idx.add.f32.msk $0xffff, v2;
	v4 =	vshll.u32 v8, $0x4  }
0x210: {  	v8 =	vld [tilespmem:s31+$0x490];
	v4 =	vor.u32 v1, v4  }
0x211: {  	[tilespmem:v5+s10+$0x0] =	vst.idx.add.f32.msk $0xffff, v2;
	v5 =	vshll.u32 v6, $0x4  }
0x212: {  	v6 =	vld [tilespmem:s31+$0x410];
	v5 =	vor.u32 v1, v5  }
0x213: {  	[tilespmem:v3+s10+$0x0] =	vst.idx.add.f32.msk $0xffff, v2;
	v3 =	vshll.u32 v7, $0x4  }
0x214: {  	v7 =	vld [tilespmem:s29+$0x8C0];
	v3 =	vor.u32 v1, v3  }
0x215: {  	v8 =	vshll.u32 v8, $0x4;
	[tilespmem:v4+s10+$0x0] =	vst.idx.add.f32.msk $0xffff, v2  }
0x216: {  	v4 =	vor.u32 v1, v8;
	v8 =	vld [tilespmem:s29+$0x840]  }
0x217: {  	s1 =	sor.u32 $0xC70, s19;
	v6 =	vshll.u32 v6, $0x4;
	[tilespmem:v5+s10+$0x0] =	vst.idx.add.f32.msk $0xffff, v2  }
0x218: {  	v5 =	vor.u32 v1, v6;
	v6 =	vld [tilespmem:s1+$0x0]  }
0x219: {  	v7 =	vshll.u32 v7, $0x4;
	[tilespmem:v3+s10+$0x0] =	vst.idx.add.f32.msk $0xffff, v2  }
0x21a: {  	v3 =	vor.u32 v1, v7;
	v7 =	vld [tilespmem:s20+$0x0]  }
0x21b: {  	[tilespmem:v4+s10+$0x0] =	vst.idx.add.f32.msk $0xffff, v2;
	v4 =	vshll.u32 v8, $0x4  }
0x21c: {  	v8 =	vld [tilespmem:s31+$0x4A0];
	v9 =	vor.u32 v1, v4  }
.Ltmp4:
0x21d: {  	[tilespmem:v5+s10+$0x0] =	vst.idx.add.f32.msk $0xffff, v2;
	v4 =	vshll.u32 v6, $0x4;
	(pc) =	sbr.rel @p0 .LBB2_6-.Ltmp4, $4  }
0x21e: {  	v6 =	vld [tilespmem:s31+$0x420];
	v4 =	vor.u32 v1, v4  }
0x21f: {  	[tilespmem:v3+s10+$0x0] =	vst.idx.add.f32.msk $0xffff, v2;
	v3 =	vshll.u32 v7, $0x4  }
0x220: {  	v5 =	vld [tilespmem:s29+$0x8D0];
	v3 =	vor.u32 v1, v3  }
0x221: {  	s7 =	sadd.s32 $0x100, s7;
	s9 =	sadd.s32 $0x400, s9;
	v7 =	vshll.u32 v8, $0x4;
	[tilespmem:v9+s10+$0x0] =	vst.idx.add.f32.msk $0xffff, v2  }
0x222: {  	v7 =	vor.u32 v1, v7  }
0x223: {  	v6 =	vshll.u32 v6, $0x4  }
0x224: {  	v6 =	vor.u32 v1, v6;
	_ =	sdelay $0x2  }
0x225: {  	[tilespmem:v7+s10+$0x0] =	vst.idx.add.f32.msk $0xffff, v2  }
0x226: {  	v7 =	vld [tilespmem:s31+$0x4B0]  }
0x227: {  	[tilespmem:v6+s10+$0x0] =	vst.idx.add.f32.msk $0xffff, v2  }
0x228: {  	v6 =	vld [tilespmem:s31+$0x430];
	_ =	sdelay $0x2  }
0x229: {  	v7 =	vshll.u32 v7, $0x4  }
0x22a: {  	v7 =	vor.u32 v1, v7  }
0x22b: {  	v6 =	vshll.u32 v6, $0x4  }
0x22c: {  	v6 =	vor.u32 v1, v6;
	_ =	sdelay $0x2  }
0x22d: {  	[tilespmem:v7+s10+$0x0] =	vst.idx.add.f32.msk $0xffff, v2  }
0x22e: {  	v7 =	vld [tilespmem:s31+$0x4C0]  }
0x22f: {  	[tilespmem:v6+s10+$0x0] =	vst.idx.add.f32.msk $0xffff, v2  }
0x230: {  	v6 =	vld [tilespmem:s31+$0x440];
	_ =	sdelay $0x2  }
0x231: {  	v7 =	vshll.u32 v7, $0x4  }
0x232: {  	v7 =	vor.u32 v1, v7  }
0x233: {  	v6 =	vshll.u32 v6, $0x4  }
0x234: {  	v6 =	vor.u32 v1, v6;
	_ =	sdelay $0x2  }
0x235: {  	[tilespmem:v7+s10+$0x0] =	vst.idx.add.f32.msk $0xffff, v2  }
0x236: {  	v7 =	vld [tilespmem:s31+$0x4D0]  }
0x237: {  	[tilespmem:v6+s10+$0x0] =	vst.idx.add.f32.msk $0xffff, v2  }
0x238: {  	v6 =	vld [tilespmem:s31+$0x450];
	_ =	sdelay $0x2  }
0x239: {  	v7 =	vshll.u32 v7, $0x4  }
0x23a: {  	v7 =	vor.u32 v1, v7  }
0x23b: {  	v6 =	vshll.u32 v6, $0x4  }
0x23c: {  	v6 =	vor.u32 v1, v6;
	_ =	sdelay $0x2  }
0x23d: {  	[tilespmem:v7+s10+$0x0] =	vst.idx.add.f32.msk $0xffff, v2  }
0x23e: {  	v7 =	vld [tilespmem:s31+$0x4E0]  }
0x23f: {  	[tilespmem:v6+s10+$0x0] =	vst.idx.add.f32.msk $0xffff, v2  }
0x240: {  	v6 =	vld [tilespmem:s31+$0x460];
	_ =	sdelay $0x2  }
0x241: {  	v7 =	vshll.u32 v7, $0x4  }
0x242: {  	v7 =	vor.u32 v1, v7  }
0x243: {  	v6 =	vshll.u32 v6, $0x4  }
0x244: {  	v6 =	vor.u32 v1, v6;
	_ =	sdelay $0x2  }
0x245: {  	[tilespmem:v7+s10+$0x0] =	vst.idx.add.f32.msk $0xffff, v2  }
0x246: {  	v7 =	vld [tilespmem:s31+$0x4F0]  }
0x247: {  	[tilespmem:v6+s10+$0x0] =	vst.idx.add.f32.msk $0xffff, v2  }
0x248: {  	v6 =	vld [tilespmem:s31+$0x470];
	_ =	sdelay $0x2  }
0x249: {  	v7 =	vshll.u32 v7, $0x4  }
0x24a: {  	v7 =	vor.u32 v1, v7  }
0x24b: {  	v6 =	vshll.u32 v6, $0x4  }
0x24c: {  	v6 =	vor.u32 v1, v6;
	_ =	sdelay $0x2  }
0x24d: {  	[tilespmem:v7+s10+$0x0] =	vst.idx.add.f32.msk $0xffff, v2  }
0x24e: {  	v7 =	vld [tilespmem:s31+$0x880]  }
0x24f: {  	[tilespmem:v6+s10+$0x0] =	vst.idx.add.f32.msk $0xffff, v2  }
0x250: {  	v6 =	vld [tilespmem:s31+$0x800];
	_ =	sdelay $0x2  }
0x251: {  	v7 =	vshll.u32 v7, $0x4  }
0x252: {  	v7 =	vor.u32 v1, v7  }
0x253: {  	v6 =	vshll.u32 v6, $0x4  }
0x254: {  	v6 =	vor.u32 v1, v6;
	_ =	sdelay $0x2  }
0x255: {  	[tilespmem:v7+s10+$0x0] =	vst.idx.add.f32.msk $0xffff, v2  }
0x256: {  	v7 =	vld [tilespmem:s31+$0x890]  }
0x257: {  	[tilespmem:v6+s10+$0x0] =	vst.idx.add.f32.msk $0xffff, v2  }
0x258: {  	v6 =	vld [tilespmem:s31+$0x810];
	_ =	sdelay $0x2  }
0x259: {  	v7 =	vshll.u32 v7, $0x4  }
0x25a: {  	v7 =	vor.u32 v1, v7  }
0x25b: {  	v6 =	vshll.u32 v6, $0x4  }
0x25c: {  	v6 =	vor.u32 v1, v6;
	_ =	sdelay $0x2  }
0x25d: {  	[tilespmem:v7+s10+$0x0] =	vst.idx.add.f32.msk $0xffff, v2  }
0x25e: {  	v7 =	vld [tilespmem:s31+$0x8A0]  }
0x25f: {  	[tilespmem:v6+s10+$0x0] =	vst.idx.add.f32.msk $0xffff, v2  }
0x260: {  	v6 =	vld [tilespmem:s31+$0x820];
	_ =	sdelay $0x2  }
0x261: {  	v7 =	vshll.u32 v7, $0x4  }
0x262: {  	v7 =	vor.u32 v1, v7  }
0x263: {  	v6 =	vshll.u32 v6, $0x4  }
0x264: {  	v6 =	vor.u32 v1, v6;
	_ =	sdelay $0x2  }
0x265: {  	[tilespmem:v7+s10+$0x0] =	vst.idx.add.f32.msk $0xffff, v2  }
0x266: {  	v7 =	vld [tilespmem:s31+$0x8B0]  }
0x267: {  	[tilespmem:v6+s10+$0x0] =	vst.idx.add.f32.msk $0xffff, v2  }
0x268: {  	v6 =	vld [tilespmem:s31+$0x830];
	_ =	sdelay $0x2  }
0x269: {  	v7 =	vshll.u32 v7, $0x4  }
0x26a: {  	v7 =	vor.u32 v1, v7  }
0x26b: {  	v6 =	vshll.u32 v6, $0x4  }
0x26c: {  	v6 =	vor.u32 v1, v6;
	_ =	sdelay $0x2  }
0x26d: {  	[tilespmem:v7+s10+$0x0] =	vst.idx.add.f32.msk $0xffff, v2  }
0x26e: {  	v7 =	vld [tilespmem:s31+$0x8C0]  }
0x26f: {  	[tilespmem:v6+s10+$0x0] =	vst.idx.add.f32.msk $0xffff, v2  }
0x270: {  	v6 =	vld [tilespmem:s31+$0x840];
	_ =	sdelay $0x2  }
0x271: {  	v7 =	vshll.u32 v7, $0x4  }
0x272: {  	v7 =	vor.u32 v1, v7  }
0x273: {  	v6 =	vshll.u32 v6, $0x4  }
0x274: {  	v8 =	vld [tilespmem:s29+$0x850];
	v6 =	vor.u32 v1, v6;
	_ =	sdelay $0x2  }
0x275: {  	[tilespmem:v7+s10+$0x0] =	vst.idx.add.f32.msk $0xffff, v2  }
0x276: {  	v5 =	vshll.u32 v5, $0x4;
	v7 =	vld [tilespmem:s31+$0x8D0]  }
0x277: {  	v5 =	vor.u32 v1, v5;
	v8 =	vshll.u32 v8, $0x4;
	[tilespmem:v6+s10+$0x0] =	vst.idx.add.f32.msk $0xffff, v2  }
0x278: {  	v8 =	vor.u32 v1, v8;
	v6 =	vld [tilespmem:s31+$0x850];
	_ =	sdelay $0x2  }
0x279: {  	v7 =	vshll.u32 v7, $0x4  }
0x27a: {  	[tilespmem:v5+s10+$0x0] =	vst.idx.add.f32.msk $0xffff, v2;
	v7 =	vor.u32 v1, v7  }
0x27b: {  	[tilespmem:v8+s10+$0x0] =	vst.idx.add.f32.msk $0xffff, v2;
	v25 =	vshll.u32 v6, $0x4  }
0x27c: {  	v8 =	vld [tilespmem:s29+$0x860];
	v5 =	vor.u32 v1, v25;
	_ =	sdelay $0x1  }
0x27d: {  	v26 =	vld [tilespmem:s29+$0x8E0]  }
0x27e: {  	[tilespmem:v7+s10+$0x0] =	vst.idx.add.f32.msk $0xffff, v2  }
0x27f: {  	v7 =	vld [tilespmem:s31+$0x8E0]  }
0x280: {  	v8 =	vshll.u32 v8, $0x4;
	[tilespmem:v5+s10+$0x0] =	vst.idx.add.f32.msk $0xffff, v2  }
0x281: {  	v8 =	vor.u32 v1, v8;
	v28 =	vld [tilespmem:s31+$0x860]  }
0x282: {  	v6 =	vshll.u32 v26, $0x4  }
0x283: {  	v27 =	vor.u32 v1, v6  }
0x284: {  	v7 =	vshll.u32 v7, $0x4  }
0x285: {  	v7 =	vor.u32 v1, v7  }
0x286: {  	[tilespmem:v8+s10+$0x0] =	vst.idx.add.f32.msk $0xffff, v2;
	v29 =	vshll.u32 v28, $0x4  }
0x287: {  	v8 =	vld [tilespmem:s29+$0x870];
	v5 =	vor.u32 v1, v29  }
0x288: {  	[tilespmem:v27+s10+$0x0] =	vst.idx.add.f32.msk $0xffff, v2  }
0x289: {  	v30 =	vld [tilespmem:s29+$0x8F0]  }
0x28a: {  	[tilespmem:v7+s10+$0x0] =	vst.idx.add.f32.msk $0xffff, v2  }
0x28b: {  	v7 =	vld [tilespmem:s31+$0x8F0]  }
0x28c: {  	v8 =	vshll.u32 v8, $0x4;
	[tilespmem:v5+s10+$0x0] =	vst.idx.add.f32.msk $0xffff, v2  }
0x28d: {  	v8 =	vor.u32 v1, v8;
	v32 =	vld [tilespmem:s31+$0x870]  }
0x28e: {  	s2 =	sadd.s32 $0x1, s2;
	v6 =	vshll.u32 v30, $0x4  }
0x28f: {  	s0 =	sand.u32 $0x3, s2;
	v31 =	vor.u32 v1, v6  }
0x290: {  	s0 =	sshll.u32 s0, $0x8;
	v7 =	vshll.u32 v7, $0x4  }
0x291: {  	s2 =	sadd.s32 $0x1, s2;
	s0 =	sadd.s32 s0, s28;
	v7 =	vor.u32 v1, v7  }
0x292: {  	s2 =	sand.u32 $0x3, s2;
	s15 =	sor.u32 $0xC00, s0;
	[tilespmem:v8+s10+$0x0] =	vst.idx.add.f32.msk $0xffff, v2;
	v33 =	vshll.u32 v32, $0x4  }
0x293: {  	s2 =	sshll.u32 s2, $0x8;
	s1 =	sadd.s32 $0x80, s0;
	v8 =	vld [tilespmem:s15+$0x0];
	v5 =	vor.u32 v1, v33  }
0x294: {  	s2 =	sadd.s32 s2, s30;
	s3 =	sor.u32 $0xC00, s1;
	[tilespmem:v31+s10+$0x0] =	vst.idx.add.f32.msk $0xffff, v2  }
0x295: {  	s7 =	sadd.s32 $0x80, s2;
	v34 =	vld [tilespmem:s3+$0x0]  }
0x296: {  	s19 =	sor.u32 $0xC00, s7;
	[tilespmem:v7+s10+$0x0] =	vst.idx.add.f32.msk $0xffff, v2  }
0x297: {  	v7 =	vld [tilespmem:s19+$0x0]  }
0x298: {  	s20 =	sor.u32 $0xC00, s2;
	v8 =	vshll.u32 v8, $0x4;
	[tilespmem:v5+s10+$0x0] =	vst.idx.add.f32.msk $0xffff, v2  }
0x299: {  	v8 =	vor.u32 v1, v8;
	v36 =	vld [tilespmem:s20+$0x0]  }
0x29a: {  	v6 =	vshll.u32 v34, $0x4  }
0x29b: {  	v35 =	vor.u32 v1, v6  }
0x29c: {  	v7 =	vshll.u32 v7, $0x4  }
0x29d: {  	v7 =	vor.u32 v1, v7  }
0x29e: {  	s22 =	sor.u32 $0xC10, s0;
	[tilespmem:v8+s10+$0x0] =	vst.idx.add.f32.msk $0xffff, v2;
	v37 =	vshll.u32 v36, $0x4  }
0x29f: {  	v8 =	vld [tilespmem:s22+$0x0];
	v5 =	vor.u32 v1, v37  }
0x2a0: {  	s21 =	sor.u32 $0xC10, s1;
	[tilespmem:v35+s10+$0x0] =	vst.idx.add.f32.msk $0xffff, v2  }
0x2a1: {  	v38 =	vld [tilespmem:s21+$0x0]  }
0x2a2: {  	s28 =	sor.u32 $0xC10, s7;
	[tilespmem:v7+s10+$0x0] =	vst.idx.add.f32.msk $0xffff, v2  }
0x2a3: {  	v7 =	vld [tilespmem:s28+$0x0]  }
0x2a4: {  	v8 =	vshll.u32 v8, $0x4;
	s29 =	sor.u32 $0xC10, s2;
	[tilespmem:v5+s10+$0x0] =	vst.idx.add.f32.msk $0xffff, v2  }
0x2a5: {  	v8 =	vor.u32 v1, v8;
	v40 =	vld [tilespmem:s29+$0x0]  }
0x2a6: {  	v6 =	vshll.u32 v38, $0x4  }
0x2a7: {  	v39 =	vor.u32 v1, v6  }
0x2a8: {  	v7 =	vshll.u32 v7, $0x4  }
0x2a9: {  	v7 =	vor.u32 v1, v7  }
0x2aa: {  	s11 =	sor.u32 $0xC20, s0;
	[tilespmem:v8+s10+$0x0] =	vst.idx.add.f32.msk $0xffff, v2;
	v41 =	vshll.u32 v40, $0x4  }
0x2ab: {  	v8 =	vld [tilespmem:s11+$0x0];
	v5 =	vor.u32 v1, v41  }
0x2ac: {  	s9 =	sor.u32 $0xC20, s1;
	[tilespmem:v39+s10+$0x0] =	vst.idx.add.f32.msk $0xffff, v2  }
0x2ad: {  	v42 =	vld [tilespmem:s9+$0x0]  }
0x2ae: {  	s13 =	sor.u32 $0xC20, s7;
	[tilespmem:v7+s10+$0x0] =	vst.idx.add.f32.msk $0xffff, v2  }
0x2af: {  	v7 =	vld [tilespmem:s13+$0x0]  }
0x2b0: {  	s14 =	sor.u32 $0xC20, s2;
	v8 =	vshll.u32 v8, $0x4;
	[tilespmem:v5+s10+$0x0] =	vst.idx.add.f32.msk $0xffff, v2  }
0x2b1: {  	v8 =	vor.u32 v1, v8;
	v44 =	vld [tilespmem:s14+$0x0]  }
0x2b2: {  	v6 =	vshll.u32 v42, $0x4  }
0x2b3: {  	v43 =	vor.u32 v1, v6  }
0x2b4: {  	v7 =	vshll.u32 v7, $0x4  }
0x2b5: {  	v7 =	vor.u32 v1, v7  }
0x2b6: {  	[tilespmem:v8+s10+$0x0] =	vst.idx.add.f32.msk $0xffff, v2;
	s19 =	sor.u32 $0xC30, s0;
	v45 =	vshll.u32 v44, $0x4  }
0x2b7: {  	v8 =	vld [tilespmem:s19+$0x0];
	v5 =	vor.u32 v1, v45  }
0x2b8: {  	s15 =	sor.u32 $0xC30, s1;
	[tilespmem:v43+s10+$0x0] =	vst.idx.add.f32.msk $0xffff, v2  }
0x2b9: {  	v46 =	vld [tilespmem:s15+$0x0]  }
0x2ba: {  	s20 =	sor.u32 $0xC30, s7;
	[tilespmem:v7+s10+$0x0] =	vst.idx.add.f32.msk $0xffff, v2  }
0x2bb: {  	v7 =	vld [tilespmem:s20+$0x0]  }
0x2bc: {  	s21 =	sor.u32 $0xC30, s2;
	v8 =	vshll.u32 v8, $0x4;
	[tilespmem:v5+s10+$0x0] =	vst.idx.add.f32.msk $0xffff, v2  }
0x2bd: {  	v8 =	vor.u32 v1, v8;
	v48 =	vld [tilespmem:s21+$0x0]  }
0x2be: {  	v6 =	vshll.u32 v46, $0x4  }
0x2bf: {  	v47 =	vor.u32 v1, v6  }
0x2c0: {  	v7 =	vshll.u32 v7, $0x4  }
0x2c1: {  	v7 =	vor.u32 v1, v7  }
0x2c2: {  	s28 =	sor.u32 $0xC40, s0;
	[tilespmem:v8+s10+$0x0] =	vst.idx.add.f32.msk $0xffff, v2;
	v49 =	vshll.u32 v48, $0x4  }
0x2c3: {  	v8 =	vld [tilespmem:s28+$0x0];
	v5 =	vor.u32 v1, v49  }
0x2c4: {  	s22 =	sor.u32 $0xC40, s1;
	[tilespmem:v47+s10+$0x0] =	vst.idx.add.f32.msk $0xffff, v2  }
0x2c5: {  	v50 =	vld [tilespmem:s22+$0x0]  }
0x2c6: {  	s29 =	sor.u32 $0xC40, s7;
	[tilespmem:v7+s10+$0x0] =	vst.idx.add.f32.msk $0xffff, v2  }
0x2c7: {  	v7 =	vld [tilespmem:s29+$0x0]  }
0x2c8: {  	s9 =	sor.u32 $0xC40, s2;
	v8 =	vshll.u32 v8, $0x4;
	[tilespmem:v5+s10+$0x0] =	vst.idx.add.f32.msk $0xffff, v2  }
0x2c9: {  	v8 =	vor.u32 v1, v8;
	v52 =	vld [tilespmem:s9+$0x0]  }
0x2ca: {  	v6 =	vshll.u32 v50, $0x4  }
0x2cb: {  	v51 =	vor.u32 v1, v6  }
0x2cc: {  	v7 =	vshll.u32 v7, $0x4  }
0x2cd: {  	v7 =	vor.u32 v1, v7  }
0x2ce: {  	s13 =	sor.u32 $0xC50, s0;
	[tilespmem:v8+s10+$0x0] =	vst.idx.add.f32.msk $0xffff, v2;
	v53 =	vshll.u32 v52, $0x4  }
0x2cf: {  	v8 =	vld [tilespmem:s13+$0x0];
	v5 =	vor.u32 v1, v53  }
0x2d0: {  	s11 =	sor.u32 $0xC50, s1;
	[tilespmem:v51+s10+$0x0] =	vst.idx.add.f32.msk $0xffff, v2  }
0x2d1: {  	v54 =	vld [tilespmem:s11+$0x0]  }
0x2d2: {  	s14 =	sor.u32 $0xC50, s7;
	[tilespmem:v7+s10+$0x0] =	vst.idx.add.f32.msk $0xffff, v2  }
0x2d3: {  	v7 =	vld [tilespmem:s14+$0x0]  }
0x2d4: {  	s15 =	sor.u32 $0xC50, s2;
	v8 =	vshll.u32 v8, $0x4;
	[tilespmem:v5+s10+$0x0] =	vst.idx.add.f32.msk $0xffff, v2  }
0x2d5: {  	v8 =	vor.u32 v1, v8;
	v56 =	vld [tilespmem:s15+$0x0]  }
0x2d6: {  	v6 =	vshll.u32 v54, $0x4  }
0x2d7: {  	v55 =	vor.u32 v1, v6  }
0x2d8: {  	v7 =	vshll.u32 v7, $0x4  }
0x2d9: {  	v7 =	vor.u32 v1, v7  }
0x2da: {  	s20 =	sor.u32 $0xC60, s0;
	[tilespmem:v8+s10+$0x0] =	vst.idx.add.f32.msk $0xffff, v2;
	v57 =	vshll.u32 v56, $0x4  }
0x2db: {  	v8 =	vld [tilespmem:s20+$0x0];
	v5 =	vor.u32 v1, v57  }
0x2dc: {  	s19 =	sor.u32 $0xC60, s1;
	[tilespmem:v55+s10+$0x0] =	vst.idx.add.f32.msk $0xffff, v2  }
0x2dd: {  	v58 =	vld [tilespmem:s19+$0x0]  }
0x2de: {  	s21 =	sor.u32 $0xC60, s7;
	[tilespmem:v7+s10+$0x0] =	vst.idx.add.f32.msk $0xffff, v2  }
0x2df: {  	v7 =	vld [tilespmem:s21+$0x0]  }
0x2e0: {  	s22 =	sor.u32 $0xC60, s2;
	v8 =	vshll.u32 v8, $0x4;
	[tilespmem:v5+s10+$0x0] =	vst.idx.add.f32.msk $0xffff, v2  }
0x2e1: {  	v8 =	vor.u32 v1, v8;
	v60 =	vld [tilespmem:s22+$0x0]  }
0x2e2: {  	v6 =	vshll.u32 v58, $0x4  }
0x2e3: {  	v59 =	vor.u32 v1, v6  }
0x2e4: {  	v7 =	vshll.u32 v7, $0x4  }
0x2e5: {  	v7 =	vor.u32 v1, v7  }
0x2e6: {  	s0 =	sor.u32 $0xC70, s0;
	[tilespmem:v8+s10+$0x0] =	vst.idx.add.f32.msk $0xffff, v2;
	v61 =	vshll.u32 v60, $0x4  }
0x2e7: {  	v8 =	vld [tilespmem:s0+$0x0];
	v5 =	vor.u32 v1, v61  }
0x2e8: {  	s1 =	sor.u32 $0xC70, s1;
	[tilespmem:v59+s10+$0x0] =	vst.idx.add.f32.msk $0xffff, v2  }
0x2e9: {  	v62 =	vld [tilespmem:s1+$0x0]  }
0x2ea: {  	s28 =	sor.u32 $0xC70, s7;
	[tilespmem:v7+s10+$0x0] =	vst.idx.add.f32.msk $0xffff, v2  }
0x2eb: {  	v7 =	vld [tilespmem:s28+$0x0]  }
0x2ec: {  	s29 =	sor.u32 $0xC70, s2;
	[tilespmem:v5+s10+$0x0] =	vst.idx.add.f32.msk $0xffff, v2  }
0x2ed: {  	v5 =	vld [tilespmem:s29+$0x0];
	_ =	sdelay $0x1  }
0x2ee: {  	v8 =	vshll.u32 v8, $0x4  }
0x2ef: {  	v8 =	vor.u32 v1, v8;
	v6 =	vshll.u32 v62, $0x4  }
0x2f0: {  	v6 =	vor.u32 v1, v6;
	v7 =	vshll.u32 v7, $0x4  }
0x2f1: {  	v7 =	vor.u32 v1, v7;
	v5 =	vshll.u32 v5, $0x4  }
0x2f2: {  	[tilespmem:v4+s10+$0x0] =	vst.idx.add.f32.msk $0xffff, v2;
	v63 =	vor.u32 v1, v5  }
0x2f3: {  	[tilespmem:v3+s10+$0x0] =	vst.idx.add.f32.msk $0xffff, v2  }
0x2f4: {  	[tilespmem:v8+s10+$0x0] =	vst.idx.add.f32.msk $0xffff, v2  }
0x2f5: {  	[tilespmem:v6+s10+$0x0] =	vst.idx.add.f32.msk $0xffff, v2  }
0x2f6: {  	[tilespmem:v7+s10+$0x0] =	vst.idx.add.f32.msk $0xffff, v2  }
0x2f7: {  	s13 =	rddreg [dreg:$0x0];
	[tilespmem:v63+s10+$0x0] =	vst.idx.add.f32.msk $0xffff, v2  }
0x2f8: {  	s15 =	rddreg [dreg:$0xd]  }
0x2f9: {  	s30 =	rddreg [dreg:$0xe]  }
0x2fa: {  	s14 =	simm.s32 $0x0;
	s31 =	rddreg [dreg:$0xf]  }
.LBB2_8:
0x2fb: {  	s0 =	simm.s32 $0x1  }
0x2fc: {  	_ =	swait.ge [sflag:s0], $0x1000  }
0x2fd: {  	[sflag:s0] =	ssyncset.done $0x0  }
0x2fe: {  	s7 =	simm.s32 $0x2;
	[sflag:s0] =	ssyncadd.s32 $0xFFFFF000  }
0x2ff: {  	_ =	swait.ge [sflag:s7], $0x1000  }
0x300: {  	[sflag:s7] =	ssyncset.done $0x0  }
0x301: {  	s1 =	simm.s32 $0x3;
	[sflag:s7] =	ssyncadd.s32 $0xFFFFF000  }
0x302: {  	_ =	swait.ge [sflag:s1], $0x1000  }
0x303: {  	s0 =	simm.s32 $0x0;
	[sflag:s1] =	ssyncset.done $0x0  }
0x304: {  	s2 =	simm.s32 $0x4;
	s9 =	sand.u32 $0x3, s0;
	[sflag:s1] =	ssyncadd.s32 $0xFFFFF000  }
0x305: {  	s1 =	sshll.u32 s9, $0xA;
	_ =	swait.ge [sflag:s2], $0x1000  }
0x306: {  	s1 =	sadd.s32 $0x0, s1;
	[sflag:s2] =	ssyncset.done $0x0  }
0x307: {  	s9 =	sor.u32 $0x70, s1;
	[sflag:s2] =	ssyncadd.s32 $0xFFFFF000  }
0x308: {  	s11 =	sand.u32 $0xC00, s0;
	s7 =	sand.u32 $0x380, s0;
	s3 =	sor.u32 $0x60, s1;
	v4 =	vld [tilespmem:s9+$0x0]  }
0x309: {  	s19 =	sor.u32 s7, s11;
	v5 =	vld [tilespmem:s3+$0x0]  }
0x30a: {  	v6 =	vld [tilespmem:s19+$0x0]  }
0x30b: {  	v7 =	vld [tilespmem:s19+$0x10]  }
0x30c: {  	v8 =	vld [tilespmem:s19+$0x20]  }
0x30d: {  	v9 =	vld [tilespmem:s19+$0x30]  }
0x30e: {  	v11 =	vld [tilespmem:s9+$0x4000]  }
0x30f: {  	v13 =	vld [tilespmem:s19+$0x40]  }
0x310: {  	v14 =	vld [tilespmem:s19+$0x50]  }
0x311: {  	s20 =	sshll.u32 s26, $0xB;
	v15 =	vld [tilespmem:s3+$0x4000]  }
0x312: {  	v3 =	vor.u32 s20, v1;
	v16 =	vld [tilespmem:s19+$0x4000];
	v10 =	vshll.u32 v4, $0x4  }
0x313: {  	v17 =	vld [tilespmem:s19+$0x4010];
	v18 =	vshll.u32 v5, $0x4;
	v12 =	vadd.s32 v3, v10  }
0x314: {  	v19 =	vld [tilespmem:s19+$0x4020];
	v20 =	vshll.u32 v6, $0x4;
	v6 =	vadd.s32 v3, v18  }
0x315: {  	v21 =	vld [tilespmem:s19+$0x4030]  }
0x316: {  	s28 =	sshll.u32 s26, $0x2;
	v23 =	vld [tilespmem:s19+$0x4040];
	v7 =	vshll.u32 v7, $0x4;
	v22 =	vadd.s32 v3, v20  }
0x317: {  	s2 =	sor.u32 $0x1, s28;
	v25 =	vld [tilespmem:s19+$0x4050];
	v8 =	vshll.u32 v8, $0x4;
	v24 =	vadd.s32 v3, v7  }
0x318: {  	s21 =	sshll.u32 s2, $0x9;
	v27 =	vshll.u32 v13, $0x4;
	v26 =	vadd.s32 v3, v8;
	[tilespmem:v12+s16+$0x0] =	vst.idx.add.f32.msk $0xffff, v11  }
0x319: {  	v4 =	vor.u32 s21, v1;
	v13 =	vadd.s32 v3, v27;
	[tilespmem:v6+s16+$0x0] =	vst.idx.add.f32.msk $0xffff, v15  }
0x31a: {  	v12 =	vadd.s32 v4, v10;
	v11 =	vld [tilespmem:s9+$0x5000]  }
0x31b: {  	v48 =	vshll.u32 v14, $0x4;
	[tilespmem:v22+s16+$0x0] =	vst.idx.add.f32.msk $0xffff, v16  }
0x31c: {  	v14 =	vadd.s32 v3, v48;
	[tilespmem:v24+s16+$0x0] =	vst.idx.add.f32.msk $0xffff, v17  }
0x31d: {  	s7 =	sor.u32 $0x2, s28;
	[tilespmem:v26+s16+$0x0] =	vst.idx.add.f32.msk $0xffff, v19  }
0x31e: {  	s11 =	sshll.u32 s7, $0x9;
	[tilespmem:v13+s16+$0x0] =	vst.idx.add.f32.msk $0xffff, v23  }
0x31f: {  	v5 =	vor.u32 s11, v1;
	[tilespmem:v12+s16+$0x0] =	vst.idx.add.f32.msk $0xffff, v11  }
0x320: {  	v12 =	vadd.s32 v5, v10;
	v11 =	vld [tilespmem:s9+$0x6000]  }
0x321: {  	v9 =	vshll.u32 v9, $0x4;
	[tilespmem:v14+s16+$0x0] =	vst.idx.add.f32.msk $0xffff, v25  }
0x322: {  	v15 =	vadd.s32 v3, v9;
	v13 =	vld [tilespmem:s19+$0x5010]  }
0x323: {  	s29 =	sshllo.u32 s26, $0x2;
	v52 =	vld [tilespmem:s19+$0x5040]  }
0x324: {  	s22 =	sshll.u32 s29, $0x9;
	v54 =	vld [tilespmem:s19+$0x5050]  }
0x325: {  	v49 =	vadd.s32 v4, v7;
	v6 =	vor.u32 s22, v1;
	[tilespmem:v12+s16+$0x0] =	vst.idx.add.f32.msk $0xffff, v11  }
0x326: {  	v10 =	vadd.s32 v6, v10;
	v11 =	vld [tilespmem:s9+$0x7000]  }
0x327: {  	[tilespmem:v15+s16+$0x0] =	vst.idx.add.f32.msk $0xffff, v21  }
0x328: {  	v55 =	vadd.s32 v4, v27;
	v15 =	vld [tilespmem:s19+$0x5020]  }
0x329: {  	v50 =	vld [tilespmem:s19+$0x5030]  }
0x32a: {  	[tilespmem:v49+s16+$0x0] =	vst.idx.add.f32.msk $0xffff, v13  }
0x32b: {  	v51 =	vadd.s32 v4, v8;
	[tilespmem:v10+s16+$0x0] =	vst.idx.add.f32.msk $0xffff, v11  }
0x32c: {  	v12 =	vadd.s32 v4, v18;
	v10 =	vld [tilespmem:s3+$0x5000]  }
0x32d: {  	v53 =	vadd.s32 v4, v9;
	[tilespmem:v55+s16+$0x0] =	vst.idx.add.f32.msk $0xffff, v52  }
0x32e: {  	v13 =	vld [tilespmem:s19+$0x6010]  }
0x32f: {  	v22 =	vld [tilespmem:s19+$0x6040]  }
0x330: {  	v56 =	vadd.s32 v5, v7;
	[tilespmem:v51+s16+$0x0] =	vst.idx.add.f32.msk $0xffff, v15  }
0x331: {  	[tilespmem:v12+s16+$0x0] =	vst.idx.add.f32.msk $0xffff, v10;
	v10 =	vadd.s32 v4, v48  }
0x332: {  	[tilespmem:v53+s16+$0x0] =	vst.idx.add.f32.msk $0xffff, v50  }
0x333: {  	v59 =	vadd.s32 v5, v27;
	v15 =	vld [tilespmem:s19+$0x6020]  }
0x334: {  	v19 =	vld [tilespmem:s19+$0x6030]  }
0x335: {  	[tilespmem:v56+s16+$0x0] =	vst.idx.add.f32.msk $0xffff, v13  }
0x336: {  	[tilespmem:v10+s16+$0x0] =	vst.idx.add.f32.msk $0xffff, v54  }
0x337: {  	v12 =	vadd.s32 v5, v18;
	v10 =	vld [tilespmem:s3+$0x6000]  }
0x338: {  	v57 =	vadd.s32 v5, v8;
	[tilespmem:v59+s16+$0x0] =	vst.idx.add.f32.msk $0xffff, v22  }
0x339: {  	v14 =	vadd.s32 v4, v20;
	v11 =	vld [tilespmem:s19+$0x5000]  }
0x33a: {  	v61 =	vld [tilespmem:s19+$0x7010]  }
0x33b: {  	v58 =	vadd.s32 v5, v9;
	v24 =	vld [tilespmem:s19+$0x6050]  }
0x33c: {  	[tilespmem:v12+s16+$0x0] =	vst.idx.add.f32.msk $0xffff, v10;
	v10 =	vadd.s32 v5, v48  }
0x33d: {  	[tilespmem:v57+s16+$0x0] =	vst.idx.add.f32.msk $0xffff, v15  }
0x33e: {  	[tilespmem:v14+s16+$0x0] =	vst.idx.add.f32.msk $0xffff, v11  }
0x33f: {  	v14 =	vadd.s32 v5, v20;
	v11 =	vld [tilespmem:s19+$0x6000]  }
0x340: {  	[tilespmem:v58+s16+$0x0] =	vst.idx.add.f32.msk $0xffff, v19  }
0x341: {  	[tilespmem:v10+s16+$0x0] =	vst.idx.add.f32.msk $0xffff, v24  }
0x342: {  	v60 =	vadd.s32 v6, v18;
	v10 =	vld [tilespmem:s3+$0x7000]  }
0x343: {  	v63 =	vadd.s32 v6, v7;
	v13 =	vld [tilespmem:s19+$0x7030]  }
0x344: {  	[tilespmem:v14+s16+$0x0] =	vst.idx.add.f32.msk $0xffff, v11  }
0x345: {  	v14 =	vld [tilespmem:s19+$0x7020]  }
0x346: {  	v62 =	vadd.s32 v6, v20;
	v15 =	vld [tilespmem:s19+$0x7000]  }
0x347: {  	[tilespmem:v60+s16+$0x0] =	vst.idx.add.f32.msk $0xffff, v10;
	v10 =	vadd.s32 v6, v8  }
0x348: {  	v9 =	vadd.s32 v6, v9;
	[tilespmem:v63+s16+$0x0] =	vst.idx.add.f32.msk $0xffff, v61  }
0x349: {  	v12 =	vld [tilespmem:s19+$0x7040];
	v8 =	vadd.s32 v6, v27  }
0x34a: {  	v7 =	vadd.s32 v6, v48;
	v11 =	vld [tilespmem:s19+$0x7050]  }
0x34b: {  	s20 =	simm.s32 $0x0;
	s9 =	simm.s32 $0x0;
	[tilespmem:v62+s16+$0x0] =	vst.idx.add.f32.msk $0xffff, v15;
	s19 =	simm.s32 $0x1  }
.LBB2_9:
0x34c: {  	s1 =	sand.u32 $0x3, s19;
	s9 =	sadd.s32 $0x8, s9;
	[tilespmem:v10+s16+$0x0] =	vst.idx.add.f32.msk $0xffff, v14;
	s0 =	sadd.s32 $0x400, s0  }
0x34d: {  	s20 =	sadd.s32 $0x20, s20;
	s1 =	sshll.u32 s1, $0xA;
	p0 =	slt.u32 s9, $0xF8;
	[tilespmem:v9+s16+$0x0] =	vst.idx.add.f32.msk $0xffff, v13  }
0x34e: {  	s3 =	sand.u32 $0xC00, s0;
	s11 =	sand.u32 $0x380, s20;
	s1 =	sadd.s32 s1, s20;
	[tilespmem:v8+s16+$0x0] =	vst.idx.add.f32.msk $0xffff, v12  }
0x34f: {  	s21 =	sor.u32 s11, s3;
	s22 =	sor.u32 $0x60, s1;
	s1 =	sor.u32 $0x70, s1;
	[tilespmem:v7+s16+$0x0] =	vst.idx.add.f32.msk $0xffff, v11  }
0x350: {  	v7 =	vld [tilespmem:s1+$0x0]  }
0x351: {  	v8 =	vld [tilespmem:s22+$0x0]  }
0x352: {  	v9 =	vld [tilespmem:s21+$0x0]  }
0x353: {  	v10 =	vld [tilespmem:s21+$0x10]  }
0x354: {  	v11 =	vld [tilespmem:s21+$0x20]  }
0x355: {  	v12 =	vld [tilespmem:s21+$0x30];
	v13 =	vshll.u32 v7, $0x4  }
0x356: {  	v7 =	vshll.u32 v8, $0x4;
	v8 =	vld [tilespmem:s1+$0x4000];
	v14 =	vadd.s32 v3, v13  }
0x357: {  	v9 =	vshll.u32 v9, $0x4;
	v15 =	vld [tilespmem:s21+$0x40];
	v16 =	vadd.s32 v3, v7;
	v17 =	vadd.s32 v4, v7  }
0x358: {  	v18 =	vadd.s32 v3, v9;
	v19 =	vadd.s32 v4, v9;
	v10 =	vshll.u32 v10, $0x4;
	v20 =	vld [tilespmem:s21+$0x50]  }
0x359: {  	v21 =	vadd.s32 v3, v10;
	v22 =	vadd.s32 v4, v10;
	v11 =	vshll.u32 v11, $0x4;
	v23 =	vld [tilespmem:s22+$0x4000]  }
0x35a: {  	v24 =	vld [tilespmem:s21+$0x4000];
	v25 =	vadd.s32 v3, v11;
	v26 =	vadd.s32 v4, v11;
	v12 =	vshll.u32 v12, $0x4  }
0x35b: {  	v27 =	vadd.s32 v3, v12;
	v28 =	vadd.s32 v4, v12;
	[tilespmem:v14+s16+$0x0] =	vst.idx.add.f32.msk $0xffff, v8  }
0x35c: {  	v29 =	vadd.s32 v4, v13;
	v14 =	vadd.s32 v5, v7;
	v8 =	vshll.u32 v15, $0x4;
	v15 =	vld [tilespmem:s1+$0x5000]  }
0x35d: {  	v30 =	vld [tilespmem:s21+$0x4010];
	v31 =	vadd.s32 v3, v8;
	v32 =	vadd.s32 v4, v8;
	v20 =	vshll.u32 v20, $0x4  }
0x35e: {  	v33 =	vadd.s32 v5, v9;
	v34 =	vld [tilespmem:s21+$0x4020];
	v35 =	vadd.s32 v3, v20;
	v36 =	vadd.s32 v4, v20  }
0x35f: {  	v37 =	vadd.s32 v5, v10;
	v38 =	vadd.s32 v5, v11;
	v40 =	vadd.s32 v5, v12;
	v39 =	vld [tilespmem:s21+$0x4030]  }
0x360: {  	v44 =	vadd.s32 v6, v7;
	v42 =	vadd.s32 v5, v8;
	v43 =	vadd.s32 v5, v20;
	v41 =	vld [tilespmem:s21+$0x4040]  }
0x361: {  	v45 =	vadd.s32 v6, v9;
	v46 =	vadd.s32 v6, v10;
	[tilespmem:v29+s16+$0x0] =	vst.idx.add.f32.msk $0xffff, v15  }
0x362: {  	v10 =	vadd.s32 v6, v11;
	v9 =	vadd.s32 v6, v12;
	v12 =	vadd.s32 v5, v13;
	v11 =	vld [tilespmem:s1+$0x6000]  }
0x363: {  	v8 =	vadd.s32 v6, v8;
	v7 =	vadd.s32 v6, v20;
	v15 =	vld [tilespmem:s21+$0x4050]  }
0x364: {  	[tilespmem:v16+s16+$0x0] =	vst.idx.add.f32.msk $0xffff, v23  }
0x365: {  	[tilespmem:v18+s16+$0x0] =	vst.idx.add.f32.msk $0xffff, v24  }
0x366: {  	[tilespmem:v21+s16+$0x0] =	vst.idx.add.f32.msk $0xffff, v30  }
0x367: {  	[tilespmem:v12+s16+$0x0] =	vst.idx.add.f32.msk $0xffff, v11  }
0x368: {  	v12 =	vadd.s32 v6, v13;
	v11 =	vld [tilespmem:s1+$0x7000]  }
0x369: {  	[tilespmem:v25+s16+$0x0] =	vst.idx.add.f32.msk $0xffff, v34  }
0x36a: {  	[tilespmem:v27+s16+$0x0] =	vst.idx.add.f32.msk $0xffff, v39  }
0x36b: {  	[tilespmem:v31+s16+$0x0] =	vst.idx.add.f32.msk $0xffff, v41  }
0x36c: {  	[tilespmem:v35+s16+$0x0] =	vst.idx.add.f32.msk $0xffff, v15  }
0x36d: {  	[tilespmem:v12+s16+$0x0] =	vst.idx.add.f32.msk $0xffff, v11  }
0x36e: {  	v11 =	vld [tilespmem:s22+$0x5000]  }
0x36f: {  	v12 =	vld [tilespmem:s21+$0x5000]  }
0x370: {  	v13 =	vld [tilespmem:s21+$0x5010]  }
0x371: {  	v15 =	vld [tilespmem:s21+$0x5020]  }
0x372: {  	v16 =	vld [tilespmem:s21+$0x5030]  }
0x373: {  	v18 =	vld [tilespmem:s21+$0x5040]  }
0x374: {  	v20 =	vld [tilespmem:s21+$0x5050]  }
0x375: {  	[tilespmem:v17+s16+$0x0] =	vst.idx.add.f32.msk $0xffff, v11  }
0x376: {  	[tilespmem:v19+s16+$0x0] =	vst.idx.add.f32.msk $0xffff, v12  }
0x377: {  	[tilespmem:v22+s16+$0x0] =	vst.idx.add.f32.msk $0xffff, v13  }
0x378: {  	[tilespmem:v26+s16+$0x0] =	vst.idx.add.f32.msk $0xffff, v15  }
0x379: {  	[tilespmem:v28+s16+$0x0] =	vst.idx.add.f32.msk $0xffff, v16  }
0x37a: {  	[tilespmem:v32+s16+$0x0] =	vst.idx.add.f32.msk $0xffff, v18  }
0x37b: {  	[tilespmem:v36+s16+$0x0] =	vst.idx.add.f32.msk $0xffff, v20  }
0x37c: {  	v11 =	vld [tilespmem:s22+$0x6000]  }
0x37d: {  	v12 =	vld [tilespmem:s21+$0x6000]  }
0x37e: {  	v13 =	vld [tilespmem:s21+$0x6010]  }
0x37f: {  	v15 =	vld [tilespmem:s21+$0x6020]  }
0x380: {  	v16 =	vld [tilespmem:s21+$0x6030]  }
0x381: {  	v17 =	vld [tilespmem:s21+$0x6040]  }
0x382: {  	v18 =	vld [tilespmem:s21+$0x6050]  }
0x383: {  	[tilespmem:v14+s16+$0x0] =	vst.idx.add.f32.msk $0xffff, v11  }
0x384: {  	[tilespmem:v33+s16+$0x0] =	vst.idx.add.f32.msk $0xffff, v12  }
0x385: {  	[tilespmem:v37+s16+$0x0] =	vst.idx.add.f32.msk $0xffff, v13  }
0x386: {  	[tilespmem:v38+s16+$0x0] =	vst.idx.add.f32.msk $0xffff, v15  }
0x387: {  	[tilespmem:v40+s16+$0x0] =	vst.idx.add.f32.msk $0xffff, v16  }
0x388: {  	[tilespmem:v42+s16+$0x0] =	vst.idx.add.f32.msk $0xffff, v17  }
0x389: {  	[tilespmem:v43+s16+$0x0] =	vst.idx.add.f32.msk $0xffff, v18  }
0x38a: {  	v15 =	vld [tilespmem:s22+$0x7000]  }
0x38b: {  	v16 =	vld [tilespmem:s21+$0x7000]  }
0x38c: {  	v17 =	vld [tilespmem:s21+$0x7010]  }
0x38d: {  	v14 =	vld [tilespmem:s21+$0x7020]  }
0x38e: {  	v13 =	vld [tilespmem:s21+$0x7030]  }
.Ltmp5:
0x38f: {  	v12 =	vld [tilespmem:s21+$0x7040];
	(pc) =	sbr.rel @p0 .LBB2_9-.Ltmp5, $4  }
0x390: {  	v11 =	vld [tilespmem:s21+$0x7050]  }
0x391: {  	[tilespmem:v44+s16+$0x0] =	vst.idx.add.f32.msk $0xffff, v15  }
0x392: {  	[tilespmem:v45+s16+$0x0] =	vst.idx.add.f32.msk $0xffff, v16  }
0x393: {  	s19 =	sadd.s32 $0x1, s19;
	[tilespmem:v46+s16+$0x0] =	vst.idx.add.f32.msk $0xffff, v17  }
0x394: {  	_ =	sdelay $0x3  }
0x395: {  	[tilespmem:v10+s16+$0x0] =	vst.idx.add.f32.msk $0xffff, v14;
	s0 =	sadd.s32 s8, s28  }
0x396: {  	[tilespmem:v9+s16+$0x0] =	vst.idx.add.f32.msk $0xffff, v13;
	s0 =	sshll.u32 s0, $0xF  }
0x397: {  	[tilespmem:v8+s16+$0x0] =	vst.idx.add.f32.msk $0xffff, v12;
	s9 =	simm.s32 $0x0;
	s0 =	sor.u32 s5, s0  }
0x398: {  	s3 =	simm.s32 $0x4000;
	s21 =	sadd.s32 s8, s2;
	[tilespmem:v7+s16+$0x0] =	vst.idx.add.f32.msk $0xffff, v11;
	s1 =	sadd.s32 s0, s17  }
0x399: {  	[tilespmem:s3], [sflag:$0x1] =	stream.linear.gather [hbm4b:s1+s9], $0x1000, $0x38;
	[tilespmem:$0x18400] =	vst v63  }
0x39a: {  	s1 =	sshll.u32 s21, $0xF  }
0x39b: {  	s2 =	sor.u32 s5, s1  }
0x39c: {  	s22 =	simm.s32 $0x5000;
	s7 =	sadd.s32 s8, s7;
	s1 =	sadd.s32 s2, s17  }
0x39d: {  	[tilespmem:s22], [sflag:$0x2] =	stream.linear.gather [hbm4b:s1+s9], $0x1000, $0x38;
	[tilespmem:$0x18400] =	vst v63  }
0x39e: {  	s1 =	sshll.u32 s7, $0xF  }
0x39f: {  	s7 =	sor.u32 s5, s1  }
0x3a0: {  	s11 =	simm.s32 $0x6000;
	s19 =	sadd.s32 s8, s29;
	s1 =	sadd.s32 s7, s17  }
0x3a1: {  	[tilespmem:s11], [sflag:$0x3] =	stream.linear.gather [hbm4b:s1+s9], $0x1000, $0x38;
	[tilespmem:$0x18400] =	vst v63  }
0x3a2: {  	s1 =	sshll.u32 s19, $0xF  }
0x3a3: {  	s29 =	sor.u32 s5, s1  }
0x3a4: {  	s20 =	simm.s32 $0x7000;
	s1 =	sadd.s32 s29, s17  }
0x3a5: {  	[tilespmem:s20], [sflag:$0x4] =	stream.linear.gather [hbm4b:s1+s9], $0x1000, $0x38;
	[tilespmem:$0x18400] =	vst v63  }
0x3a6: {  	_ =	swait.ge [sflag:s23], $0x1000  }
0x3a7: {  	[sflag:s23] =	ssyncset.done $0x0  }
0x3a8: {  	[sflag:s23] =	ssyncadd.s32 $0xFFFFF000  }
0x3a9: {  	_ =	swait.ge [sflag:s24], $0x1000  }
0x3aa: {  	[sflag:s24] =	ssyncset.done $0x0  }
0x3ab: {  	[sflag:s24] =	ssyncadd.s32 $0xFFFFF000  }
0x3ac: {  	_ =	swait.ge [sflag:s25], $0x1000  }
0x3ad: {  	[sflag:s25] =	ssyncset.done $0x0  }
0x3ae: {  	[sflag:s25] =	ssyncadd.s32 $0xFFFFF000  }
0x3af: {  	s21 =	simm.s32 $0x0;
	_ =	swait.ge [sflag:s6], $0x1000  }
0x3b0: {  	s22 =	sand.u32 $0xC00, s9;
	s11 =	sand.u32 $0x3FFFFF80, s21;
	[sflag:s6] =	ssyncset.done $0x0  }
0x3b1: {  	s11 =	sadd.s32 s22, s11;
	[sflag:s6] =	ssyncadd.s32 $0xFFFFF000  }
0x3b2: {  	v7 =	vld [tilespmem:s11+$0x1070]  }
0x3b3: {  	v8 =	vld [tilespmem:s11+$0x1000]  }
0x3b4: {  	v9 =	vld [tilespmem:s11+$0x1010]  }
0x3b5: {  	v10 =	vld [tilespmem:s11+$0x1020]  }
0x3b6: {  	s1 =	sand.u32 $0xFFFFFF80, s21;
	v11 =	vld [tilespmem:s11+$0x1030]  }
0x3b7: {  	s1 =	sadd.s32 s22, s1;
	v12 =	vld [tilespmem:s11+$0x1040]  }
0x3b8: {  	v13 =	vld [tilespmem:s1+$0x8070]  }
0x3b9: {  	v15 =	vld [tilespmem:s11+$0x1050]  }
0x3ba: {  	v16 =	vld [tilespmem:s11+$0x1060]  }
0x3bb: {  	v17 =	vld [tilespmem:s1+$0x8000]  }
0x3bc: {  	v18 =	vld [tilespmem:s1+$0x8010];
	v7 =	vshll.u32 v7, $0x4  }
0x3bd: {  	v19 =	vld [tilespmem:s1+$0x8020];
	v8 =	vshll.u32 v8, $0x4;
	v14 =	vadd.s32 v3, v7  }
0x3be: {  	v20 =	vld [tilespmem:s1+$0x8030];
	v9 =	vshll.u32 v9, $0x4;
	v21 =	vadd.s32 v3, v8  }
0x3bf: {  	v22 =	vld [tilespmem:s1+$0x8040];
	v23 =	vadd.s32 v3, v9  }
0x3c0: {  	v24 =	vld [tilespmem:s1+$0x8050];
	v10 =	vshll.u32 v10, $0x4  }
0x3c1: {  	v26 =	vshll.u32 v11, $0x4;
	v11 =	vld [tilespmem:s1+$0x8060];
	v25 =	vadd.s32 v3, v10  }
0x3c2: {  	v28 =	vshll.u32 v12, $0x4;
	v27 =	vadd.s32 v3, v26;
	[tilespmem:v14+s16+$0x0] =	vst.idx.add.f32.msk $0xffff, v13  }
0x3c3: {  	v15 =	vshll.u32 v15, $0x4;
	v12 =	vadd.s32 v3, v28;
	[tilespmem:v21+s16+$0x0] =	vst.idx.add.f32.msk $0xffff, v17  }
0x3c4: {  	v48 =	vadd.s32 v3, v15;
	[tilespmem:v23+s16+$0x0] =	vst.idx.add.f32.msk $0xffff, v18  }
0x3c5: {  	v14 =	vadd.s32 v4, v7;
	v13 =	vld [tilespmem:s1+$0x9070]  }
0x3c6: {  	v16 =	vshll.u32 v16, $0x4;
	[tilespmem:v25+s16+$0x0] =	vst.idx.add.f32.msk $0xffff, v19  }
0x3c7: {  	v49 =	vadd.s32 v3, v16;
	[tilespmem:v27+s16+$0x0] =	vst.idx.add.f32.msk $0xffff, v20  }
0x3c8: {  	[tilespmem:v12+s16+$0x0] =	vst.idx.add.f32.msk $0xffff, v22  }
0x3c9: {  	[tilespmem:v48+s16+$0x0] =	vst.idx.add.f32.msk $0xffff, v24  }
0x3ca: {  	[tilespmem:v14+s16+$0x0] =	vst.idx.add.f32.msk $0xffff, v13  }
0x3cb: {  	v14 =	vadd.s32 v5, v7;
	v13 =	vld [tilespmem:s1+$0xA070]  }
0x3cc: {  	[tilespmem:v49+s16+$0x0] =	vst.idx.add.f32.msk $0xffff, v11  }
0x3cd: {  	v11 =	vld [tilespmem:s1+$0x9010]  }
0x3ce: {  	v50 =	vld [tilespmem:s1+$0x9030]  }
0x3cf: {  	v53 =	vadd.s32 v4, v26;
	v52 =	vld [tilespmem:s1+$0x9040]  }
0x3d0: {  	v55 =	vadd.s32 v4, v28;
	[tilespmem:v14+s16+$0x0] =	vst.idx.add.f32.msk $0xffff, v13  }
0x3d1: {  	v7 =	vadd.s32 v6, v7;
	v13 =	vld [tilespmem:s1+$0xB070]  }
0x3d2: {  	v54 =	vld [tilespmem:s1+$0x9050]  }
0x3d3: {  	v56 =	vld [tilespmem:s1+$0x9060]  }
0x3d4: {  	[tilespmem:v53+s16+$0x0] =	vst.idx.add.f32.msk $0xffff, v50  }
0x3d5: {  	v57 =	vadd.s32 v4, v15;
	[tilespmem:v55+s16+$0x0] =	vst.idx.add.f32.msk $0xffff, v52  }
0x3d6: {  	[tilespmem:v7+s16+$0x0] =	vst.idx.add.f32.msk $0xffff, v13  }
0x3d7: {  	v12 =	vadd.s32 v4, v8;
	v7 =	vld [tilespmem:s1+$0x9000]  }
0x3d8: {  	v59 =	vadd.s32 v5, v26;
	v17 =	vld [tilespmem:s1+$0xA030]  }
0x3d9: {  	v60 =	vadd.s32 v5, v28;
	v19 =	vld [tilespmem:s1+$0xA040]  }
0x3da: {  	[tilespmem:v57+s16+$0x0] =	vst.idx.add.f32.msk $0xffff, v54;
	v14 =	vadd.s32 v4, v9  }
0x3db: {  	v21 =	vld [tilespmem:s1+$0xA050]  }
0x3dc: {  	[tilespmem:v12+s16+$0x0] =	vst.idx.add.f32.msk $0xffff, v7;
	v7 =	vadd.s32 v4, v16  }
0x3dd: {  	[tilespmem:v59+s16+$0x0] =	vst.idx.add.f32.msk $0xffff, v17  }
0x3de: {  	[tilespmem:v60+s16+$0x0] =	vst.idx.add.f32.msk $0xffff, v19  }
0x3df: {  	v61 =	vadd.s32 v5, v15;
	[tilespmem:v14+s16+$0x0] =	vst.idx.add.f32.msk $0xffff, v11  }
0x3e0: {  	v51 =	vadd.s32 v4, v10;
	v13 =	vld [tilespmem:s1+$0x9020]  }
0x3e1: {  	[tilespmem:v7+s16+$0x0] =	vst.idx.add.f32.msk $0xffff, v56  }
0x3e2: {  	v12 =	vadd.s32 v5, v8;
	v7 =	vld [tilespmem:s1+$0xA000]  }
0x3e3: {  	v14 =	vadd.s32 v5, v9;
	v11 =	vld [tilespmem:s1+$0xA010]  }
0x3e4: {  	[tilespmem:v61+s16+$0x0] =	vst.idx.add.f32.msk $0xffff, v21  }
0x3e5: {  	[tilespmem:v51+s16+$0x0] =	vst.idx.add.f32.msk $0xffff, v13  }
0x3e6: {  	v23 =	vld [tilespmem:s1+$0xA060]  }
0x3e7: {  	[tilespmem:v12+s16+$0x0] =	vst.idx.add.f32.msk $0xffff, v7;
	v7 =	vadd.s32 v5, v16  }
0x3e8: {  	[tilespmem:v14+s16+$0x0] =	vst.idx.add.f32.msk $0xffff, v11  }
0x3e9: {  	v58 =	vadd.s32 v5, v10;
	v13 =	vld [tilespmem:s1+$0xA020]  }
0x3ea: {  	v14 =	vld [tilespmem:s1+$0xB030]  }
0x3eb: {  	v62 =	vld [tilespmem:s1+$0xB010]  }
0x3ec: {  	v9 =	vadd.s32 v6, v9;
	[tilespmem:v7+s16+$0x0] =	vst.idx.add.f32.msk $0xffff, v23  }
0x3ed: {  	v8 =	vadd.s32 v6, v8;
	v7 =	vld [tilespmem:s1+$0xB000]  }
0x3ee: {  	[tilespmem:v58+s16+$0x0] =	vst.idx.add.f32.msk $0xffff, v13  }
0x3ef: {  	v13 =	vld [tilespmem:s1+$0xB040]  }
0x3f0: {  	v63 =	vadd.s32 v6, v10;
	v18 =	vld [tilespmem:s1+$0xB020]  }
0x3f1: {  	v10 =	vadd.s32 v6, v26;
	[tilespmem:v9+s16+$0x0] =	vst.idx.add.f32.msk $0xffff, v62  }
0x3f2: {  	[tilespmem:v8+s16+$0x0] =	vst.idx.add.f32.msk $0xffff, v7;
	v7 =	vadd.s32 v6, v28  }
0x3f3: {  	v9 =	vadd.s32 v6, v15;
	v12 =	vld [tilespmem:s1+$0xB050]  }
0x3f4: {  	v11 =	vld [tilespmem:s1+$0xB060];
	v8 =	vadd.s32 v6, v16  }
0x3f5: {  	s19 =	simm.s32 $0x0;
	[tilespmem:v63+s16+$0x0] =	vst.idx.add.f32.msk $0xffff, v18  }
.LBB2_11:
0x3f6: {  	s19 =	sadd.s32 $0x8, s19;
	[tilespmem:v10+s16+$0x0] =	vst.idx.add.f32.msk $0xffff, v14  }
0x3f7: {  	s9 =	sadd.s32 $0x400, s9;
	s1 =	sshll.u32 s19, $0x2;
	p0 =	slt.u32 s19, $0xF8;
	[tilespmem:v7+s16+$0x0] =	vst.idx.add.f32.msk $0xffff, v13  }
0x3f8: {  	s3 =	sand.u32 $0xC00, s9;
	s11 =	sand.u32 $0x3FFFFF80, s1;
	[tilespmem:v9+s16+$0x0] =	vst.idx.add.f32.msk $0xffff, v12  }
0x3f9: {  	s11 =	sadd.s32 s3, s11;
	[tilespmem:v8+s16+$0x0] =	vst.idx.add.f32.msk $0xffff, v11  }
0x3fa: {  	v7 =	vld [tilespmem:s11+$0x1070]  }
0x3fb: {  	v8 =	vld [tilespmem:s11+$0x1000]  }
0x3fc: {  	v9 =	vld [tilespmem:s11+$0x1010]  }
0x3fd: {  	v10 =	vld [tilespmem:s11+$0x1020]  }
0x3fe: {  	s1 =	sand.u32 $0xFFFFFF80, s1;
	v11 =	vld [tilespmem:s11+$0x1030]  }
0x3ff: {  	s20 =	sadd.s32 s3, s1;
	v12 =	vld [tilespmem:s11+$0x1040];
	v13 =	vshll.u32 v7, $0x4  }
0x400: {  	v7 =	vshll.u32 v8, $0x4;
	v8 =	vld [tilespmem:s20+$0x8070];
	v14 =	vadd.s32 v3, v13  }
0x401: {  	v15 =	vadd.s32 v3, v7;
	v16 =	vadd.s32 v4, v7;
	v9 =	vshll.u32 v9, $0x4;
	v17 =	vld [tilespmem:s11+$0x1050]  }
0x402: {  	v18 =	vadd.s32 v3, v9;
	v19 =	vadd.s32 v4, v9;
	v10 =	vshll.u32 v10, $0x4;
	v20 =	vld [tilespmem:s11+$0x1060]  }
0x403: {  	v21 =	vld [tilespmem:s20+$0x8000];
	v22 =	vadd.s32 v3, v10;
	v23 =	vadd.s32 v4, v10;
	v11 =	vshll.u32 v11, $0x4  }
0x404: {  	v24 =	vld [tilespmem:s20+$0x8010];
	v25 =	vadd.s32 v3, v11;
	v26 =	vadd.s32 v4, v11;
	v12 =	vshll.u32 v12, $0x4  }
0x405: {  	v27 =	vadd.s32 v3, v12;
	v28 =	vadd.s32 v4, v12;
	[tilespmem:v14+s16+$0x0] =	vst.idx.add.f32.msk $0xffff, v8  }
0x406: {  	v29 =	vadd.s32 v4, v13;
	v14 =	vadd.s32 v5, v7;
	v8 =	vshll.u32 v17, $0x4;
	v17 =	vld [tilespmem:s20+$0x9070]  }
0x407: {  	v30 =	vld [tilespmem:s20+$0x8020];
	v31 =	vadd.s32 v3, v8;
	v32 =	vadd.s32 v4, v8;
	v20 =	vshll.u32 v20, $0x4  }
0x408: {  	v33 =	vadd.s32 v5, v9;
	v34 =	vld [tilespmem:s20+$0x8030];
	v35 =	vadd.s32 v3, v20;
	v36 =	vadd.s32 v4, v20  }
0x409: {  	v37 =	vadd.s32 v5, v10;
	v38 =	vadd.s32 v5, v11;
	v40 =	vadd.s32 v5, v12;
	v39 =	vld [tilespmem:s20+$0x8040]  }
0x40a: {  	v41 =	vadd.s32 v6, v7;
	v43 =	vadd.s32 v5, v8;
	v44 =	vadd.s32 v5, v20;
	v42 =	vld [tilespmem:s20+$0x8050]  }
0x40b: {  	v45 =	vadd.s32 v6, v9;
	v46 =	vadd.s32 v6, v10;
	[tilespmem:v29+s16+$0x0] =	vst.idx.add.f32.msk $0xffff, v17  }
0x40c: {  	v10 =	vadd.s32 v6, v11;
	v7 =	vadd.s32 v6, v12;
	v12 =	vadd.s32 v5, v13;
	v11 =	vld [tilespmem:s20+$0xA070]  }
0x40d: {  	v9 =	vadd.s32 v6, v8;
	v8 =	vadd.s32 v6, v20;
	v17 =	vld [tilespmem:s20+$0x8060]  }
0x40e: {  	[tilespmem:v15+s16+$0x0] =	vst.idx.add.f32.msk $0xffff, v21  }
0x40f: {  	[tilespmem:v18+s16+$0x0] =	vst.idx.add.f32.msk $0xffff, v24  }
0x410: {  	[tilespmem:v22+s16+$0x0] =	vst.idx.add.f32.msk $0xffff, v30  }
0x411: {  	[tilespmem:v12+s16+$0x0] =	vst.idx.add.f32.msk $0xffff, v11  }
0x412: {  	v12 =	vadd.s32 v6, v13;
	v11 =	vld [tilespmem:s20+$0xB070]  }
0x413: {  	[tilespmem:v25+s16+$0x0] =	vst.idx.add.f32.msk $0xffff, v34  }
0x414: {  	[tilespmem:v27+s16+$0x0] =	vst.idx.add.f32.msk $0xffff, v39  }
0x415: {  	[tilespmem:v31+s16+$0x0] =	vst.idx.add.f32.msk $0xffff, v42  }
0x416: {  	[tilespmem:v35+s16+$0x0] =	vst.idx.add.f32.msk $0xffff, v17  }
0x417: {  	[tilespmem:v12+s16+$0x0] =	vst.idx.add.f32.msk $0xffff, v11  }
0x418: {  	v11 =	vld [tilespmem:s20+$0x9000]  }
0x419: {  	v12 =	vld [tilespmem:s20+$0x9010]  }
0x41a: {  	v13 =	vld [tilespmem:s20+$0x9020]  }
0x41b: {  	v15 =	vld [tilespmem:s20+$0x9030]  }
0x41c: {  	v17 =	vld [tilespmem:s20+$0x9040]  }
0x41d: {  	v18 =	vld [tilespmem:s20+$0x9050]  }
0x41e: {  	v20 =	vld [tilespmem:s20+$0x9060]  }
0x41f: {  	[tilespmem:v16+s16+$0x0] =	vst.idx.add.f32.msk $0xffff, v11  }
0x420: {  	[tilespmem:v19+s16+$0x0] =	vst.idx.add.f32.msk $0xffff, v12  }
0x421: {  	[tilespmem:v23+s16+$0x0] =	vst.idx.add.f32.msk $0xffff, v13  }
0x422: {  	[tilespmem:v26+s16+$0x0] =	vst.idx.add.f32.msk $0xffff, v15  }
0x423: {  	[tilespmem:v28+s16+$0x0] =	vst.idx.add.f32.msk $0xffff, v17  }
0x424: {  	[tilespmem:v32+s16+$0x0] =	vst.idx.add.f32.msk $0xffff, v18  }
0x425: {  	[tilespmem:v36+s16+$0x0] =	vst.idx.add.f32.msk $0xffff, v20  }
0x426: {  	v11 =	vld [tilespmem:s20+$0xA000]  }
0x427: {  	v12 =	vld [tilespmem:s20+$0xA010]  }
0x428: {  	v13 =	vld [tilespmem:s20+$0xA020]  }
0x429: {  	v15 =	vld [tilespmem:s20+$0xA030]  }
0x42a: {  	v16 =	vld [tilespmem:s20+$0xA040]  }
0x42b: {  	v17 =	vld [tilespmem:s20+$0xA050]  }
0x42c: {  	v18 =	vld [tilespmem:s20+$0xA060]  }
0x42d: {  	[tilespmem:v14+s16+$0x0] =	vst.idx.add.f32.msk $0xffff, v11  }
0x42e: {  	[tilespmem:v33+s16+$0x0] =	vst.idx.add.f32.msk $0xffff, v12  }
0x42f: {  	[tilespmem:v37+s16+$0x0] =	vst.idx.add.f32.msk $0xffff, v13  }
0x430: {  	[tilespmem:v38+s16+$0x0] =	vst.idx.add.f32.msk $0xffff, v15  }
0x431: {  	[tilespmem:v40+s16+$0x0] =	vst.idx.add.f32.msk $0xffff, v16  }
0x432: {  	[tilespmem:v43+s16+$0x0] =	vst.idx.add.f32.msk $0xffff, v17  }
0x433: {  	[tilespmem:v44+s16+$0x0] =	vst.idx.add.f32.msk $0xffff, v18  }
0x434: {  	v15 =	vld [tilespmem:s20+$0xB000]  }
0x435: {  	v16 =	vld [tilespmem:s20+$0xB010]  }
0x436: {  	v17 =	vld [tilespmem:s20+$0xB020]  }
0x437: {  	v14 =	vld [tilespmem:s20+$0xB030]  }
0x438: {  	v13 =	vld [tilespmem:s20+$0xB040]  }
.Ltmp6:
0x439: {  	v12 =	vld [tilespmem:s20+$0xB050];
	(pc) =	sbr.rel @p0 .LBB2_11-.Ltmp6, $4  }
0x43a: {  	v11 =	vld [tilespmem:s20+$0xB060]  }
0x43b: {  	[tilespmem:v41+s16+$0x0] =	vst.idx.add.f32.msk $0xffff, v15  }
0x43c: {  	[tilespmem:v45+s16+$0x0] =	vst.idx.add.f32.msk $0xffff, v16  }
0x43d: {  	[tilespmem:v46+s16+$0x0] =	vst.idx.add.f32.msk $0xffff, v17  }
0x43e: {  	_ =	sdelay $0x3  }
0x43f: {  	[tilespmem:v10+s16+$0x0] =	vst.idx.add.f32.msk $0xffff, v14  }
0x440: {  	[tilespmem:v7+s16+$0x0] =	vst.idx.add.f32.msk $0xffff, v13  }
0x441: {  	[tilespmem:v9+s16+$0x0] =	vst.idx.add.f32.msk $0xffff, v12  }
0x442: {  	s1 =	sadd.s32 s0, s18;
	s0 =	simm.s32 $0x0;
	s11 =	simm.s32 $0x8000;
	[tilespmem:v8+s16+$0x0] =	vst.idx.add.f32.msk $0xffff, v11  }
0x443: {  	[tilespmem:s11], [sflag:$0x5] =	stream.linear.gather [hbm4b:s1+s0], $0x1000, $0x38;
	[tilespmem:$0x18400] =	vst v63  }
0x444: {  	s21 =	sadd.s32 s2, s18;
	s19 =	simm.s32 $0x9000  }
0x445: {  	[tilespmem:s19], [sflag:$0x6] =	stream.linear.gather [hbm4b:s21+s0], $0x1000, $0x38;
	[tilespmem:$0x18400] =	vst v63  }
0x446: {  	s22 =	sadd.s32 s7, s18;
	s20 =	simm.s32 $0xA000  }
0x447: {  	[tilespmem:s20], [sflag:$0x7] =	stream.linear.gather [hbm4b:s22+s0], $0x1000, $0x38;
	[tilespmem:$0x18400] =	vst v63  }
0x448: {  	s29 =	sadd.s32 s29, s18;
	s2 =	simm.s32 $0x1;
	s21 =	simm.s32 $0xB000  }
0x449: {  	[tilespmem:s21], [sflag:$0x8] =	stream.linear.gather [hbm4b:s29+s0], $0x1000, $0x38;
	[tilespmem:$0x18400] =	vst v63  }
0x44a: {  	_ =	swait.ge [sflag:s2], $0x1000  }
0x44b: {  	[sflag:s2] =	ssyncset.done $0x0  }
0x44c: {  	s3 =	simm.s32 $0x2;
	[sflag:s2] =	ssyncadd.s32 $0xFFFFF000  }
0x44d: {  	_ =	swait.ge [sflag:s3], $0x1000  }
0x44e: {  	[sflag:s3] =	ssyncset.done $0x0  }
0x44f: {  	s7 =	simm.s32 $0x3;
	[sflag:s3] =	ssyncadd.s32 $0xFFFFF000  }
0x450: {  	_ =	swait.ge [sflag:s7], $0x1000  }
0x451: {  	[sflag:s7] =	ssyncset.done $0x0  }
0x452: {  	s9 =	simm.s32 $0x4;
	[sflag:s7] =	ssyncadd.s32 $0xFFFFF000  }
0x453: {  	s22 =	simm.s32 $0x0;
	_ =	swait.ge [sflag:s9], $0x1000  }
0x454: {  	s29 =	sand.u32 $0xC00, s0;
	s3 =	sand.u32 $0x3FFFFF80, s22;
	[sflag:s9] =	ssyncset.done $0x0  }
0x455: {  	s3 =	sadd.s32 s29, s3;
	[sflag:s9] =	ssyncadd.s32 $0xFFFFF000  }
0x456: {  	v7 =	vld [tilespmem:s3+$0x2070]  }
0x457: {  	v8 =	vld [tilespmem:s3+$0x2000]  }
0x458: {  	v9 =	vld [tilespmem:s3+$0x2010]  }
0x459: {  	v10 =	vld [tilespmem:s3+$0x2020]  }
0x45a: {  	s1 =	sand.u32 $0xFFFFFF80, s22;
	v11 =	vld [tilespmem:s3+$0x2030]  }
0x45b: {  	s1 =	sadd.s32 s29, s1;
	v12 =	vld [tilespmem:s3+$0x2040]  }
0x45c: {  	v13 =	vld [tilespmem:s1+$0x4070]  }
0x45d: {  	v15 =	vld [tilespmem:s3+$0x2050]  }
0x45e: {  	v16 =	vld [tilespmem:s3+$0x2060]  }
0x45f: {  	v17 =	vld [tilespmem:s1+$0x4000]  }
0x460: {  	v18 =	vld [tilespmem:s1+$0x4010];
	v7 =	vshll.u32 v7, $0x4  }
0x461: {  	v19 =	vld [tilespmem:s1+$0x4020];
	v8 =	vshll.u32 v8, $0x4;
	v14 =	vadd.s32 v3, v7  }
0x462: {  	v20 =	vld [tilespmem:s1+$0x4030];
	v9 =	vshll.u32 v9, $0x4;
	v21 =	vadd.s32 v3, v8  }
0x463: {  	v22 =	vld [tilespmem:s1+$0x4040];
	v23 =	vadd.s32 v3, v9  }
0x464: {  	v24 =	vld [tilespmem:s1+$0x4050];
	v10 =	vshll.u32 v10, $0x4  }
0x465: {  	v26 =	vshll.u32 v11, $0x4;
	v11 =	vld [tilespmem:s1+$0x4060];
	v25 =	vadd.s32 v3, v10  }
0x466: {  	v28 =	vshll.u32 v12, $0x4;
	v27 =	vadd.s32 v3, v26;
	[tilespmem:v14+s16+$0x0] =	vst.idx.add.f32.msk $0xffff, v13  }
0x467: {  	v15 =	vshll.u32 v15, $0x4;
	v12 =	vadd.s32 v3, v28;
	[tilespmem:v21+s16+$0x0] =	vst.idx.add.f32.msk $0xffff, v17  }
0x468: {  	v48 =	vadd.s32 v3, v15;
	[tilespmem:v23+s16+$0x0] =	vst.idx.add.f32.msk $0xffff, v18  }
0x469: {  	v14 =	vadd.s32 v4, v7;
	v13 =	vld [tilespmem:s1+$0x5070]  }
0x46a: {  	v16 =	vshll.u32 v16, $0x4;
	[tilespmem:v25+s16+$0x0] =	vst.idx.add.f32.msk $0xffff, v19  }
0x46b: {  	v49 =	vadd.s32 v3, v16;
	[tilespmem:v27+s16+$0x0] =	vst.idx.add.f32.msk $0xffff, v20  }
0x46c: {  	[tilespmem:v12+s16+$0x0] =	vst.idx.add.f32.msk $0xffff, v22  }
0x46d: {  	[tilespmem:v48+s16+$0x0] =	vst.idx.add.f32.msk $0xffff, v24  }
0x46e: {  	[tilespmem:v14+s16+$0x0] =	vst.idx.add.f32.msk $0xffff, v13  }
0x46f: {  	v14 =	vadd.s32 v5, v7;
	v13 =	vld [tilespmem:s1+$0x6070]  }
0x470: {  	[tilespmem:v49+s16+$0x0] =	vst.idx.add.f32.msk $0xffff, v11  }
0x471: {  	v11 =	vld [tilespmem:s1+$0x5010]  }
0x472: {  	v50 =	vld [tilespmem:s1+$0x5030]  }
0x473: {  	v53 =	vadd.s32 v4, v26;
	v52 =	vld [tilespmem:s1+$0x5040]  }
0x474: {  	v55 =	vadd.s32 v4, v28;
	[tilespmem:v14+s16+$0x0] =	vst.idx.add.f32.msk $0xffff, v13  }
0x475: {  	v7 =	vadd.s32 v6, v7;
	v13 =	vld [tilespmem:s1+$0x7070]  }
0x476: {  	v54 =	vld [tilespmem:s1+$0x5050]  }
0x477: {  	v56 =	vld [tilespmem:s1+$0x5060]  }
0x478: {  	[tilespmem:v53+s16+$0x0] =	vst.idx.add.f32.msk $0xffff, v50  }
0x479: {  	v57 =	vadd.s32 v4, v15;
	[tilespmem:v55+s16+$0x0] =	vst.idx.add.f32.msk $0xffff, v52  }
0x47a: {  	[tilespmem:v7+s16+$0x0] =	vst.idx.add.f32.msk $0xffff, v13  }
0x47b: {  	v12 =	vadd.s32 v4, v8;
	v7 =	vld [tilespmem:s1+$0x5000]  }
0x47c: {  	v59 =	vadd.s32 v5, v26;
	v17 =	vld [tilespmem:s1+$0x6030]  }
0x47d: {  	v60 =	vadd.s32 v5, v28;
	v19 =	vld [tilespmem:s1+$0x6040]  }
0x47e: {  	[tilespmem:v57+s16+$0x0] =	vst.idx.add.f32.msk $0xffff, v54;
	v14 =	vadd.s32 v4, v9  }
0x47f: {  	v21 =	vld [tilespmem:s1+$0x6050]  }
0x480: {  	[tilespmem:v12+s16+$0x0] =	vst.idx.add.f32.msk $0xffff, v7;
	v7 =	vadd.s32 v4, v16  }
0x481: {  	[tilespmem:v59+s16+$0x0] =	vst.idx.add.f32.msk $0xffff, v17  }
0x482: {  	[tilespmem:v60+s16+$0x0] =	vst.idx.add.f32.msk $0xffff, v19  }
0x483: {  	v61 =	vadd.s32 v5, v15;
	[tilespmem:v14+s16+$0x0] =	vst.idx.add.f32.msk $0xffff, v11  }
0x484: {  	v51 =	vadd.s32 v4, v10;
	v13 =	vld [tilespmem:s1+$0x5020]  }
0x485: {  	[tilespmem:v7+s16+$0x0] =	vst.idx.add.f32.msk $0xffff, v56  }
0x486: {  	v12 =	vadd.s32 v5, v8;
	v7 =	vld [tilespmem:s1+$0x6000]  }
0x487: {  	v14 =	vadd.s32 v5, v9;
	v11 =	vld [tilespmem:s1+$0x6010]  }
0x488: {  	[tilespmem:v61+s16+$0x0] =	vst.idx.add.f32.msk $0xffff, v21  }
0x489: {  	[tilespmem:v51+s16+$0x0] =	vst.idx.add.f32.msk $0xffff, v13  }
0x48a: {  	v23 =	vld [tilespmem:s1+$0x6060]  }
0x48b: {  	[tilespmem:v12+s16+$0x0] =	vst.idx.add.f32.msk $0xffff, v7;
	v7 =	vadd.s32 v5, v16  }
0x48c: {  	[tilespmem:v14+s16+$0x0] =	vst.idx.add.f32.msk $0xffff, v11  }
0x48d: {  	v58 =	vadd.s32 v5, v10;
	v13 =	vld [tilespmem:s1+$0x6020]  }
0x48e: {  	v14 =	vld [tilespmem:s1+$0x7030]  }
0x48f: {  	v62 =	vld [tilespmem:s1+$0x7010]  }
0x490: {  	v9 =	vadd.s32 v6, v9;
	[tilespmem:v7+s16+$0x0] =	vst.idx.add.f32.msk $0xffff, v23  }
0x491: {  	v8 =	vadd.s32 v6, v8;
	v7 =	vld [tilespmem:s1+$0x7000]  }
0x492: {  	[tilespmem:v58+s16+$0x0] =	vst.idx.add.f32.msk $0xffff, v13  }
0x493: {  	v13 =	vld [tilespmem:s1+$0x7040]  }
0x494: {  	v63 =	vadd.s32 v6, v10;
	v18 =	vld [tilespmem:s1+$0x7020]  }
0x495: {  	v10 =	vadd.s32 v6, v26;
	[tilespmem:v9+s16+$0x0] =	vst.idx.add.f32.msk $0xffff, v62  }
0x496: {  	[tilespmem:v8+s16+$0x0] =	vst.idx.add.f32.msk $0xffff, v7;
	v8 =	vadd.s32 v6, v28  }
0x497: {  	v9 =	vadd.s32 v6, v15;
	v12 =	vld [tilespmem:s1+$0x7050]  }
0x498: {  	v11 =	vld [tilespmem:s1+$0x7060];
	v7 =	vadd.s32 v6, v16  }
0x499: {  	s2 =	simm.s32 $0x0;
	[tilespmem:v63+s16+$0x0] =	vst.idx.add.f32.msk $0xffff, v18  }
.LBB2_13:
0x49a: {  	s2 =	sadd.s32 $0x8, s2;
	[tilespmem:v10+s16+$0x0] =	vst.idx.add.f32.msk $0xffff, v14  }
0x49b: {  	s0 =	sadd.s32 $0x400, s0;
	s1 =	sshll.u32 s2, $0x2;
	p0 =	slt.u32 s2, $0xF8;
	[tilespmem:v8+s16+$0x0] =	vst.idx.add.f32.msk $0xffff, v13  }
0x49c: {  	s3 =	sand.u32 $0xC00, s0;
	s7 =	sand.u32 $0x3FFFFF80, s1;
	[tilespmem:v9+s16+$0x0] =	vst.idx.add.f32.msk $0xffff, v12  }
0x49d: {  	s9 =	sadd.s32 s3, s7;
	[tilespmem:v7+s16+$0x0] =	vst.idx.add.f32.msk $0xffff, v11  }
0x49e: {  	v7 =	vld [tilespmem:s9+$0x2070]  }
0x49f: {  	v8 =	vld [tilespmem:s9+$0x2000]  }
0x4a0: {  	v9 =	vld [tilespmem:s9+$0x2010]  }
0x4a1: {  	v10 =	vld [tilespmem:s9+$0x2020]  }
0x4a2: {  	s1 =	sand.u32 $0xFFFFFF80, s1;
	v11 =	vld [tilespmem:s9+$0x2030]  }
0x4a3: {  	s7 =	sadd.s32 s3, s1;
	v12 =	vld [tilespmem:s9+$0x2040];
	v13 =	vshll.u32 v7, $0x4  }
0x4a4: {  	v7 =	vshll.u32 v8, $0x4;
	v8 =	vld [tilespmem:s7+$0x4070];
	v14 =	vadd.s32 v3, v13  }
0x4a5: {  	v15 =	vadd.s32 v3, v7;
	v16 =	vadd.s32 v4, v7;
	v9 =	vshll.u32 v9, $0x4;
	v17 =	vld [tilespmem:s9+$0x2050]  }
0x4a6: {  	v18 =	vadd.s32 v3, v9;
	v19 =	vadd.s32 v4, v9;
	v10 =	vshll.u32 v10, $0x4;
	v20 =	vld [tilespmem:s9+$0x2060]  }
0x4a7: {  	v21 =	vld [tilespmem:s7+$0x4000];
	v22 =	vadd.s32 v3, v10;
	v23 =	vadd.s32 v4, v10;
	v11 =	vshll.u32 v11, $0x4  }
0x4a8: {  	v24 =	vld [tilespmem:s7+$0x4010];
	v25 =	vadd.s32 v3, v11;
	v26 =	vadd.s32 v4, v11;
	v12 =	vshll.u32 v12, $0x4  }
0x4a9: {  	v27 =	vadd.s32 v3, v12;
	v28 =	vadd.s32 v4, v12;
	[tilespmem:v14+s16+$0x0] =	vst.idx.add.f32.msk $0xffff, v8  }
0x4aa: {  	v29 =	vadd.s32 v4, v13;
	v14 =	vadd.s32 v5, v7;
	v17 =	vshll.u32 v17, $0x4;
	v8 =	vld [tilespmem:s7+$0x5070]  }
0x4ab: {  	v30 =	vld [tilespmem:s7+$0x4020];
	v31 =	vadd.s32 v3, v17;
	v32 =	vadd.s32 v4, v17;
	v20 =	vshll.u32 v20, $0x4  }
0x4ac: {  	v33 =	vadd.s32 v5, v9;
	v34 =	vld [tilespmem:s7+$0x4030];
	v35 =	vadd.s32 v3, v20;
	v36 =	vadd.s32 v4, v20  }
0x4ad: {  	v37 =	vadd.s32 v5, v10;
	v38 =	vadd.s32 v5, v11;
	v40 =	vadd.s32 v5, v12;
	v39 =	vld [tilespmem:s7+$0x4040]  }
0x4ae: {  	v41 =	vadd.s32 v6, v7;
	v43 =	vadd.s32 v5, v17;
	v44 =	vadd.s32 v5, v20;
	v42 =	vld [tilespmem:s7+$0x4050]  }
0x4af: {  	v45 =	vadd.s32 v6, v9;
	v46 =	vadd.s32 v6, v10;
	[tilespmem:v29+s16+$0x0] =	vst.idx.add.f32.msk $0xffff, v8  }
0x4b0: {  	v10 =	vadd.s32 v6, v11;
	v8 =	vadd.s32 v6, v12;
	v12 =	vadd.s32 v5, v13;
	v11 =	vld [tilespmem:s7+$0x6070]  }
0x4b1: {  	v9 =	vadd.s32 v6, v17;
	v7 =	vadd.s32 v6, v20;
	v17 =	vld [tilespmem:s7+$0x4060]  }
0x4b2: {  	[tilespmem:v15+s16+$0x0] =	vst.idx.add.f32.msk $0xffff, v21  }
0x4b3: {  	[tilespmem:v18+s16+$0x0] =	vst.idx.add.f32.msk $0xffff, v24  }
0x4b4: {  	[tilespmem:v22+s16+$0x0] =	vst.idx.add.f32.msk $0xffff, v30  }
0x4b5: {  	[tilespmem:v12+s16+$0x0] =	vst.idx.add.f32.msk $0xffff, v11  }
0x4b6: {  	v12 =	vadd.s32 v6, v13;
	v11 =	vld [tilespmem:s7+$0x7070]  }
0x4b7: {  	[tilespmem:v25+s16+$0x0] =	vst.idx.add.f32.msk $0xffff, v34  }
0x4b8: {  	[tilespmem:v27+s16+$0x0] =	vst.idx.add.f32.msk $0xffff, v39  }
0x4b9: {  	[tilespmem:v31+s16+$0x0] =	vst.idx.add.f32.msk $0xffff, v42  }
0x4ba: {  	[tilespmem:v35+s16+$0x0] =	vst.idx.add.f32.msk $0xffff, v17  }
0x4bb: {  	[tilespmem:v12+s16+$0x0] =	vst.idx.add.f32.msk $0xffff, v11  }
0x4bc: {  	v11 =	vld [tilespmem:s7+$0x5000]  }
0x4bd: {  	v12 =	vld [tilespmem:s7+$0x5010]  }
0x4be: {  	v13 =	vld [tilespmem:s7+$0x5020]  }
0x4bf: {  	v15 =	vld [tilespmem:s7+$0x5030]  }
0x4c0: {  	v17 =	vld [tilespmem:s7+$0x5040]  }
0x4c1: {  	v18 =	vld [tilespmem:s7+$0x5050]  }
0x4c2: {  	v20 =	vld [tilespmem:s7+$0x5060]  }
0x4c3: {  	[tilespmem:v16+s16+$0x0] =	vst.idx.add.f32.msk $0xffff, v11  }
0x4c4: {  	[tilespmem:v19+s16+$0x0] =	vst.idx.add.f32.msk $0xffff, v12  }
0x4c5: {  	[tilespmem:v23+s16+$0x0] =	vst.idx.add.f32.msk $0xffff, v13  }
0x4c6: {  	[tilespmem:v26+s16+$0x0] =	vst.idx.add.f32.msk $0xffff, v15  }
0x4c7: {  	[tilespmem:v28+s16+$0x0] =	vst.idx.add.f32.msk $0xffff, v17  }
0x4c8: {  	[tilespmem:v32+s16+$0x0] =	vst.idx.add.f32.msk $0xffff, v18  }
0x4c9: {  	[tilespmem:v36+s16+$0x0] =	vst.idx.add.f32.msk $0xffff, v20  }
0x4ca: {  	v11 =	vld [tilespmem:s7+$0x6000]  }
0x4cb: {  	v12 =	vld [tilespmem:s7+$0x6010]  }
0x4cc: {  	v13 =	vld [tilespmem:s7+$0x6020]  }
0x4cd: {  	v15 =	vld [tilespmem:s7+$0x6030]  }
0x4ce: {  	v16 =	vld [tilespmem:s7+$0x6040]  }
0x4cf: {  	v17 =	vld [tilespmem:s7+$0x6050]  }
0x4d0: {  	v18 =	vld [tilespmem:s7+$0x6060]  }
0x4d1: {  	[tilespmem:v14+s16+$0x0] =	vst.idx.add.f32.msk $0xffff, v11  }
0x4d2: {  	[tilespmem:v33+s16+$0x0] =	vst.idx.add.f32.msk $0xffff, v12  }
0x4d3: {  	[tilespmem:v37+s16+$0x0] =	vst.idx.add.f32.msk $0xffff, v13  }
0x4d4: {  	[tilespmem:v38+s16+$0x0] =	vst.idx.add.f32.msk $0xffff, v15  }
0x4d5: {  	[tilespmem:v40+s16+$0x0] =	vst.idx.add.f32.msk $0xffff, v16  }
0x4d6: {  	[tilespmem:v43+s16+$0x0] =	vst.idx.add.f32.msk $0xffff, v17  }
0x4d7: {  	[tilespmem:v44+s16+$0x0] =	vst.idx.add.f32.msk $0xffff, v18  }
0x4d8: {  	v15 =	vld [tilespmem:s7+$0x7000]  }
0x4d9: {  	v16 =	vld [tilespmem:s7+$0x7010]  }
0x4da: {  	v17 =	vld [tilespmem:s7+$0x7020]  }
0x4db: {  	v14 =	vld [tilespmem:s7+$0x7030]  }
0x4dc: {  	v13 =	vld [tilespmem:s7+$0x7040]  }
.Ltmp7:
0x4dd: {  	v12 =	vld [tilespmem:s7+$0x7050];
	(pc) =	sbr.rel @p0 .LBB2_13-.Ltmp7, $4  }
0x4de: {  	v11 =	vld [tilespmem:s7+$0x7060]  }
0x4df: {  	[tilespmem:v41+s16+$0x0] =	vst.idx.add.f32.msk $0xffff, v15  }
0x4e0: {  	[tilespmem:v45+s16+$0x0] =	vst.idx.add.f32.msk $0xffff, v16  }
0x4e1: {  	[tilespmem:v46+s16+$0x0] =	vst.idx.add.f32.msk $0xffff, v17  }
0x4e2: {  	_ =	sdelay $0x1  }
0x4e3: {  	p0 =	seq.s32 s26, $0x17  }
0x4e4: {  	s0 =	sadd.s32 @!p0 s28, s15  }
0x4e5: {  	[tilespmem:v10+s16+$0x0] =	vst.idx.add.f32.msk $0xffff, v14;
	s0 =	sshll.u32 @!p0 s0, $0x12  }
0x4e6: {  	[tilespmem:v8+s16+$0x0] =	vst.idx.add.f32.msk $0xffff, v13;
	s0 =	sor.u32 @!p0 s4, s0  }
0x4e7: {  	[tilespmem:v9+s16+$0x0] =	vst.idx.add.f32.msk $0xffff, v12;
	s0 =	sshrl.u32 @!p0 s0, $0x3  }
0x4e8: {  	[tilespmem:v7+s16+$0x0] =	vst.idx.add.f32.msk $0xffff, v11;
	s1 =	simm.s32 @!p0 $0x0;
	s2 =	simm.s32 @!p0 $0x4000;
	s0 =	sadd.s32 @!p0 s13, s0  }
0x4e9: {  	[tilespmem:s2], [sflag:$0x1] =	stream.linear.gather @!p0 [hbm4b:s0+s1], $0x1000, $0x38;
	[tilespmem:$0x18400] =	vst v63  }
0x4ea: {  	s0 =	sadd.s32 @!p0 s28, s30  }
0x4eb: {  	s0 =	sshll.u32 @!p0 s0, $0x12  }
0x4ec: {  	s0 =	sor.u32 @!p0 s4, s0  }
0x4ed: {  	s0 =	sshrl.u32 @!p0 s0, $0x3  }
0x4ee: {  	s2 =	simm.s32 @!p0 $0x5000;
	s0 =	sadd.s32 @!p0 s13, s0  }
0x4ef: {  	[tilespmem:s2], [sflag:$0x2] =	stream.linear.gather @!p0 [hbm4b:s0+s1], $0x1000, $0x38;
	[tilespmem:$0x18400] =	vst v63  }
0x4f0: {  	s0 =	sadd.s32 @!p0 s28, s31  }
0x4f1: {  	s0 =	sshll.u32 @!p0 s0, $0x12  }
0x4f2: {  	s0 =	sor.u32 @!p0 s4, s0  }
0x4f3: {  	s0 =	sshrl.u32 @!p0 s0, $0x3  }
0x4f4: {  	s2 =	simm.s32 @!p0 $0x6000;
	s0 =	sadd.s32 @!p0 s13, s0  }
0x4f5: {  	[tilespmem:s2], [sflag:$0x3] =	stream.linear.gather @!p0 [hbm4b:s0+s1], $0x1000, $0x38;
	[tilespmem:$0x18400] =	vst v63  }
0x4f6: {  	s0 =	rddreg [dreg:$0x10]  }
0x4f7: {  	s0 =	sadd.s32 @!p0 s28, s0  }
0x4f8: {  	s0 =	sshll.u32 @!p0 s0, $0x12  }
0x4f9: {  	s0 =	sor.u32 @!p0 s4, s0  }
0x4fa: {  	s0 =	sshrl.u32 @!p0 s0, $0x3  }
0x4fb: {  	s2 =	simm.s32 @!p0 $0x7000;
	s0 =	sadd.s32 @!p0 s13, s0  }
0x4fc: {  	[tilespmem:s2], [sflag:$0x4] =	stream.linear.gather @!p0 [hbm4b:s0+s1], $0x1000, $0x38;
	[tilespmem:$0x18400] =	vst v63  }
0x4fd: {  	_ =	swait.ge [sflag:s23], $0x1000  }
0x4fe: {  	[sflag:s23] =	ssyncset.done $0x0  }
0x4ff: {  	[sflag:s23] =	ssyncadd.s32 $0xFFFFF000  }
0x500: {  	_ =	swait.ge [sflag:s24], $0x1000  }
0x501: {  	[sflag:s24] =	ssyncset.done $0x0  }
0x502: {  	[sflag:s24] =	ssyncadd.s32 $0xFFFFF000  }
0x503: {  	_ =	swait.ge [sflag:s25], $0x1000  }
0x504: {  	[sflag:s25] =	ssyncset.done $0x0  }
0x505: {  	[sflag:s25] =	ssyncadd.s32 $0xFFFFF000  }
0x506: {  	s22 =	simm.s32 $0x0;
	s0 =	simm.s32 $0x0;
	_ =	swait.ge [sflag:s6], $0x1000  }
0x507: {  	s3 =	sand.u32 $0x3FFFFF80, s22;
	s29 =	sand.u32 $0xC00, s0;
	[sflag:s6] =	ssyncset.done $0x0  }
0x508: {  	s3 =	sadd.s32 s29, s3;
	[sflag:s6] =	ssyncadd.s32 $0xFFFFF000  }
0x509: {  	v7 =	vld [tilespmem:s3+$0x3070]  }
0x50a: {  	v8 =	vld [tilespmem:s3+$0x3000]  }
0x50b: {  	v9 =	vld [tilespmem:s3+$0x3010]  }
0x50c: {  	v10 =	vld [tilespmem:s3+$0x3020]  }
0x50d: {  	s1 =	sand.u32 $0xFFFFFF80, s22;
	v11 =	vld [tilespmem:s3+$0x3030]  }
0x50e: {  	s1 =	sadd.s32 s29, s1;
	v12 =	vld [tilespmem:s3+$0x3040]  }
0x50f: {  	v13 =	vld [tilespmem:s1+$0x8070]  }
0x510: {  	v15 =	vld [tilespmem:s3+$0x3050]  }
0x511: {  	v16 =	vld [tilespmem:s3+$0x3060]  }
0x512: {  	v17 =	vld [tilespmem:s1+$0x8000]  }
0x513: {  	v18 =	vld [tilespmem:s1+$0x8010];
	v7 =	vshll.u32 v7, $0x4  }
0x514: {  	v19 =	vld [tilespmem:s1+$0x8020];
	v8 =	vshll.u32 v8, $0x4;
	v14 =	vadd.s32 v3, v7  }
0x515: {  	v20 =	vld [tilespmem:s1+$0x8030];
	v9 =	vshll.u32 v9, $0x4;
	v21 =	vadd.s32 v3, v8  }
0x516: {  	v22 =	vld [tilespmem:s1+$0x8040];
	v23 =	vadd.s32 v3, v9  }
0x517: {  	v24 =	vld [tilespmem:s1+$0x8050];
	v10 =	vshll.u32 v10, $0x4  }
0x518: {  	v26 =	vshll.u32 v11, $0x4;
	v11 =	vld [tilespmem:s1+$0x8060];
	v25 =	vadd.s32 v3, v10  }
0x519: {  	v28 =	vshll.u32 v12, $0x4;
	v27 =	vadd.s32 v3, v26;
	[tilespmem:v14+s16+$0x0] =	vst.idx.add.f32.msk $0xffff, v13  }
0x51a: {  	v15 =	vshll.u32 v15, $0x4;
	v12 =	vadd.s32 v3, v28;
	[tilespmem:v21+s16+$0x0] =	vst.idx.add.f32.msk $0xffff, v17  }
0x51b: {  	v48 =	vadd.s32 v3, v15;
	[tilespmem:v23+s16+$0x0] =	vst.idx.add.f32.msk $0xffff, v18  }
0x51c: {  	v14 =	vadd.s32 v4, v7;
	v13 =	vld [tilespmem:s1+$0x9070]  }
0x51d: {  	v16 =	vshll.u32 v16, $0x4;
	[tilespmem:v25+s16+$0x0] =	vst.idx.add.f32.msk $0xffff, v19  }
0x51e: {  	v49 =	vadd.s32 v3, v16;
	[tilespmem:v27+s16+$0x0] =	vst.idx.add.f32.msk $0xffff, v20  }
0x51f: {  	[tilespmem:v12+s16+$0x0] =	vst.idx.add.f32.msk $0xffff, v22  }
0x520: {  	[tilespmem:v48+s16+$0x0] =	vst.idx.add.f32.msk $0xffff, v24  }
0x521: {  	[tilespmem:v14+s16+$0x0] =	vst.idx.add.f32.msk $0xffff, v13  }
0x522: {  	v14 =	vadd.s32 v5, v7;
	v13 =	vld [tilespmem:s1+$0xA070]  }
0x523: {  	[tilespmem:v49+s16+$0x0] =	vst.idx.add.f32.msk $0xffff, v11  }
0x524: {  	v11 =	vld [tilespmem:s1+$0x9010]  }
0x525: {  	v50 =	vld [tilespmem:s1+$0x9030]  }
0x526: {  	v53 =	vadd.s32 v4, v26;
	v52 =	vld [tilespmem:s1+$0x9040]  }
0x527: {  	v55 =	vadd.s32 v4, v28;
	[tilespmem:v14+s16+$0x0] =	vst.idx.add.f32.msk $0xffff, v13  }
0x528: {  	v7 =	vadd.s32 v6, v7;
	v13 =	vld [tilespmem:s1+$0xB070]  }
0x529: {  	v54 =	vld [tilespmem:s1+$0x9050]  }
0x52a: {  	v56 =	vld [tilespmem:s1+$0x9060]  }
0x52b: {  	[tilespmem:v53+s16+$0x0] =	vst.idx.add.f32.msk $0xffff, v50  }
0x52c: {  	v57 =	vadd.s32 v4, v15;
	[tilespmem:v55+s16+$0x0] =	vst.idx.add.f32.msk $0xffff, v52  }
0x52d: {  	[tilespmem:v7+s16+$0x0] =	vst.idx.add.f32.msk $0xffff, v13  }
0x52e: {  	v12 =	vadd.s32 v4, v8;
	v7 =	vld [tilespmem:s1+$0x9000]  }
0x52f: {  	v59 =	vadd.s32 v5, v26;
	v17 =	vld [tilespmem:s1+$0xA030]  }
0x530: {  	v60 =	vadd.s32 v5, v28;
	v19 =	vld [tilespmem:s1+$0xA040]  }
0x531: {  	[tilespmem:v57+s16+$0x0] =	vst.idx.add.f32.msk $0xffff, v54;
	v14 =	vadd.s32 v4, v9  }
0x532: {  	v21 =	vld [tilespmem:s1+$0xA050]  }
0x533: {  	[tilespmem:v12+s16+$0x0] =	vst.idx.add.f32.msk $0xffff, v7;
	v7 =	vadd.s32 v4, v16  }
0x534: {  	[tilespmem:v59+s16+$0x0] =	vst.idx.add.f32.msk $0xffff, v17  }
0x535: {  	[tilespmem:v60+s16+$0x0] =	vst.idx.add.f32.msk $0xffff, v19  }
0x536: {  	v61 =	vadd.s32 v5, v15;
	[tilespmem:v14+s16+$0x0] =	vst.idx.add.f32.msk $0xffff, v11  }
0x537: {  	v51 =	vadd.s32 v4, v10;
	v13 =	vld [tilespmem:s1+$0x9020]  }
0x538: {  	[tilespmem:v7+s16+$0x0] =	vst.idx.add.f32.msk $0xffff, v56  }
0x539: {  	v12 =	vadd.s32 v5, v8;
	v7 =	vld [tilespmem:s1+$0xA000]  }
0x53a: {  	v14 =	vadd.s32 v5, v9;
	v11 =	vld [tilespmem:s1+$0xA010]  }
0x53b: {  	[tilespmem:v61+s16+$0x0] =	vst.idx.add.f32.msk $0xffff, v21  }
0x53c: {  	[tilespmem:v51+s16+$0x0] =	vst.idx.add.f32.msk $0xffff, v13  }
0x53d: {  	v23 =	vld [tilespmem:s1+$0xA060]  }
0x53e: {  	[tilespmem:v12+s16+$0x0] =	vst.idx.add.f32.msk $0xffff, v7;
	v7 =	vadd.s32 v5, v16  }
0x53f: {  	[tilespmem:v14+s16+$0x0] =	vst.idx.add.f32.msk $0xffff, v11  }
0x540: {  	v58 =	vadd.s32 v5, v10;
	v13 =	vld [tilespmem:s1+$0xA020]  }
0x541: {  	v14 =	vld [tilespmem:s1+$0xB030]  }
0x542: {  	v62 =	vld [tilespmem:s1+$0xB010]  }
0x543: {  	v9 =	vadd.s32 v6, v9;
	[tilespmem:v7+s16+$0x0] =	vst.idx.add.f32.msk $0xffff, v23  }
0x544: {  	v8 =	vadd.s32 v6, v8;
	v7 =	vld [tilespmem:s1+$0xB000]  }
0x545: {  	[tilespmem:v58+s16+$0x0] =	vst.idx.add.f32.msk $0xffff, v13  }
0x546: {  	v13 =	vld [tilespmem:s1+$0xB040]  }
0x547: {  	v63 =	vadd.s32 v6, v10;
	v18 =	vld [tilespmem:s1+$0xB020]  }
0x548: {  	v10 =	vadd.s32 v6, v26;
	[tilespmem:v9+s16+$0x0] =	vst.idx.add.f32.msk $0xffff, v62  }
0x549: {  	[tilespmem:v8+s16+$0x0] =	vst.idx.add.f32.msk $0xffff, v7;
	v7 =	vadd.s32 v6, v28  }
0x54a: {  	v9 =	vadd.s32 v6, v15;
	v12 =	vld [tilespmem:s1+$0xB050]  }
0x54b: {  	v11 =	vld [tilespmem:s1+$0xB060];
	v8 =	vadd.s32 v6, v16  }
0x54c: {  	s2 =	simm.s32 $0x0;
	[tilespmem:v63+s16+$0x0] =	vst.idx.add.f32.msk $0xffff, v18  }
.LBB2_15:
0x54d: {  	s2 =	sadd.s32 $0x8, s2;
	[tilespmem:v10+s16+$0x0] =	vst.idx.add.f32.msk $0xffff, v14  }
0x54e: {  	s0 =	sadd.s32 $0x400, s0;
	s1 =	sshll.u32 s2, $0x2;
	p1 =	slt.u32 s2, $0xF8;
	[tilespmem:v7+s16+$0x0] =	vst.idx.add.f32.msk $0xffff, v13  }
0x54f: {  	s3 =	sand.u32 $0xC00, s0;
	s7 =	sand.u32 $0x3FFFFF80, s1;
	[tilespmem:v9+s16+$0x0] =	vst.idx.add.f32.msk $0xffff, v12  }
0x550: {  	s9 =	sadd.s32 s3, s7;
	[tilespmem:v8+s16+$0x0] =	vst.idx.add.f32.msk $0xffff, v11  }
0x551: {  	v7 =	vld [tilespmem:s9+$0x3070]  }
0x552: {  	v8 =	vld [tilespmem:s9+$0x3000]  }
0x553: {  	v9 =	vld [tilespmem:s9+$0x3010]  }
0x554: {  	v10 =	vld [tilespmem:s9+$0x3020]  }
0x555: {  	s1 =	sand.u32 $0xFFFFFF80, s1;
	v11 =	vld [tilespmem:s9+$0x3030]  }
0x556: {  	s7 =	sadd.s32 s3, s1;
	v12 =	vld [tilespmem:s9+$0x3040];
	v13 =	vshll.u32 v7, $0x4  }
0x557: {  	v7 =	vshll.u32 v8, $0x4;
	v8 =	vld [tilespmem:s7+$0x8070];
	v14 =	vadd.s32 v3, v13  }
0x558: {  	v15 =	vadd.s32 v3, v7;
	v16 =	vadd.s32 v4, v7;
	v9 =	vshll.u32 v9, $0x4;
	v17 =	vld [tilespmem:s9+$0x3050]  }
0x559: {  	v18 =	vadd.s32 v3, v9;
	v19 =	vadd.s32 v4, v9;
	v10 =	vshll.u32 v10, $0x4;
	v20 =	vld [tilespmem:s9+$0x3060]  }
0x55a: {  	v21 =	vld [tilespmem:s7+$0x8000];
	v22 =	vadd.s32 v3, v10;
	v23 =	vadd.s32 v4, v10;
	v11 =	vshll.u32 v11, $0x4  }
0x55b: {  	v24 =	vld [tilespmem:s7+$0x8010];
	v25 =	vadd.s32 v3, v11;
	v26 =	vadd.s32 v4, v11;
	v12 =	vshll.u32 v12, $0x4  }
0x55c: {  	v27 =	vadd.s32 v3, v12;
	v28 =	vadd.s32 v4, v12;
	[tilespmem:v14+s16+$0x0] =	vst.idx.add.f32.msk $0xffff, v8  }
0x55d: {  	v29 =	vadd.s32 v4, v13;
	v14 =	vadd.s32 v5, v7;
	v8 =	vshll.u32 v17, $0x4;
	v17 =	vld [tilespmem:s7+$0x9070]  }
0x55e: {  	v30 =	vld [tilespmem:s7+$0x8020];
	v31 =	vadd.s32 v3, v8;
	v32 =	vadd.s32 v4, v8;
	v20 =	vshll.u32 v20, $0x4  }
0x55f: {  	v33 =	vadd.s32 v5, v9;
	v34 =	vld [tilespmem:s7+$0x8030];
	v35 =	vadd.s32 v3, v20;
	v36 =	vadd.s32 v4, v20  }
0x560: {  	v37 =	vadd.s32 v5, v10;
	v38 =	vadd.s32 v5, v11;
	v40 =	vadd.s32 v5, v12;
	v39 =	vld [tilespmem:s7+$0x8040]  }
0x561: {  	v41 =	vadd.s32 v6, v7;
	v43 =	vadd.s32 v5, v8;
	v44 =	vadd.s32 v5, v20;
	v42 =	vld [tilespmem:s7+$0x8050]  }
0x562: {  	v45 =	vadd.s32 v6, v9;
	v46 =	vadd.s32 v6, v10;
	[tilespmem:v29+s16+$0x0] =	vst.idx.add.f32.msk $0xffff, v17  }
0x563: {  	v10 =	vadd.s32 v6, v11;
	v7 =	vadd.s32 v6, v12;
	v12 =	vadd.s32 v5, v13;
	v11 =	vld [tilespmem:s7+$0xA070]  }
0x564: {  	v9 =	vadd.s32 v6, v8;
	v8 =	vadd.s32 v6, v20;
	v17 =	vld [tilespmem:s7+$0x8060]  }
0x565: {  	[tilespmem:v15+s16+$0x0] =	vst.idx.add.f32.msk $0xffff, v21  }
0x566: {  	[tilespmem:v18+s16+$0x0] =	vst.idx.add.f32.msk $0xffff, v24  }
0x567: {  	[tilespmem:v22+s16+$0x0] =	vst.idx.add.f32.msk $0xffff, v30  }
0x568: {  	[tilespmem:v12+s16+$0x0] =	vst.idx.add.f32.msk $0xffff, v11  }
0x569: {  	v12 =	vadd.s32 v6, v13;
	v11 =	vld [tilespmem:s7+$0xB070]  }
0x56a: {  	[tilespmem:v25+s16+$0x0] =	vst.idx.add.f32.msk $0xffff, v34  }
0x56b: {  	[tilespmem:v27+s16+$0x0] =	vst.idx.add.f32.msk $0xffff, v39  }
0x56c: {  	[tilespmem:v31+s16+$0x0] =	vst.idx.add.f32.msk $0xffff, v42  }
0x56d: {  	[tilespmem:v35+s16+$0x0] =	vst.idx.add.f32.msk $0xffff, v17  }
0x56e: {  	[tilespmem:v12+s16+$0x0] =	vst.idx.add.f32.msk $0xffff, v11  }
0x56f: {  	v11 =	vld [tilespmem:s7+$0x9000]  }
0x570: {  	v12 =	vld [tilespmem:s7+$0x9010]  }
0x571: {  	v13 =	vld [tilespmem:s7+$0x9020]  }
0x572: {  	v15 =	vld [tilespmem:s7+$0x9030]  }
0x573: {  	v17 =	vld [tilespmem:s7+$0x9040]  }
0x574: {  	v18 =	vld [tilespmem:s7+$0x9050]  }
0x575: {  	v20 =	vld [tilespmem:s7+$0x9060]  }
0x576: {  	[tilespmem:v16+s16+$0x0] =	vst.idx.add.f32.msk $0xffff, v11  }
0x577: {  	[tilespmem:v19+s16+$0x0] =	vst.idx.add.f32.msk $0xffff, v12  }
0x578: {  	[tilespmem:v23+s16+$0x0] =	vst.idx.add.f32.msk $0xffff, v13  }
0x579: {  	[tilespmem:v26+s16+$0x0] =	vst.idx.add.f32.msk $0xffff, v15  }
0x57a: {  	[tilespmem:v28+s16+$0x0] =	vst.idx.add.f32.msk $0xffff, v17  }
0x57b: {  	[tilespmem:v32+s16+$0x0] =	vst.idx.add.f32.msk $0xffff, v18  }
0x57c: {  	[tilespmem:v36+s16+$0x0] =	vst.idx.add.f32.msk $0xffff, v20  }
0x57d: {  	v11 =	vld [tilespmem:s7+$0xA000]  }
0x57e: {  	v12 =	vld [tilespmem:s7+$0xA010]  }
0x57f: {  	v13 =	vld [tilespmem:s7+$0xA020]  }
0x580: {  	v15 =	vld [tilespmem:s7+$0xA030]  }
0x581: {  	v16 =	vld [tilespmem:s7+$0xA040]  }
0x582: {  	v17 =	vld [tilespmem:s7+$0xA050]  }
0x583: {  	v18 =	vld [tilespmem:s7+$0xA060]  }
0x584: {  	[tilespmem:v14+s16+$0x0] =	vst.idx.add.f32.msk $0xffff, v11  }
0x585: {  	[tilespmem:v33+s16+$0x0] =	vst.idx.add.f32.msk $0xffff, v12  }
0x586: {  	[tilespmem:v37+s16+$0x0] =	vst.idx.add.f32.msk $0xffff, v13  }
0x587: {  	[tilespmem:v38+s16+$0x0] =	vst.idx.add.f32.msk $0xffff, v15  }
0x588: {  	[tilespmem:v40+s16+$0x0] =	vst.idx.add.f32.msk $0xffff, v16  }
0x589: {  	[tilespmem:v43+s16+$0x0] =	vst.idx.add.f32.msk $0xffff, v17  }
0x58a: {  	[tilespmem:v44+s16+$0x0] =	vst.idx.add.f32.msk $0xffff, v18  }
0x58b: {  	v15 =	vld [tilespmem:s7+$0xB000]  }
0x58c: {  	v16 =	vld [tilespmem:s7+$0xB010]  }
0x58d: {  	v17 =	vld [tilespmem:s7+$0xB020]  }
0x58e: {  	v14 =	vld [tilespmem:s7+$0xB030]  }
0x58f: {  	v13 =	vld [tilespmem:s7+$0xB040]  }
.Ltmp8:
0x590: {  	v12 =	vld [tilespmem:s7+$0xB050];
	(pc) =	sbr.rel @p1 .LBB2_15-.Ltmp8, $4  }
0x591: {  	v11 =	vld [tilespmem:s7+$0xB060]  }
0x592: {  	[tilespmem:v41+s16+$0x0] =	vst.idx.add.f32.msk $0xffff, v15  }
0x593: {  	[tilespmem:v45+s16+$0x0] =	vst.idx.add.f32.msk $0xffff, v16  }
0x594: {  	[tilespmem:v46+s16+$0x0] =	vst.idx.add.f32.msk $0xffff, v17  }
0x595: {  	_ =	sdelay $0x2  }
.Ltmp9:
0x596: {  	_ = 	snop;
	(pc) =	sbr.rel @p0 .LBB2_18-.Ltmp9, $4  }
0x597: {  	[tilespmem:v10+s16+$0x0] =	vst.idx.add.f32.msk $0xffff, v14  }
0x598: {  	[tilespmem:v7+s16+$0x0] =	vst.idx.add.f32.msk $0xffff, v13  }
0x599: {  	[tilespmem:v9+s16+$0x0] =	vst.idx.add.f32.msk $0xffff, v12  }
0x59a: {  	[tilespmem:v8+s16+$0x0] =	vst.idx.add.f32.msk $0xffff, v11  }
0x59b: {  	s0 =	sadd.s32 s28, s15  }
0x59c: {  	s0 =	sshll.u32 s0, $0x12  }
0x59d: {  	s0 =	sor.u32 s4, s0  }
0x59e: {  	s0 =	sshrl.u32 s0, $0x3  }
0x59f: {  	s0 =	sadd.s32 s0, s12  }
0x5a0: {  	[tilespmem:s11], [sflag:$0x5] =	stream.linear.gather [hbm4b:s0+s14], $0x1000, $0x38;
	[tilespmem:$0x18400] =	vst v63  }
0x5a1: {  	s11 =	sadd.s32 s28, s30  }
0x5a2: {  	s0 =	sshll.u32 s11, $0x12  }
0x5a3: {  	s0 =	sor.u32 s4, s0  }
0x5a4: {  	s0 =	sshrl.u32 s0, $0x3  }
0x5a5: {  	s22 =	sadd.s32 s28, s31;
	s0 =	sadd.s32 s0, s12  }
0x5a6: {  	[tilespmem:s19], [sflag:$0x6] =	stream.linear.gather [hbm4b:s0+s14], $0x1000, $0x38;
	[tilespmem:$0x18400] =	vst v63  }
0x5a7: {  	s0 =	sshll.u32 s22, $0x12  }
0x5a8: {  	s0 =	sor.u32 s4, s0  }
0x5a9: {  	s0 =	sshrl.u32 s0, $0x3  }
0x5aa: {  	s29 =	rddreg [dreg:$0x10];
	s0 =	sadd.s32 s0, s12  }
0x5ab: {  	[tilespmem:s20], [sflag:$0x7] =	stream.linear.gather [hbm4b:s0+s14], $0x1000, $0x38;
	[tilespmem:$0x18400] =	vst v63  }
0x5ac: {  	s0 =	sadd.s32 s28, s29  }
.Ltmp10:
0x5ad: {  	s0 =	sshll.u32 s0, $0x12;
	(pc) =	sbr.rel .LBB2_8-.Ltmp10, $4  }
0x5ae: {  	s0 =	sor.u32 s4, s0  }
0x5af: {  	s0 =	sshrl.u32 s0, $0x3  }
0x5b0: {  	s26 =	sadd.s32 $0x1, s26;
	s0 =	sadd.s32 s0, s12  }
0x5b1: {  	[tilespmem:s21], [sflag:$0x8] =	stream.linear.gather [hbm4b:s0+s14], $0x1000, $0x38;
	[tilespmem:$0x18400] =	vst v63  }
.LBB2_19:
0x5b2: {  	_ =	sfence.sel $0x180000  }
0x5b3: {  	[bflag:$0x0] =	sbarrier.arrive $0xFFFF  }
0x5b4: {  	_ =	strace $0x90000047  }
0x5b5: {  	s0 =	stileid.u32;
	[bflag:$0x2] =	sbarrier.arrive $0xFFFF  }
0x5b6: {  	p0 =	sne.s32 s0, $0x0;
	s0 =	rddreg [dreg:$0x3]  }
0x5b7: {  	s0 =	sadd.s32 @!p0 $0x100000, s0  }
0x5b8: {  	[sflag:s0] =	ssyncadd.tile.s32 @!p0 $0x1;
	_ =	shalt  }
.Lfunc_end2:
_tile_overlayer_lowered:
.L_overlay_start_2:
0x5b9: {  	(tag) =	ssettag $0x2  }
0x5ba: {  	s0 =	rddreg [dreg:$0x0];
	s2 =	stileid.u32  }
0x5bb: {  	s1 =	rddreg [dreg:$0x1];
	p0 =	sne.s32 s2, $0x0  }
0x5bc: {  	s3 =	rddreg [dreg:$0x2];
	[bflag:$0x3] =	sbarrier.arrive $0xFFFF;
	s2 =	simm.s32 @!p0 $0x1C09  }
0x5bd: {  	[timem:s3], [sflag:s2] =	dma.local @!p0 [hbm:s0], s1  }
0x5be: {  	s0 =	simm.s32 @!p0 $0x9  }
0x5bf: {  	_ =	swait.ge @!p0 [sflag:s0], s1  }
0x5c0: {  	s1 =	ssub.s32 @!p0 $0x0, s1;
	[sflag:s0] =	ssyncset.done @!p0 $0x0  }
0x5c1: {  	[sflag:s0] =	ssyncadd.s32 @!p0 s1  }
0x5c2: {  	[bflag:$0x3] =	sbarrier.arrive $0xFFFF  }
0x5c3: {  	_ =	shalt  }

</sc_bundles>
